<compile_context>
chip_gen: v7x
topology: tpu7x:2x2x1
jax: 0.10.2.dev20260603
libtpu: 0.0.44.dev20260713+nightly
codegen_flags: <defaults>
</compile_context>

<pallas_src>
import functools

import jax
import jax.numpy as jnp
from jax import lax
from jax.experimental import pallas as pl
from jax.experimental.pallas import tpu as pltpu
from jax.experimental.pallas import tpu_sc as plsc

N = 10000
E = 320000
D = 128

CW = 125
NCHUNK = E // CW
NC, NS = 2, 16
NP = 10240
ROWS_PER_TILE_N = NP // NS


def _mesh():
    return plsc.VectorSubcoreMesh(core_axis_name="c", subcore_axis_name="s")


SB = 16

_SC_SCRATCH = [
    pltpu.VMEM_SHARED((NP, D), jnp.float32),
    pltpu.VMEM((2, SB, CW), jnp.int32),
    pltpu.VMEM((3, SB, CW), jnp.int32),
    pltpu.VMEM((2, CW, D), jnp.float32),
    pltpu.SemaphoreType.DMA((2,)),
    pltpu.SemaphoreType.DMA((2,)),
    pltpu.SemaphoreType.DMA((2,)),
]


def _edge_pipeline(table_hbm, src_block, dst_block, acc, srcv, dstv, rowsv,
                   sg, si, ss, total):
    nblocks = total // SB

    def gather_desc(i):
        ob, j, b = i // SB, i % SB, i % 2
        return pltpu.make_async_copy(
            table_hbm.at[srcv.at[ob % 2, j]], rowsv.at[b], sg.at[b])

    def scatter_desc(i):
        ob, j, b = i // SB, i % SB, i % 2
        return pltpu.make_async_copy(
            rowsv.at[b], acc.at[dstv.at[ob % 3, j]], ss.at[b])

    pltpu.sync_copy(src_block(0), srcv.at[0])
    pltpu.sync_copy(dst_block(0), dstv.at[0])
    if nblocks > 1:
        pltpu.async_copy(src_block(1), srcv.at[1], si.at[1])
        pltpu.async_copy(dst_block(1), dstv.at[1], si.at[1])
    gather_desc(0).start()

    def body(i, carry):
        ob, j = i // SB, i % SB

        @pl.when(jnp.logical_and(i < total, j == 0))
        def _():
            p2, p3 = ob % 2, ob % 3
            pltpu.make_async_copy(src_block(ob), srcv.at[p2], si.at[p2]).wait()
            pltpu.make_async_copy(dst_block(ob), dstv.at[p3], si.at[p2]).wait()

        @pl.when(i < total)
        def _():
            @pl.when(i >= 2)
            def _():
                scatter_desc(i - 2).wait()
            gather_desc(i).start()

        ip = i - 1
        obp, jp, bp = ip // SB, ip % SB, ip % 2
        gather_desc(ip).wait()
        pltpu.async_copy(rowsv.at[bp], acc.at[dstv.at[obp % 3, jp]],
                         ss.at[bp], add=True)

        @pl.when(jnp.logical_and(
            jnp.logical_and(i < total, j == 0), ob + 1 < nblocks))
        def _():
            pn2, pn3 = (ob + 1) % 2, (ob + 1) % 3
            pltpu.async_copy(src_block(ob + 1), srcv.at[pn2], si.at[pn2])
            pltpu.async_copy(dst_block(ob + 1), dstv.at[pn3], si.at[pn2])

        return carry

    lax.fori_loop(1, total + 1, body, 0)
    scatter_desc(total - 2).wait()
    scatter_desc(total - 1).wait()


def _sc_pass_xh(x, h, src, dst, zeros):
    rows_per_tile = NCHUNK // NS

    @functools.partial(
        pl.kernel,
        out_type=jax.ShapeDtypeStruct((2, NP, D), jnp.float32),
        mesh=_mesh(),
        scratch_types=_SC_SCRATCH,
    )
    def k(x_hbm, h_hbm, src_hbm, dst_hbm, zeros_hbm, out_hbm,
          acc, srcv, dstv, rowsv, sg, si, ss):
        cid = lax.axis_index("c")
        sid = lax.axis_index("s")
        nslice = pl.ds(sid * ROWS_PER_TILE_N, ROWS_PER_TILE_N)
        ebase = sid * rows_per_tile
        src_block = lambda o: src_hbm.at[pl.ds(ebase + o * SB, SB)]
        dst_block = lambda o: dst_hbm.at[pl.ds(ebase + o * SB, SB)]
        pltpu.sync_copy(zeros_hbm, acc.at[nslice])
        plsc.subcore_barrier()

        @pl.when(cid == 0)
        def _():
            _edge_pipeline(x_hbm, src_block, dst_block,
                           acc, srcv, dstv, rowsv, sg, si, ss, rows_per_tile)

        @pl.when(cid == 1)
        def _():
            _edge_pipeline(h_hbm, src_block, dst_block,
                           acc, srcv, dstv, rowsv, sg, si, ss, rows_per_tile)

        plsc.subcore_barrier()
        pltpu.sync_copy(acc.at[nslice], out_hbm.at[cid, nslice])

    return k(x, h, src, dst, zeros)


def _sc_pass_hh(hh, src, dst, zeros):
    rows_per_tile = NCHUNK // (NC * NS)

    @functools.partial(
        pl.kernel,
        out_type=jax.ShapeDtypeStruct((2, NP, D), jnp.float32),
        mesh=_mesh(),
        scratch_types=_SC_SCRATCH,
    )
    def k(hh_hbm, src_hbm, dst_hbm, zeros_hbm, out_hbm,
          acc, srcv, dstv, rowsv, sg, si, ss):
        cid = lax.axis_index("c")
        sid = lax.axis_index("s")
        nslice = pl.ds(sid * ROWS_PER_TILE_N, ROWS_PER_TILE_N)
        pltpu.sync_copy(zeros_hbm, acc.at[nslice])
        ebase = (cid * NS + sid) * rows_per_tile
        plsc.subcore_barrier()

        _edge_pipeline(
            hh_hbm,
            lambda o: src_hbm.at[pl.ds(ebase + o * SB, SB)],
            lambda o: dst_hbm.at[pl.ds(ebase + o * SB, SB)],
            acc, srcv, dstv, rowsv, sg, si, ss, rows_per_tile)

        plsc.subcore_barrier()
        pltpu.sync_copy(acc.at[nslice], out_hbm.at[cid, nslice])

    return k(hh, src, dst, zeros)


_BLK = 1000


_dot = functools.partial(
    jnp.dot, preferred_element_type=jnp.float32, precision=lax.Precision.HIGHEST
)
_row_spec = pl.BlockSpec((_BLK, D), lambda i: (i, 0))
_w_spec = pl.BlockSpec((D, D), lambda i: (0, 0))
_b_spec = pl.BlockSpec((1, D), lambda i: (0, 0))
_ax_spec = pl.BlockSpec((1, _BLK, D), lambda i: (0, i, 0))
_ah_spec = pl.BlockSpec((1, _BLK, D), lambda i: (1, i, 0))


def _tc_r(aggxh, h, w_rx, w_rh, b_r):
    def body(ax, ah, h_ref, wrx, wrh, br, hh_out):
        r = jax.nn.sigmoid(
            _dot(ax[0], wrx[...]) + _dot(ah[0], wrh[...]) + br[...])
        hh_out[...] = r * h_ref[...]

    return pl.pallas_call(
        body,
        grid=(N // _BLK,),
        in_specs=[_ax_spec, _ah_spec, _row_spec, _w_spec, _w_spec, _b_spec],
        out_specs=_row_spec,
        out_shape=jax.ShapeDtypeStruct((N, D), jnp.float32),
    )(aggxh, aggxh, h, w_rx, w_rh, b_r)


def _tc_ucx(aggxh, w_ux, w_uh, w_cx, b_u, b_cx):
    def body(ax, ah, wux, wuh, wcx, bu, bcx, u_out, cxp_out):
        axv = ax[0]
        u_out[...] = jax.nn.sigmoid(
            _dot(axv, wux[...]) + _dot(ah[0], wuh[...]) + bu[...])
        cxp_out[...] = _dot(axv, wcx[...]) + bcx[...]

    return pl.pallas_call(
        body,
        grid=(N // _BLK,),
        in_specs=[_ax_spec, _ah_spec, _w_spec, _w_spec, _w_spec, _b_spec,
                  _b_spec],
        out_specs=[_row_spec, _row_spec],
        out_shape=[jax.ShapeDtypeStruct((N, D), jnp.float32)] * 2,
    )(aggxh, aggxh, w_ux, w_uh, w_cx, b_u, b_cx)


def _tc_final(cxp, parts, u, h, w_ch):
    def body(cxp_ref, p_ref, u_ref, h_ref, wch, out):
        agg = p_ref[0] + p_ref[1]
        c = jnp.tanh(cxp_ref[...] + _dot(agg, wch[...]))
        uv = u_ref[...]
        out[...] = uv * h_ref[...] + (1.0 - uv) * c

    p_spec = pl.BlockSpec((2, _BLK, D), lambda i: (0, i, 0))
    return pl.pallas_call(
        body,
        grid=(N // _BLK,),
        in_specs=[_row_spec, p_spec, _row_spec, _row_spec, _w_spec],
        out_specs=_row_spec,
        out_shape=jax.ShapeDtypeStruct((N, D), jnp.float32),
    )(cxp, parts, u, h, w_ch)


def kernel(x, h, edge_index, W_rx, b_rx, W_rh, b_rh, W_ux, b_ux, W_uh, b_uh,
           W_cx, b_cx, W_ch, b_ch):
    src = edge_index[0]
    dst = edge_index[1]
    srcr = src.reshape(NCHUNK, CW)
    dstr = dst.reshape(NCHUNK, CW)
    zeros = jnp.zeros((ROWS_PER_TILE_N, D), jnp.float32)

    aggxh = _sc_pass_xh(x, h, srcr, dstr, zeros)

    b_r = (b_rx + b_rh).reshape(1, D)
    b_u = (b_ux + b_uh).reshape(1, D)
    b_c = (b_cx + b_ch).reshape(1, D)
    hh = _tc_r(aggxh, h, W_rx, W_rh, b_r)
    u, cxp = _tc_ucx(aggxh, W_ux, W_uh, W_cx, b_u, b_c)

    parts = _sc_pass_hh(hh, srcr, dstr, zeros)

    return _tc_final(cxp, parts, u, h, W_ch)

# --- scband reference (transcript-rebuilt; emitter-appended) ---
"""Pipeline reference for scband-graph-grucell-43568148250638 (READ-ONLY COPY).

The authoritative reference and input builder live on the scoring server;
editing this copy changes nothing except your own understanding.
"""

import jax, jax.numpy as jnp
import numpy as np

N = 10000
E = 320000
D = 128


def _gconv(feat, src, dst, W, b):
    # GraphConv-style message passing: gather source features,
    # scatter-add into destination nodes, then linear projection.
    msg = feat[src]                                  # gather  [E, D]
    agg = jax.ops.segment_sum(msg, dst, num_segments=N)  # scatter-add [N, D]
    return agg @ W + b


def setup_inputs(seed: int = 0) -> dict:
    key = jax.random.key(seed)
    ks = jax.random.split(key, 20)
    scale = 1.0 / np.sqrt(D)
    inp = {}
    inp["x"] = jax.random.normal(ks[0], (N, D), dtype=jnp.float32)
    inp["h"] = jax.random.normal(ks[1], (N, D), dtype=jnp.float32)
    inp["edge_index"] = jax.random.randint(ks[2], (2, E), 0, N, dtype=jnp.int32)
    names = ["rx", "rh", "ux", "uh", "cx", "ch"]
    for i, nm in enumerate(names):
        inp["W_" + nm] = jax.random.normal(ks[3 + i], (D, D), dtype=jnp.float32) * scale
        inp["b_" + nm] = jnp.zeros((D,), dtype=jnp.float32)
    return inp


def reference(x, h, edge_index, W_rx, b_rx, W_rh, b_rh, W_ux, b_ux, W_uh, b_uh, W_cx, b_cx, W_ch, b_ch):
    src = edge_index[0]
    dst = edge_index[1]
    r = jax.nn.sigmoid(_gconv(x, src, dst, W_rx, b_rx) + _gconv(h, src, dst, W_rh, b_rh))
    u = jax.nn.sigmoid(_gconv(x, src, dst, W_ux, b_ux) + _gconv(h, src, dst, W_uh, b_uh))
    h_ = r * h
    c = jnp.tanh(_gconv(x, src, dst, W_cx, b_cx) + _gconv(h_, src, dst, W_ch, b_ch))
    new_h = u * h + (1.0 - u) * c
    return new_h

if __name__ == "__main__":
    import jax
    _d = setup_inputs()
    print(jax.jit(kernel)(*tuple(_d.values())))

</pallas_src>

<mosaic_0001>
#map = affine_map<(d0, d1) -> (0, 0)>
#map1 = affine_map<(d0, d1) -> (0, 0, 0)>
module attributes {stable_mosaic.version = 14 : i64} {
  func.func @k(%arg0: i32, %arg1: i32, %arg2: memref<10000x128xf32, #tpu.memory_space<hbm>>, %arg3: memref<10000x128xf32, #tpu.memory_space<hbm>>, %arg4: memref<2560x125xi32, #tpu.memory_space<hbm>>, %arg5: memref<2560x125xi32, #tpu.memory_space<hbm>>, %arg6: memref<640x128xf32, #tpu.memory_space<hbm>>, %arg7: memref<2x10240x128xf32, #tpu.memory_space<hbm>>, %arg8: memref<10240x128xf32, #tpu.memory_space<vmem_shared>>, %arg9: memref<2x16x125xi32, #tpu.memory_space<vmem>>, %arg10: memref<3x16x125xi32, #tpu.memory_space<vmem>>, %arg11: memref<2x125x128xf32, #tpu.memory_space<vmem>>, %arg12: memref<2x!tpu.dma_semaphore, #tpu.memory_space<semaphore_mem>>, %arg13: memref<2x!tpu.dma_semaphore, #tpu.memory_space<semaphore_mem>>, %arg14: memref<2x!tpu.dma_semaphore, #tpu.memory_space<semaphore_mem>>) attributes {dimension_semantics = [#tpu.dimension_semantics<core_parallel>, #tpu.dimension_semantics<subcore_parallel>], iteration_bounds = array<i64: 2, 16>, scalar_prefetch = 0 : i64, scratch_operands = 7 : i64, tpu.core_type = #tpu.core_type<sc_vector_subcore>, window_params = [{transform_indices = #map}, {transform_indices = #map}, {transform_indices = #map}, {transform_indices = #map}, {transform_indices = #map}, {transform_indices = #map1}]} {
    %mul3A = arith.constant 640 : i32
    %mul3A_0 = arith.muli %arg1, %mul3A : i32
    %mul3A_1 = arith.constant 160 : i32
    %mul3A_2 = arith.muli %arg1, %mul3A_1 : i32
    "tpu.region"() ({
      %run_scoped3A = tpu.sem_alloc : memref<!tpu.dma_semaphore, #tpu.memory_space<semaphore_mem>>
      %dma_start3A = arith.constant 0 : i32
      %dma_start3A_11 = tpu.memref_slice %arg8[%mul3A_0, %dma_start3A] : memref<10240x128xf32, #tpu.memory_space<vmem_shared>> -> memref<640x128xf32, #tpu.memory_space<vmem_shared>>
      tpu.enqueue_dma source(%arg6 : memref<640x128xf32, #tpu.memory_space<hbm>>) target(%dma_start3A_11 : memref<640x128xf32, #tpu.memory_space<vmem_shared>>) target_semaphore(%run_scoped3A : memref<!tpu.dma_semaphore, #tpu.memory_space<semaphore_mem>>)
      %dma_wait3A = arith.constant 0 : i32
      %dma_wait3A_12 = tpu.memref_slice %arg8[%mul3A_0, %dma_wait3A] : memref<10240x128xf32, #tpu.memory_space<vmem_shared>> -> memref<640x128xf32, #tpu.memory_space<vmem_shared>>
      tpu.wait_dma2 semaphore(%run_scoped3A : memref<!tpu.dma_semaphore, #tpu.memory_space<semaphore_mem>>) src(%arg6 : memref<640x128xf32, #tpu.memory_space<hbm>>) dst(%dma_wait3A_12 : memref<640x128xf32, #tpu.memory_space<vmem_shared>>)
      tpu.yield
    }) : () -> ()
    %barrier3A = arith.constant 0 : index
    tpu.barrier barrier_id(%barrier3A)
    %eq3A = arith.constant 0 : i32
    %eq3A_3 = arith.cmpi eq, %arg0, %eq3A : i32
    %convert_element_type3A = arith.extui %eq3A_3 : i1 to i32
    %cond3A = arith.constant 0 : i32
    %cond3A_4 = arith.cmpi ne, %convert_element_type3A, %cond3A : i32
    scf.if %cond3A_4 {
      %add3A = arith.constant 0 : i32
      %add3A_11 = arith.addi %mul3A_2, %add3A : i32
      %run_scoped3A = arith.constant 0 : i32
      "tpu.region"() ({
        %run_scoped3A_102 = tpu.sem_alloc : memref<!tpu.dma_semaphore, #tpu.memory_space<semaphore_mem>>
        %dma_start3A_103 = arith.constant 0 : i32
        %dma_start3A_104 = arith.constant 0 : i32
        %dma_start3A_105 = tpu.memref_slice %arg9[%run_scoped3A, %dma_start3A_103, %dma_start3A_104] : memref<2x16x125xi32, #tpu.memory_space<vmem>> -> memref<1x16x125xi32, #tpu.memory_space<vmem>>
        %dma_start3A_106 = tpu.memref_squeeze %dma_start3A_105 : memref<1x16x125xi32, #tpu.memory_space<vmem>> -> memref<16x125xi32, #tpu.memory_space<vmem>>
        %dma_start3A_107 = arith.constant 0 : i32
        %dma_start3A_108 = tpu.memref_slice %arg4[%add3A_11, %dma_start3A_107] : memref<2560x125xi32, #tpu.memory_space<hbm>> -> memref<16x125xi32, #tpu.memory_space<hbm>>
        %dma_start3A_109 = arith.constant 0 : i32
        %dma_start3A_110 = arith.constant 0 : i32
        %dma_start3A_111 = tpu.memref_slice %arg9[%run_scoped3A, %dma_start3A_109, %dma_start3A_110] : memref<2x16x125xi32, #tpu.memory_space<vmem>> -> memref<1x16x125xi32, #tpu.memory_space<vmem>>
        %dma_start3A_112 = tpu.memref_squeeze %dma_start3A_111 : memref<1x16x125xi32, #tpu.memory_space<vmem>> -> memref<16x125xi32, #tpu.memory_space<vmem>>
        %dma_start3A_113 = arith.constant 0 : i32
        %dma_start3A_114 = tpu.memref_slice %arg4[%add3A_11, %dma_start3A_113] : memref<2560x125xi32, #tpu.memory_space<hbm>> -> memref<16x125xi32, #tpu.memory_space<hbm>>
        tpu.enqueue_dma source(%dma_start3A_114 : memref<16x125xi32, #tpu.memory_space<hbm>>) target(%dma_start3A_112 : memref<16x125xi32, #tpu.memory_space<vmem>>) target_semaphore(%run_scoped3A_102 : memref<!tpu.dma_semaphore, #tpu.memory_space<semaphore_mem>>)
        %dma_wait3A_115 = arith.constant 0 : i32
        %dma_wait3A_116 = arith.constant 0 : i32
        %dma_wait3A_117 = tpu.memref_slice %arg9[%run_scoped3A, %dma_wait3A_115, %dma_wait3A_116] : memref<2x16x125xi32, #tpu.memory_space<vmem>> -> memref<1x16x125xi32, #tpu.memory_space<vmem>>
        %dma_wait3A_118 = tpu.memref_squeeze %dma_wait3A_117 : memref<1x16x125xi32, #tpu.memory_space<vmem>> -> memref<16x125xi32, #tpu.memory_space<vmem>>
        %dma_wait3A_119 = arith.constant 0 : i32
        %dma_wait3A_120 = tpu.memref_slice %arg4[%add3A_11, %dma_wait3A_119] : memref<2560x125xi32, #tpu.memory_space<hbm>> -> memref<16x125xi32, #tpu.memory_space<hbm>>
        %dma_wait3A_121 = arith.constant 0 : i32
        %dma_wait3A_122 = arith.constant 0 : i32
        %dma_wait3A_123 = tpu.memref_slice %arg9[%run_scoped3A, %dma_wait3A_121, %dma_wait3A_122] : memref<2x16x125xi32, #tpu.memory_space<vmem>> -> memref<1x16x125xi32, #tpu.memory_space<vmem>>
        %dma_wait3A_124 = tpu.memref_squeeze %dma_wait3A_123 : memref<1x16x125xi32, #tpu.memory_space<vmem>> -> memref<16x125xi32, #tpu.memory_space<vmem>>
        %dma_wait3A_125 = arith.constant 0 : i32
        %dma_wait3A_126 = tpu.memref_slice %arg4[%add3A_11, %dma_wait3A_125] : memref<2560x125xi32, #tpu.memory_space<hbm>> -> memref<16x125xi32, #tpu.memory_space<hbm>>
        tpu.wait_dma2 semaphore(%run_scoped3A_102 : memref<!tpu.dma_semaphore, #tpu.memory_space<semaphore_mem>>) src(%dma_wait3A_126 : memref<16x125xi32, #tpu.memory_space<hbm>>) dst(%dma_wait3A_124 : memref<16x125xi32, #tpu.memory_space<vmem>>)
        tpu.yield
      }) : () -> ()
      %add3A_12 = arith.constant 0 : i32
      %add3A_13 = arith.addi %mul3A_2, %add3A_12 : i32
      %run_scoped3A_14 = arith.constant 0 : i32
      "tpu.region"() ({
        %run_scoped3A_102 = tpu.sem_alloc : memref<!tpu.dma_semaphore, #tpu.memory_space<semaphore_mem>>
        %dma_start3A_103 = arith.constant 0 : i32
        %dma_start3A_104 = arith.constant 0 : i32
        %dma_start3A_105 = tpu.memref_slice %arg10[%run_scoped3A_14, %dma_start3A_103, %dma_start3A_104] : memref<3x16x125xi32, #tpu.memory_space<vmem>> -> memref<1x16x125xi32, #tpu.memory_space<vmem>>
        %dma_start3A_106 = tpu.memref_squeeze %dma_start3A_105 : memref<1x16x125xi32, #tpu.memory_space<vmem>> -> memref<16x125xi32, #tpu.memory_space<vmem>>
        %dma_start3A_107 = arith.constant 0 : i32
        %dma_start3A_108 = tpu.memref_slice %arg5[%add3A_13, %dma_start3A_107] : memref<2560x125xi32, #tpu.memory_space<hbm>> -> memref<16x125xi32, #tpu.memory_space<hbm>>
        %dma_start3A_109 = arith.constant 0 : i32
        %dma_start3A_110 = arith.constant 0 : i32
        %dma_start3A_111 = tpu.memref_slice %arg10[%run_scoped3A_14, %dma_start3A_109, %dma_start3A_110] : memref<3x16x125xi32, #tpu.memory_space<vmem>> -> memref<1x16x125xi32, #tpu.memory_space<vmem>>
        %dma_start3A_112 = tpu.memref_squeeze %dma_start3A_111 : memref<1x16x125xi32, #tpu.memory_space<vmem>> -> memref<16x125xi32, #tpu.memory_space<vmem>>
        %dma_start3A_113 = arith.constant 0 : i32
        %dma_start3A_114 = tpu.memref_slice %arg5[%add3A_13, %dma_start3A_113] : memref<2560x125xi32, #tpu.memory_space<hbm>> -> memref<16x125xi32, #tpu.memory_space<hbm>>
        tpu.enqueue_dma source(%dma_start3A_114 : memref<16x125xi32, #tpu.memory_space<hbm>>) target(%dma_start3A_112 : memref<16x125xi32, #tpu.memory_space<vmem>>) target_semaphore(%run_scoped3A_102 : memref<!tpu.dma_semaphore, #tpu.memory_space<semaphore_mem>>)
        %dma_wait3A_115 = arith.constant 0 : i32
        %dma_wait3A_116 = arith.constant 0 : i32
        %dma_wait3A_117 = tpu.memref_slice %arg10[%run_scoped3A_14, %dma_wait3A_115, %dma_wait3A_116] : memref<3x16x125xi32, #tpu.memory_space<vmem>> -> memref<1x16x125xi32, #tpu.memory_space<vmem>>
        %dma_wait3A_118 = tpu.memref_squeeze %dma_wait3A_117 : memref<1x16x125xi32, #tpu.memory_space<vmem>> -> memref<16x125xi32, #tpu.memory_space<vmem>>
        %dma_wait3A_119 = arith.constant 0 : i32
        %dma_wait3A_120 = tpu.memref_slice %arg5[%add3A_13, %dma_wait3A_119] : memref<2560x125xi32, #tpu.memory_space<hbm>> -> memref<16x125xi32, #tpu.memory_space<hbm>>
        %dma_wait3A_121 = arith.constant 0 : i32
        %dma_wait3A_122 = arith.constant 0 : i32
        %dma_wait3A_123 = tpu.memref_slice %arg10[%run_scoped3A_14, %dma_wait3A_121, %dma_wait3A_122] : memref<3x16x125xi32, #tpu.memory_space<vmem>> -> memref<1x16x125xi32, #tpu.memory_space<vmem>>
        %dma_wait3A_124 = tpu.memref_squeeze %dma_wait3A_123 : memref<1x16x125xi32, #tpu.memory_space<vmem>> -> memref<16x125xi32, #tpu.memory_space<vmem>>
        %dma_wait3A_125 = arith.constant 0 : i32
        %dma_wait3A_126 = tpu.memref_slice %arg5[%add3A_13, %dma_wait3A_125] : memref<2560x125xi32, #tpu.memory_space<hbm>> -> memref<16x125xi32, #tpu.memory_space<hbm>>
        tpu.wait_dma2 semaphore(%run_scoped3A_102 : memref<!tpu.dma_semaphore, #tpu.memory_space<semaphore_mem>>) src(%dma_wait3A_126 : memref<16x125xi32, #tpu.memory_space<hbm>>) dst(%dma_wait3A_124 : memref<16x125xi32, #tpu.memory_space<vmem>>)
        tpu.yield
      }) : () -> ()
      %add3A_15 = arith.constant 16 : i32
      %add3A_16 = arith.addi %mul3A_2, %add3A_15 : i32
      %dma_start3A = arith.constant 1 : i32
      %dma_start3A_17 = arith.constant 1 : i32
      %dma_start3A_18 = arith.constant 0 : i32
      %dma_start3A_19 = arith.constant 0 : i32
      %dma_start3A_20 = tpu.memref_slice %arg9[%dma_start3A, %dma_start3A_18, %dma_start3A_19] : memref<2x16x125xi32, #tpu.memory_space<vmem>> -> memref<1x16x125xi32, #tpu.memory_space<vmem>>
      %dma_start3A_21 = tpu.memref_squeeze %dma_start3A_20 : memref<1x16x125xi32, #tpu.memory_space<vmem>> -> memref<16x125xi32, #tpu.memory_space<vmem>>
      %dma_start3A_22 = arith.constant 0 : i32
      %dma_start3A_23 = tpu.memref_slice %arg4[%add3A_16, %dma_start3A_22] : memref<2560x125xi32, #tpu.memory_space<hbm>> -> memref<16x125xi32, #tpu.memory_space<hbm>>
      %dma_start3A_24 = tpu.memref_slice %arg13[%dma_start3A_17] : memref<2x!tpu.dma_semaphore, #tpu.memory_space<semaphore_mem>> -> memref<1x!tpu.dma_semaphore, #tpu.memory_space<semaphore_mem>>
      %dma_start3A_25 = tpu.memref_squeeze %dma_start3A_24 : memref<1x!tpu.dma_semaphore, #tpu.memory_space<semaphore_mem>> -> memref<!tpu.dma_semaphore, #tpu.memory_space<semaphore_mem>>
      %dma_start3A_26 = arith.constant 0 : i32
      %dma_start3A_27 = arith.constant 0 : i32
      %dma_start3A_28 = tpu.memref_slice %arg9[%dma_start3A, %dma_start3A_26, %dma_start3A_27] : memref<2x16x125xi32, #tpu.memory_space<vmem>> -> memref<1x16x125xi32, #tpu.memory_space<vmem>>
      %dma_start3A_29 = tpu.memref_squeeze %dma_start3A_28 : memref<1x16x125xi32, #tpu.memory_space<vmem>> -> memref<16x125xi32, #tpu.memory_space<vmem>>
      %dma_start3A_30 = arith.constant 0 : i32
      %dma_start3A_31 = tpu.memref_slice %arg4[%add3A_16, %dma_start3A_30] : memref<2560x125xi32, #tpu.memory_space<hbm>> -> memref<16x125xi32, #tpu.memory_space<hbm>>
      tpu.enqueue_dma source(%dma_start3A_31 : memref<16x125xi32, #tpu.memory_space<hbm>>) target(%dma_start3A_29 : memref<16x125xi32, #tpu.memory_space<vmem>>) target_semaphore(%dma_start3A_25 : memref<!tpu.dma_semaphore, #tpu.memory_space<semaphore_mem>>)
      %add3A_32 = arith.constant 16 : i32
      %add3A_33 = arith.addi %mul3A_2, %add3A_32 : i32
      %dma_start3A_34 = arith.constant 1 : i32
      %dma_start3A_35 = arith.constant 1 : i32
      %dma_start3A_36 = arith.constant 0 : i32
      %dma_start3A_37 = arith.constant 0 : i32
      %dma_start3A_38 = tpu.memref_slice %arg10[%dma_start3A_34, %dma_start3A_36, %dma_start3A_37] : memref<3x16x125xi32, #tpu.memory_space<vmem>> -> memref<1x16x125xi32, #tpu.memory_space<vmem>>
      %dma_start3A_39 = tpu.memref_squeeze %dma_start3A_38 : memref<1x16x125xi32, #tpu.memory_space<vmem>> -> memref<16x125xi32, #tpu.memory_space<vmem>>
      %dma_start3A_40 = arith.constant 0 : i32
      %dma_start3A_41 = tpu.memref_slice %arg5[%add3A_33, %dma_start3A_40] : memref<2560x125xi32, #tpu.memory_space<hbm>> -> memref<16x125xi32, #tpu.memory_space<hbm>>
      %dma_start3A_42 = tpu.memref_slice %arg13[%dma_start3A_35] : memref<2x!tpu.dma_semaphore, #tpu.memory_space<semaphore_mem>> -> memref<1x!tpu.dma_semaphore, #tpu.memory_space<semaphore_mem>>
      %dma_start3A_43 = tpu.memref_squeeze %dma_start3A_42 : memref<1x!tpu.dma_semaphore, #tpu.memory_space<semaphore_mem>> -> memref<!tpu.dma_semaphore, #tpu.memory_space<semaphore_mem>>
      %dma_start3A_44 = arith.constant 0 : i32
      %dma_start3A_45 = arith.constant 0 : i32
      %dma_start3A_46 = tpu.memref_slice %arg10[%dma_start3A_34, %dma_start3A_44, %dma_start3A_45] : memref<3x16x125xi32, #tpu.memory_space<vmem>> -> memref<1x16x125xi32, #tpu.memory_space<vmem>>
      %dma_start3A_47 = tpu.memref_squeeze %dma_start3A_46 : memref<1x16x125xi32, #tpu.memory_space<vmem>> -> memref<16x125xi32, #tpu.memory_space<vmem>>
      %dma_start3A_48 = arith.constant 0 : i32
      %dma_start3A_49 = tpu.memref_slice %arg5[%add3A_33, %dma_start3A_48] : memref<2560x125xi32, #tpu.memory_space<hbm>> -> memref<16x125xi32, #tpu.memory_space<hbm>>
      tpu.enqueue_dma source(%dma_start3A_49 : memref<16x125xi32, #tpu.memory_space<hbm>>) target(%dma_start3A_47 : memref<16x125xi32, #tpu.memory_space<vmem>>) target_semaphore(%dma_start3A_43 : memref<!tpu.dma_semaphore, #tpu.memory_space<semaphore_mem>>)
      %dma_start3A_50 = arith.constant 0 : i32
      %dma_start3A_51 = arith.constant 0 : i32
      %dma_start3A_52 = arith.constant 0 : i32
      %dma_start3A_53 = arith.constant 0 : i32
      %dma_start3A_54 = arith.constant 0 : i32
      %dma_start3A_55 = arith.constant 0 : i32
      %dma_start3A_56 = tpu.memref_slice %arg11[%dma_start3A_52, %dma_start3A_54, %dma_start3A_55] : memref<2x125x128xf32, #tpu.memory_space<vmem>> -> memref<1x125x128xf32, #tpu.memory_space<vmem>>
      %dma_start3A_57 = tpu.memref_squeeze %dma_start3A_56 : memref<1x125x128xf32, #tpu.memory_space<vmem>> -> memref<125x128xf32, #tpu.memory_space<vmem>>
      %dma_start3A_58 = arith.constant 0 : i32
      %dma_start3A_59 = tpu.memref_slice %arg9[%dma_start3A_50, %dma_start3A_51, %dma_start3A_58] : memref<2x16x125xi32, #tpu.memory_space<vmem>> -> memref<1x1x125xi32, #tpu.memory_space<vmem>>
      %dma_start3A_60 = tpu.memref_squeeze %dma_start3A_59 : memref<1x1x125xi32, #tpu.memory_space<vmem>> -> memref<125xi32, #tpu.memory_space<vmem>>
      %dma_start3A_61 = arith.constant 0 : i32
      %dma_start3A_62 = arith.constant 0 : i32
      %dma_start3A_63 = tpu.memref_slice %arg2[%dma_start3A_61, %dma_start3A_62] : memref<10000x128xf32, #tpu.memory_space<hbm>> -> memref<10000x128xf32, #tpu.memory_space<hbm>>
      %dma_start3A_64 = tpu.memref_slice %arg12[%dma_start3A_53] : memref<2x!tpu.dma_semaphore, #tpu.memory_space<semaphore_mem>> -> memref<1x!tpu.dma_semaphore, #tpu.memory_space<semaphore_mem>>
      %dma_start3A_65 = tpu.memref_squeeze %dma_start3A_64 : memref<1x!tpu.dma_semaphore, #tpu.memory_space<semaphore_mem>> -> memref<!tpu.dma_semaphore, #tpu.memory_space<semaphore_mem>>
      tpu.enqueue_indirect_dma source(%dma_start3A_63 : memref<10000x128xf32, #tpu.memory_space<hbm>>) target(%dma_start3A_57 : memref<125x128xf32, #tpu.memory_space<vmem>>) offsets(%dma_start3A_60 : memref<125xi32, #tpu.memory_space<vmem>>) semaphore(%dma_start3A_65 : memref<!tpu.dma_semaphore, #tpu.memory_space<semaphore_mem>>)
      %scan3A = arith.constant 0 : i32
      %scan3A_66 = arith.constant 1 : i32
      %scan3A_67 = arith.constant 160 : i32
      %scan3A_68 = arith.addi %scan3A_66, %scan3A_67 : i32
      %scan3A_69 = arith.constant 1 : i32
      scf.for %scan3A_102 = %scan3A_66 to %scan3A_68 step %scan3A_69  : i32 {
        %jit3A = arith.constant 16 : i32
        %div3A = arith.divsi %scan3A_102, %jit3A : i32
        %sign3A = arith.constant 0 : i32
        %sign3A_103 = arith.cmpi sgt, %scan3A_102, %sign3A : i32
        %sign3A_104 = arith.extui %sign3A_103 : i1 to i32
        %sign3A_105 = arith.constant 0 : i32
        %sign3A_106 = arith.cmpi slt, %scan3A_102, %sign3A_105 : i32
        %sign3A_107 = arith.extui %sign3A_106 : i1 to i32
        %sign3A_108 = arith.subi %sign3A_104, %sign3A_107 : i32
        %sign3A_109 = arith.constant 0 : i32
        %sign3A_110 = arith.cmpi sgt, %jit3A, %sign3A_109 : i32
        %sign3A_111 = arith.extui %sign3A_110 : i1 to i32
        %sign3A_112 = arith.constant 0 : i32
        %sign3A_113 = arith.cmpi slt, %jit3A, %sign3A_112 : i32
        %sign3A_114 = arith.extui %sign3A_113 : i1 to i32
        %sign3A_115 = arith.subi %sign3A_111, %sign3A_114 : i32
        %ne3A = arith.cmpi ne, %sign3A_108, %sign3A_115 : i32
        %rem3A = arith.remsi %scan3A_102, %jit3A : i32
        %ne3A_116 = arith.constant 0 : i32
        %ne3A_117 = arith.cmpi ne, %rem3A, %ne3A_116 : i32
        %and3A = arith.andi %ne3A, %ne3A_117 : i1
        %sub3A = arith.constant 1 : i32
        %sub3A_118 = arith.subi %div3A, %sub3A : i32
        %select_n3A = arith.select %and3A, %sub3A_118, %div3A : i32
        %jit3A_119 = arith.constant 16 : i32
        %eq3A_120 = arith.constant 0 : i32
        %eq3A_121 = arith.cmpi eq, %jit3A_119, %eq3A_120 : i32
        %jit3A_122 = arith.constant 1 : i32
        %select_n3A_123 = arith.select %eq3A_121, %jit3A_122, %jit3A_119 : i32
        %rem3A_124 = arith.remsi %scan3A_102, %select_n3A_123 : i32
        %ne3A_125 = arith.constant 0 : i32
        %ne3A_126 = arith.cmpi ne, %rem3A_124, %ne3A_125 : i32
        %lt3A = arith.constant 0 : i32
        %lt3A_127 = arith.cmpi slt, %rem3A_124, %lt3A : i32
        %lt3A_128 = arith.constant 0 : i32
        %lt3A_129 = arith.cmpi slt, %select_n3A_123, %lt3A_128 : i32
        %ne3A_130 = arith.xori %lt3A_127, %lt3A_129 : i1
        %and3A_131 = arith.andi %ne3A_130, %ne3A_126 : i1
        %add3A_132 = arith.addi %rem3A_124, %select_n3A_123 : i32
        %select_n3A_133 = arith.select %and3A_131, %add3A_132, %rem3A_124 : i32
        %lt3A_134 = arith.constant 160 : i32
        %lt3A_135 = arith.cmpi slt, %scan3A_102, %lt3A_134 : i32
        %eq3A_136 = arith.constant 0 : i32
        %eq3A_137 = arith.cmpi eq, %select_n3A_133, %eq3A_136 : i32
        %and3A_138 = arith.andi %lt3A_135, %eq3A_137 : i1
        %convert_element_type3A_139 = arith.extui %and3A_138 : i1 to i32
        %cond3A_140 = arith.constant 0 : i32
        %cond3A_141 = arith.cmpi ne, %convert_element_type3A_139, %cond3A_140 : i32
        scf.if %cond3A_141 {
          %jit3A_330 = arith.constant 2 : i32
          %eq3A_331 = arith.constant 0 : i32
          %eq3A_332 = arith.cmpi eq, %jit3A_330, %eq3A_331 : i32
          %jit3A_333 = arith.constant 1 : i32
          %select_n3A_334 = arith.select %eq3A_332, %jit3A_333, %jit3A_330 : i32
          %rem3A_335 = arith.remsi %select_n3A, %select_n3A_334 : i32
          %ne3A_336 = arith.constant 0 : i32
          %ne3A_337 = arith.cmpi ne, %rem3A_335, %ne3A_336 : i32
          %lt3A_338 = arith.constant 0 : i32
          %lt3A_339 = arith.cmpi slt, %rem3A_335, %lt3A_338 : i32
          %lt3A_340 = arith.constant 0 : i32
          %lt3A_341 = arith.cmpi slt, %select_n3A_334, %lt3A_340 : i32
          %ne3A_342 = arith.xori %lt3A_339, %lt3A_341 : i1
          %and3A_343 = arith.andi %ne3A_342, %ne3A_337 : i1
          %add3A_344 = arith.addi %rem3A_335, %select_n3A_334 : i32
          %select_n3A_345 = arith.select %and3A_343, %add3A_344, %rem3A_335 : i32
          %jit3A_346 = arith.constant 3 : i32
          %eq3A_347 = arith.constant 0 : i32
          %eq3A_348 = arith.cmpi eq, %jit3A_346, %eq3A_347 : i32
          %jit3A_349 = arith.constant 1 : i32
          %select_n3A_350 = arith.select %eq3A_348, %jit3A_349, %jit3A_346 : i32
          %rem3A_351 = arith.remsi %select_n3A, %select_n3A_350 : i32
          %ne3A_352 = arith.constant 0 : i32
          %ne3A_353 = arith.cmpi ne, %rem3A_351, %ne3A_352 : i32
          %lt3A_354 = arith.constant 0 : i32
          %lt3A_355 = arith.cmpi slt, %rem3A_351, %lt3A_354 : i32
          %lt3A_356 = arith.constant 0 : i32
          %lt3A_357 = arith.cmpi slt, %select_n3A_350, %lt3A_356 : i32
          %ne3A_358 = arith.xori %lt3A_355, %lt3A_357 : i1
          %and3A_359 = arith.andi %ne3A_358, %ne3A_353 : i1
          %add3A_360 = arith.addi %rem3A_351, %select_n3A_350 : i32
          %select_n3A_361 = arith.select %and3A_359, %add3A_360, %rem3A_351 : i32
          %mul3A_362 = arith.constant 16 : i32
          %mul3A_363 = arith.muli %select_n3A, %mul3A_362 : i32
          %add3A_364 = arith.addi %mul3A_2, %mul3A_363 : i32
          %dma_wait3A_365 = arith.constant 0 : i32
          %dma_wait3A_366 = arith.constant 0 : i32
          %dma_wait3A_367 = tpu.memref_slice %arg9[%select_n3A_345, %dma_wait3A_365, %dma_wait3A_366] : memref<2x16x125xi32, #tpu.memory_space<vmem>> -> memref<1x16x125xi32, #tpu.memory_space<vmem>>
          %dma_wait3A_368 = tpu.memref_squeeze %dma_wait3A_367 : memref<1x16x125xi32, #tpu.memory_space<vmem>> -> memref<16x125xi32, #tpu.memory_space<vmem>>
          %dma_wait3A_369 = arith.constant 0 : i32
          %dma_wait3A_370 = tpu.memref_slice %arg4[%add3A_364, %dma_wait3A_369] : memref<2560x125xi32, #tpu.memory_space<hbm>> -> memref<16x125xi32, #tpu.memory_space<hbm>>
          %dma_wait3A_371 = tpu.memref_slice %arg13[%select_n3A_345] : memref<2x!tpu.dma_semaphore, #tpu.memory_space<semaphore_mem>> -> memref<1x!tpu.dma_semaphore, #tpu.memory_space<semaphore_mem>>
          %dma_wait3A_372 = tpu.memref_squeeze %dma_wait3A_371 : memref<1x!tpu.dma_semaphore, #tpu.memory_space<semaphore_mem>> -> memref<!tpu.dma_semaphore, #tpu.memory_space<semaphore_mem>>
          %dma_wait3A_373 = arith.constant 0 : i32
          %dma_wait3A_374 = arith.constant 0 : i32
          %dma_wait3A_375 = tpu.memref_slice %arg9[%select_n3A_345, %dma_wait3A_373, %dma_wait3A_374] : memref<2x16x125xi32, #tpu.memory_space<vmem>> -> memref<1x16x125xi32, #tpu.memory_space<vmem>>
          %dma_wait3A_376 = tpu.memref_squeeze %dma_wait3A_375 : memref<1x16x125xi32, #tpu.memory_space<vmem>> -> memref<16x125xi32, #tpu.memory_space<vmem>>
          %dma_wait3A_377 = arith.constant 0 : i32
          %dma_wait3A_378 = tpu.memref_slice %arg4[%add3A_364, %dma_wait3A_377] : memref<2560x125xi32, #tpu.memory_space<hbm>> -> memref<16x125xi32, #tpu.memory_space<hbm>>
          tpu.wait_dma2 semaphore(%dma_wait3A_372 : memref<!tpu.dma_semaphore, #tpu.memory_space<semaphore_mem>>) src(%dma_wait3A_378 : memref<16x125xi32, #tpu.memory_space<hbm>>) dst(%dma_wait3A_376 : memref<16x125xi32, #tpu.memory_space<vmem>>)
          %mul3A_379 = arith.constant 16 : i32
          %mul3A_380 = arith.muli %select_n3A, %mul3A_379 : i32
          %add3A_381 = arith.addi %mul3A_2, %mul3A_380 : i32
          %dma_wait3A_382 = arith.constant 0 : i32
          %dma_wait3A_383 = arith.constant 0 : i32
          %dma_wait3A_384 = tpu.memref_slice %arg10[%select_n3A_361, %dma_wait3A_382, %dma_wait3A_383] : memref<3x16x125xi32, #tpu.memory_space<vmem>> -> memref<1x16x125xi32, #tpu.memory_space<vmem>>
          %dma_wait3A_385 = tpu.memref_squeeze %dma_wait3A_384 : memref<1x16x125xi32, #tpu.memory_space<vmem>> -> memref<16x125xi32, #tpu.memory_space<vmem>>
          %dma_wait3A_386 = arith.constant 0 : i32
          %dma_wait3A_387 = tpu.memref_slice %arg5[%add3A_381, %dma_wait3A_386] : memref<2560x125xi32, #tpu.memory_space<hbm>> -> memref<16x125xi32, #tpu.memory_space<hbm>>
          %dma_wait3A_388 = tpu.memref_slice %arg13[%select_n3A_345] : memref<2x!tpu.dma_semaphore, #tpu.memory_space<semaphore_mem>> -> memref<1x!tpu.dma_semaphore, #tpu.memory_space<semaphore_mem>>
          %dma_wait3A_389 = tpu.memref_squeeze %dma_wait3A_388 : memref<1x!tpu.dma_semaphore, #tpu.memory_space<semaphore_mem>> -> memref<!tpu.dma_semaphore, #tpu.memory_space<semaphore_mem>>
          %dma_wait3A_390 = arith.constant 0 : i32
          %dma_wait3A_391 = arith.constant 0 : i32
          %dma_wait3A_392 = tpu.memref_slice %arg10[%select_n3A_361, %dma_wait3A_390, %dma_wait3A_391] : memref<3x16x125xi32, #tpu.memory_space<vmem>> -> memref<1x16x125xi32, #tpu.memory_space<vmem>>
          %dma_wait3A_393 = tpu.memref_squeeze %dma_wait3A_392 : memref<1x16x125xi32, #tpu.memory_space<vmem>> -> memref<16x125xi32, #tpu.memory_space<vmem>>
          %dma_wait3A_394 = arith.constant 0 : i32
          %dma_wait3A_395 = tpu.memref_slice %arg5[%add3A_381, %dma_wait3A_394] : memref<2560x125xi32, #tpu.memory_space<hbm>> -> memref<16x125xi32, #tpu.memory_space<hbm>>
          tpu.wait_dma2 semaphore(%dma_wait3A_389 : memref<!tpu.dma_semaphore, #tpu.memory_space<semaphore_mem>>) src(%dma_wait3A_395 : memref<16x125xi32, #tpu.memory_space<hbm>>) dst(%dma_wait3A_393 : memref<16x125xi32, #tpu.memory_space<vmem>>)
        } else {
        }
        %lt3A_142 = arith.constant 160 : i32
        %lt3A_143 = arith.cmpi slt, %scan3A_102, %lt3A_142 : i32
        %convert_element_type3A_144 = arith.extui %lt3A_143 : i1 to i32
        %cond3A_145 = arith.constant 0 : i32
        %cond3A_146 = arith.cmpi ne, %convert_element_type3A_144, %cond3A_145 : i32
        scf.if %cond3A_146 {
          %ge3A = arith.constant 2 : i32
          %ge3A_330 = arith.cmpi sge, %scan3A_102, %ge3A : i32
          %convert_element_type3A_331 = arith.extui %ge3A_330 : i1 to i32
          %cond3A_332 = arith.constant 0 : i32
          %cond3A_333 = arith.cmpi ne, %convert_element_type3A_331, %cond3A_332 : i32
          scf.if %cond3A_333 {
            %sub3A_418 = arith.constant 2 : i32
            %sub3A_419 = arith.subi %scan3A_102, %sub3A_418 : i32
            %jit3A_420 = arith.constant 16 : i32
            %div3A_421 = arith.divsi %sub3A_419, %jit3A_420 : i32
            %sign3A_422 = arith.constant 0 : i32
            %sign3A_423 = arith.cmpi sgt, %sub3A_419, %sign3A_422 : i32
            %sign3A_424 = arith.extui %sign3A_423 : i1 to i32
            %sign3A_425 = arith.constant 0 : i32
            %sign3A_426 = arith.cmpi slt, %sub3A_419, %sign3A_425 : i32
            %sign3A_427 = arith.extui %sign3A_426 : i1 to i32
            %sign3A_428 = arith.subi %sign3A_424, %sign3A_427 : i32
            %sign3A_429 = arith.constant 0 : i32
            %sign3A_430 = arith.cmpi sgt, %jit3A_420, %sign3A_429 : i32
            %sign3A_431 = arith.extui %sign3A_430 : i1 to i32
            %sign3A_432 = arith.constant 0 : i32
            %sign3A_433 = arith.cmpi slt, %jit3A_420, %sign3A_432 : i32
            %sign3A_434 = arith.extui %sign3A_433 : i1 to i32
            %sign3A_435 = arith.subi %sign3A_431, %sign3A_434 : i32
            %ne3A_436 = arith.cmpi ne, %sign3A_428, %sign3A_435 : i32
            %rem3A_437 = arith.remsi %sub3A_419, %jit3A_420 : i32
            %ne3A_438 = arith.constant 0 : i32
            %ne3A_439 = arith.cmpi ne, %rem3A_437, %ne3A_438 : i32
            %and3A_440 = arith.andi %ne3A_436, %ne3A_439 : i1
            %sub3A_441 = arith.constant 1 : i32
            %sub3A_442 = arith.subi %div3A_421, %sub3A_441 : i32
            %select_n3A_443 = arith.select %and3A_440, %sub3A_442, %div3A_421 : i32
            %jit3A_444 = arith.constant 16 : i32
            %eq3A_445 = arith.constant 0 : i32
            %eq3A_446 = arith.cmpi eq, %jit3A_444, %eq3A_445 : i32
            %jit3A_447 = arith.constant 1 : i32
            %select_n3A_448 = arith.select %eq3A_446, %jit3A_447, %jit3A_444 : i32
            %rem3A_449 = arith.remsi %sub3A_419, %select_n3A_448 : i32
            %ne3A_450 = arith.constant 0 : i32
            %ne3A_451 = arith.cmpi ne, %rem3A_449, %ne3A_450 : i32
            %lt3A_452 = arith.constant 0 : i32
            %lt3A_453 = arith.cmpi slt, %rem3A_449, %lt3A_452 : i32
            %lt3A_454 = arith.constant 0 : i32
            %lt3A_455 = arith.cmpi slt, %select_n3A_448, %lt3A_454 : i32
            %ne3A_456 = arith.xori %lt3A_453, %lt3A_455 : i1
            %and3A_457 = arith.andi %ne3A_456, %ne3A_451 : i1
            %add3A_458 = arith.addi %rem3A_449, %select_n3A_448 : i32
            %select_n3A_459 = arith.select %and3A_457, %add3A_458, %rem3A_449 : i32
            %jit3A_460 = arith.constant 2 : i32
            %eq3A_461 = arith.constant 0 : i32
            %eq3A_462 = arith.cmpi eq, %jit3A_460, %eq3A_461 : i32
            %jit3A_463 = arith.constant 1 : i32
            %select_n3A_464 = arith.select %eq3A_462, %jit3A_463, %jit3A_460 : i32
            %rem3A_465 = arith.remsi %sub3A_419, %select_n3A_464 : i32
            %ne3A_466 = arith.constant 0 : i32
            %ne3A_467 = arith.cmpi ne, %rem3A_465, %ne3A_466 : i32
            %lt3A_468 = arith.constant 0 : i32
            %lt3A_469 = arith.cmpi slt, %rem3A_465, %lt3A_468 : i32
            %lt3A_470 = arith.constant 0 : i32
            %lt3A_471 = arith.cmpi slt, %select_n3A_464, %lt3A_470 : i32
            %ne3A_472 = arith.xori %lt3A_469, %lt3A_471 : i1
            %and3A_473 = arith.andi %ne3A_472, %ne3A_467 : i1
            %add3A_474 = arith.addi %rem3A_465, %select_n3A_464 : i32
            %select_n3A_475 = arith.select %and3A_473, %add3A_474, %rem3A_465 : i32
            %jit3A_476 = arith.constant 3 : i32
            %eq3A_477 = arith.constant 0 : i32
            %eq3A_478 = arith.cmpi eq, %jit3A_476, %eq3A_477 : i32
            %jit3A_479 = arith.constant 1 : i32
            %select_n3A_480 = arith.select %eq3A_478, %jit3A_479, %jit3A_476 : i32
            %rem3A_481 = arith.remsi %select_n3A_443, %select_n3A_480 : i32
            %ne3A_482 = arith.constant 0 : i32
            %ne3A_483 = arith.cmpi ne, %rem3A_481, %ne3A_482 : i32
            %lt3A_484 = arith.constant 0 : i32
            %lt3A_485 = arith.cmpi slt, %rem3A_481, %lt3A_484 : i32
            %lt3A_486 = arith.constant 0 : i32
            %lt3A_487 = arith.cmpi slt, %select_n3A_480, %lt3A_486 : i32
            %ne3A_488 = arith.xori %lt3A_485, %lt3A_487 : i1
            %and3A_489 = arith.andi %ne3A_488, %ne3A_483 : i1
            %add3A_490 = arith.addi %rem3A_481, %select_n3A_480 : i32
            %select_n3A_491 = arith.select %and3A_489, %add3A_490, %rem3A_481 : i32
            %dma_wait3A_492 = arith.constant 0 : i32
            %dma_wait3A_493 = arith.constant 0 : i32
            %dma_wait3A_494 = tpu.memref_slice %arg11[%select_n3A_475, %dma_wait3A_492, %dma_wait3A_493] : memref<2x125x128xf32, #tpu.memory_space<vmem>> -> memref<1x125x128xf32, #tpu.memory_space<vmem>>
            %dma_wait3A_495 = tpu.memref_squeeze %dma_wait3A_494 : memref<1x125x128xf32, #tpu.memory_space<vmem>> -> memref<125x128xf32, #tpu.memory_space<vmem>>
            %dma_wait3A_496 = arith.constant 0 : i32
            %dma_wait3A_497 = tpu.memref_slice %arg10[%select_n3A_491, %select_n3A_459, %dma_wait3A_496] : memref<3x16x125xi32, #tpu.memory_space<vmem>> -> memref<1x1x125xi32, #tpu.memory_space<vmem>>
            %dma_wait3A_498 = tpu.memref_squeeze %dma_wait3A_497 : memref<1x1x125xi32, #tpu.memory_space<vmem>> -> memref<125xi32, #tpu.memory_space<vmem>>
            %dma_wait3A_499 = arith.constant 0 : i32
            %dma_wait3A_500 = arith.constant 0 : i32
            %dma_wait3A_501 = tpu.memref_slice %arg8[%dma_wait3A_499, %dma_wait3A_500] : memref<10240x128xf32, #tpu.memory_space<vmem_shared>> -> memref<10240x128xf32, #tpu.memory_space<vmem_shared>>
            %dma_wait3A_502 = tpu.memref_slice %arg14[%select_n3A_475] : memref<2x!tpu.dma_semaphore, #tpu.memory_space<semaphore_mem>> -> memref<1x!tpu.dma_semaphore, #tpu.memory_space<semaphore_mem>>
            %dma_wait3A_503 = tpu.memref_squeeze %dma_wait3A_502 : memref<1x!tpu.dma_semaphore, #tpu.memory_space<semaphore_mem>> -> memref<!tpu.dma_semaphore, #tpu.memory_space<semaphore_mem>>
            tpu.wait_indirect_dma semaphore(%dma_wait3A_503 : memref<!tpu.dma_semaphore, #tpu.memory_space<semaphore_mem>>) src(%dma_wait3A_495 : memref<125x128xf32, #tpu.memory_space<vmem>>) dst(%dma_wait3A_501 : memref<10240x128xf32, #tpu.memory_space<vmem_shared>>)
          } else {
          }
          %jit3A_334 = arith.constant 16 : i32
          %div3A_335 = arith.divsi %scan3A_102, %jit3A_334 : i32
          %sign3A_336 = arith.constant 0 : i32
          %sign3A_337 = arith.cmpi sgt, %scan3A_102, %sign3A_336 : i32
          %sign3A_338 = arith.extui %sign3A_337 : i1 to i32
          %sign3A_339 = arith.constant 0 : i32
          %sign3A_340 = arith.cmpi slt, %scan3A_102, %sign3A_339 : i32
          %sign3A_341 = arith.extui %sign3A_340 : i1 to i32
          %sign3A_342 = arith.subi %sign3A_338, %sign3A_341 : i32
          %sign3A_343 = arith.constant 0 : i32
          %sign3A_344 = arith.cmpi sgt, %jit3A_334, %sign3A_343 : i32
          %sign3A_345 = arith.extui %sign3A_344 : i1 to i32
          %sign3A_346 = arith.constant 0 : i32
          %sign3A_347 = arith.cmpi slt, %jit3A_334, %sign3A_346 : i32
          %sign3A_348 = arith.extui %sign3A_347 : i1 to i32
          %sign3A_349 = arith.subi %sign3A_345, %sign3A_348 : i32
          %ne3A_350 = arith.cmpi ne, %sign3A_342, %sign3A_349 : i32
          %rem3A_351 = arith.remsi %scan3A_102, %jit3A_334 : i32
          %ne3A_352 = arith.constant 0 : i32
          %ne3A_353 = arith.cmpi ne, %rem3A_351, %ne3A_352 : i32
          %and3A_354 = arith.andi %ne3A_350, %ne3A_353 : i1
          %sub3A_355 = arith.constant 1 : i32
          %sub3A_356 = arith.subi %div3A_335, %sub3A_355 : i32
          %select_n3A_357 = arith.select %and3A_354, %sub3A_356, %div3A_335 : i32
          %jit3A_358 = arith.constant 16 : i32
          %eq3A_359 = arith.constant 0 : i32
          %eq3A_360 = arith.cmpi eq, %jit3A_358, %eq3A_359 : i32
          %jit3A_361 = arith.constant 1 : i32
          %select_n3A_362 = arith.select %eq3A_360, %jit3A_361, %jit3A_358 : i32
          %rem3A_363 = arith.remsi %scan3A_102, %select_n3A_362 : i32
          %ne3A_364 = arith.constant 0 : i32
          %ne3A_365 = arith.cmpi ne, %rem3A_363, %ne3A_364 : i32
          %lt3A_366 = arith.constant 0 : i32
          %lt3A_367 = arith.cmpi slt, %rem3A_363, %lt3A_366 : i32
          %lt3A_368 = arith.constant 0 : i32
          %lt3A_369 = arith.cmpi slt, %select_n3A_362, %lt3A_368 : i32
          %ne3A_370 = arith.xori %lt3A_367, %lt3A_369 : i1
          %and3A_371 = arith.andi %ne3A_370, %ne3A_365 : i1
          %add3A_372 = arith.addi %rem3A_363, %select_n3A_362 : i32
          %select_n3A_373 = arith.select %and3A_371, %add3A_372, %rem3A_363 : i32
          %jit3A_374 = arith.constant 2 : i32
          %eq3A_375 = arith.constant 0 : i32
          %eq3A_376 = arith.cmpi eq, %jit3A_374, %eq3A_375 : i32
          %jit3A_377 = arith.constant 1 : i32
          %select_n3A_378 = arith.select %eq3A_376, %jit3A_377, %jit3A_374 : i32
          %rem3A_379 = arith.remsi %scan3A_102, %select_n3A_378 : i32
          %ne3A_380 = arith.constant 0 : i32
          %ne3A_381 = arith.cmpi ne, %rem3A_379, %ne3A_380 : i32
          %lt3A_382 = arith.constant 0 : i32
          %lt3A_383 = arith.cmpi slt, %rem3A_379, %lt3A_382 : i32
          %lt3A_384 = arith.constant 0 : i32
          %lt3A_385 = arith.cmpi slt, %select_n3A_378, %lt3A_384 : i32
          %ne3A_386 = arith.xori %lt3A_383, %lt3A_385 : i1
          %and3A_387 = arith.andi %ne3A_386, %ne3A_381 : i1
          %add3A_388 = arith.addi %rem3A_379, %select_n3A_378 : i32
          %select_n3A_389 = arith.select %and3A_387, %add3A_388, %rem3A_379 : i32
          %jit3A_390 = arith.constant 2 : i32
          %eq3A_391 = arith.constant 0 : i32
          %eq3A_392 = arith.cmpi eq, %jit3A_390, %eq3A_391 : i32
          %jit3A_393 = arith.constant 1 : i32
          %select_n3A_394 = arith.select %eq3A_392, %jit3A_393, %jit3A_390 : i32
          %rem3A_395 = arith.remsi %select_n3A_357, %select_n3A_394 : i32
          %ne3A_396 = arith.constant 0 : i32
          %ne3A_397 = arith.cmpi ne, %rem3A_395, %ne3A_396 : i32
          %lt3A_398 = arith.constant 0 : i32
          %lt3A_399 = arith.cmpi slt, %rem3A_395, %lt3A_398 : i32
          %lt3A_400 = arith.constant 0 : i32
          %lt3A_401 = arith.cmpi slt, %select_n3A_394, %lt3A_400 : i32
          %ne3A_402 = arith.xori %lt3A_399, %lt3A_401 : i1
          %and3A_403 = arith.andi %ne3A_402, %ne3A_397 : i1
          %add3A_404 = arith.addi %rem3A_395, %select_n3A_394 : i32
          %select_n3A_405 = arith.select %and3A_403, %add3A_404, %rem3A_395 : i32
          %dma_start3A_406 = arith.constant 0 : i32
          %dma_start3A_407 = arith.constant 0 : i32
          %dma_start3A_408 = tpu.memref_slice %arg11[%select_n3A_389, %dma_start3A_406, %dma_start3A_407] : memref<2x125x128xf32, #tpu.memory_space<vmem>> -> memref<1x125x128xf32, #tpu.memory_space<vmem>>
          %dma_start3A_409 = tpu.memref_squeeze %dma_start3A_408 : memref<1x125x128xf32, #tpu.memory_space<vmem>> -> memref<125x128xf32, #tpu.memory_space<vmem>>
          %dma_start3A_410 = arith.constant 0 : i32
          %dma_start3A_411 = tpu.memref_slice %arg9[%select_n3A_405, %select_n3A_373, %dma_start3A_410] : memref<2x16x125xi32, #tpu.memory_space<vmem>> -> memref<1x1x125xi32, #tpu.memory_space<vmem>>
          %dma_start3A_412 = tpu.memref_squeeze %dma_start3A_411 : memref<1x1x125xi32, #tpu.memory_space<vmem>> -> memref<125xi32, #tpu.memory_space<vmem>>
          %dma_start3A_413 = arith.constant 0 : i32
          %dma_start3A_414 = arith.constant 0 : i32
          %dma_start3A_415 = tpu.memref_slice %arg2[%dma_start3A_413, %dma_start3A_414] : memref<10000x128xf32, #tpu.memory_space<hbm>> -> memref<10000x128xf32, #tpu.memory_space<hbm>>
          %dma_start3A_416 = tpu.memref_slice %arg12[%select_n3A_389] : memref<2x!tpu.dma_semaphore, #tpu.memory_space<semaphore_mem>> -> memref<1x!tpu.dma_semaphore, #tpu.memory_space<semaphore_mem>>
          %dma_start3A_417 = tpu.memref_squeeze %dma_start3A_416 : memref<1x!tpu.dma_semaphore, #tpu.memory_space<semaphore_mem>> -> memref<!tpu.dma_semaphore, #tpu.memory_space<semaphore_mem>>
          tpu.enqueue_indirect_dma source(%dma_start3A_415 : memref<10000x128xf32, #tpu.memory_space<hbm>>) target(%dma_start3A_409 : memref<125x128xf32, #tpu.memory_space<vmem>>) offsets(%dma_start3A_412 : memref<125xi32, #tpu.memory_space<vmem>>) semaphore(%dma_start3A_417 : memref<!tpu.dma_semaphore, #tpu.memory_space<semaphore_mem>>)
        } else {
        }
        %sub3A_147 = arith.constant 1 : i32
        %sub3A_148 = arith.subi %scan3A_102, %sub3A_147 : i32
        %jit3A_149 = arith.constant 16 : i32
        %div3A_150 = arith.divsi %sub3A_148, %jit3A_149 : i32
        %sign3A_151 = arith.constant 0 : i32
        %sign3A_152 = arith.cmpi sgt, %sub3A_148, %sign3A_151 : i32
        %sign3A_153 = arith.extui %sign3A_152 : i1 to i32
        %sign3A_154 = arith.constant 0 : i32
        %sign3A_155 = arith.cmpi slt, %sub3A_148, %sign3A_154 : i32
        %sign3A_156 = arith.extui %sign3A_155 : i1 to i32
        %sign3A_157 = arith.subi %sign3A_153, %sign3A_156 : i32
        %sign3A_158 = arith.constant 0 : i32
        %sign3A_159 = arith.cmpi sgt, %jit3A_149, %sign3A_158 : i32
        %sign3A_160 = arith.extui %sign3A_159 : i1 to i32
        %sign3A_161 = arith.constant 0 : i32
        %sign3A_162 = arith.cmpi slt, %jit3A_149, %sign3A_161 : i32
        %sign3A_163 = arith.extui %sign3A_162 : i1 to i32
        %sign3A_164 = arith.subi %sign3A_160, %sign3A_163 : i32
        %ne3A_165 = arith.cmpi ne, %sign3A_157, %sign3A_164 : i32
        %rem3A_166 = arith.remsi %sub3A_148, %jit3A_149 : i32
        %ne3A_167 = arith.constant 0 : i32
        %ne3A_168 = arith.cmpi ne, %rem3A_166, %ne3A_167 : i32
        %and3A_169 = arith.andi %ne3A_165, %ne3A_168 : i1
        %sub3A_170 = arith.constant 1 : i32
        %sub3A_171 = arith.subi %div3A_150, %sub3A_170 : i32
        %select_n3A_172 = arith.select %and3A_169, %sub3A_171, %div3A_150 : i32
        %jit3A_173 = arith.constant 16 : i32
        %eq3A_174 = arith.constant 0 : i32
        %eq3A_175 = arith.cmpi eq, %jit3A_173, %eq3A_174 : i32
        %jit3A_176 = arith.constant 1 : i32
        %select_n3A_177 = arith.select %eq3A_175, %jit3A_176, %jit3A_173 : i32
        %rem3A_178 = arith.remsi %sub3A_148, %select_n3A_177 : i32
        %ne3A_179 = arith.constant 0 : i32
        %ne3A_180 = arith.cmpi ne, %rem3A_178, %ne3A_179 : i32
        %lt3A_181 = arith.constant 0 : i32
        %lt3A_182 = arith.cmpi slt, %rem3A_178, %lt3A_181 : i32
        %lt3A_183 = arith.constant 0 : i32
        %lt3A_184 = arith.cmpi slt, %select_n3A_177, %lt3A_183 : i32
        %ne3A_185 = arith.xori %lt3A_182, %lt3A_184 : i1
        %and3A_186 = arith.andi %ne3A_185, %ne3A_180 : i1
        %add3A_187 = arith.addi %rem3A_178, %select_n3A_177 : i32
        %select_n3A_188 = arith.select %and3A_186, %add3A_187, %rem3A_178 : i32
        %jit3A_189 = arith.constant 2 : i32
        %eq3A_190 = arith.constant 0 : i32
        %eq3A_191 = arith.cmpi eq, %jit3A_189, %eq3A_190 : i32
        %jit3A_192 = arith.constant 1 : i32
        %select_n3A_193 = arith.select %eq3A_191, %jit3A_192, %jit3A_189 : i32
        %rem3A_194 = arith.remsi %sub3A_148, %select_n3A_193 : i32
        %ne3A_195 = arith.constant 0 : i32
        %ne3A_196 = arith.cmpi ne, %rem3A_194, %ne3A_195 : i32
        %lt3A_197 = arith.constant 0 : i32
        %lt3A_198 = arith.cmpi slt, %rem3A_194, %lt3A_197 : i32
        %lt3A_199 = arith.constant 0 : i32
        %lt3A_200 = arith.cmpi slt, %select_n3A_193, %lt3A_199 : i32
        %ne3A_201 = arith.xori %lt3A_198, %lt3A_200 : i1
        %and3A_202 = arith.andi %ne3A_201, %ne3A_196 : i1
        %add3A_203 = arith.addi %rem3A_194, %select_n3A_193 : i32
        %select_n3A_204 = arith.select %and3A_202, %add3A_203, %rem3A_194 : i32
        %jit3A_205 = arith.constant 16 : i32
        %div3A_206 = arith.divsi %sub3A_148, %jit3A_205 : i32
        %sign3A_207 = arith.constant 0 : i32
        %sign3A_208 = arith.cmpi sgt, %sub3A_148, %sign3A_207 : i32
        %sign3A_209 = arith.extui %sign3A_208 : i1 to i32
        %sign3A_210 = arith.constant 0 : i32
        %sign3A_211 = arith.cmpi slt, %sub3A_148, %sign3A_210 : i32
        %sign3A_212 = arith.extui %sign3A_211 : i1 to i32
        %sign3A_213 = arith.subi %sign3A_209, %sign3A_212 : i32
        %sign3A_214 = arith.constant 0 : i32
        %sign3A_215 = arith.cmpi sgt, %jit3A_205, %sign3A_214 : i32
        %sign3A_216 = arith.extui %sign3A_215 : i1 to i32
        %sign3A_217 = arith.constant 0 : i32
        %sign3A_218 = arith.cmpi slt, %jit3A_205, %sign3A_217 : i32
        %sign3A_219 = arith.extui %sign3A_218 : i1 to i32
        %sign3A_220 = arith.subi %sign3A_216, %sign3A_219 : i32
        %ne3A_221 = arith.cmpi ne, %sign3A_213, %sign3A_220 : i32
        %rem3A_222 = arith.remsi %sub3A_148, %jit3A_205 : i32
        %ne3A_223 = arith.constant 0 : i32
        %ne3A_224 = arith.cmpi ne, %rem3A_222, %ne3A_223 : i32
        %and3A_225 = arith.andi %ne3A_221, %ne3A_224 : i1
        %sub3A_226 = arith.constant 1 : i32
        %sub3A_227 = arith.subi %div3A_206, %sub3A_226 : i32
        %select_n3A_228 = arith.select %and3A_225, %sub3A_227, %div3A_206 : i32
        %jit3A_229 = arith.constant 16 : i32
        %eq3A_230 = arith.constant 0 : i32
        %eq3A_231 = arith.cmpi eq, %jit3A_229, %eq3A_230 : i32
        %jit3A_232 = arith.constant 1 : i32
        %select_n3A_233 = arith.select %eq3A_231, %jit3A_232, %jit3A_229 : i32
        %rem3A_234 = arith.remsi %sub3A_148, %select_n3A_233 : i32
        %ne3A_235 = arith.constant 0 : i32
        %ne3A_236 = arith.cmpi ne, %rem3A_234, %ne3A_235 : i32
        %lt3A_237 = arith.constant 0 : i32
        %lt3A_238 = arith.cmpi slt, %rem3A_234, %lt3A_237 : i32
        %lt3A_239 = arith.constant 0 : i32
        %lt3A_240 = arith.cmpi slt, %select_n3A_233, %lt3A_239 : i32
        %ne3A_241 = arith.xori %lt3A_238, %lt3A_240 : i1
        %and3A_242 = arith.andi %ne3A_241, %ne3A_236 : i1
        %add3A_243 = arith.addi %rem3A_234, %select_n3A_233 : i32
        %select_n3A_244 = arith.select %and3A_242, %add3A_243, %rem3A_234 : i32
        %jit3A_245 = arith.constant 2 : i32
        %eq3A_246 = arith.constant 0 : i32
        %eq3A_247 = arith.cmpi eq, %jit3A_245, %eq3A_246 : i32
        %jit3A_248 = arith.constant 1 : i32
        %select_n3A_249 = arith.select %eq3A_247, %jit3A_248, %jit3A_245 : i32
        %rem3A_250 = arith.remsi %sub3A_148, %select_n3A_249 : i32
        %ne3A_251 = arith.constant 0 : i32
        %ne3A_252 = arith.cmpi ne, %rem3A_250, %ne3A_251 : i32
        %lt3A_253 = arith.constant 0 : i32
        %lt3A_254 = arith.cmpi slt, %rem3A_250, %lt3A_253 : i32
        %lt3A_255 = arith.constant 0 : i32
        %lt3A_256 = arith.cmpi slt, %select_n3A_249, %lt3A_255 : i32
        %ne3A_257 = arith.xori %lt3A_254, %lt3A_256 : i1
        %and3A_258 = arith.andi %ne3A_257, %ne3A_252 : i1
        %add3A_259 = arith.addi %rem3A_250, %select_n3A_249 : i32
        %select_n3A_260 = arith.select %and3A_258, %add3A_259, %rem3A_250 : i32
        %jit3A_261 = arith.constant 2 : i32
        %eq3A_262 = arith.constant 0 : i32
        %eq3A_263 = arith.cmpi eq, %jit3A_261, %eq3A_262 : i32
        %jit3A_264 = arith.constant 1 : i32
        %select_n3A_265 = arith.select %eq3A_263, %jit3A_264, %jit3A_261 : i32
        %rem3A_266 = arith.remsi %select_n3A_228, %select_n3A_265 : i32
        %ne3A_267 = arith.constant 0 : i32
        %ne3A_268 = arith.cmpi ne, %rem3A_266, %ne3A_267 : i32
        %lt3A_269 = arith.constant 0 : i32
        %lt3A_270 = arith.cmpi slt, %rem3A_266, %lt3A_269 : i32
        %lt3A_271 = arith.constant 0 : i32
        %lt3A_272 = arith.cmpi slt, %select_n3A_265, %lt3A_271 : i32
        %ne3A_273 = arith.xori %lt3A_270, %lt3A_272 : i1
        %and3A_274 = arith.andi %ne3A_273, %ne3A_268 : i1
        %add3A_275 = arith.addi %rem3A_266, %select_n3A_265 : i32
        %select_n3A_276 = arith.select %and3A_274, %add3A_275, %rem3A_266 : i32
        %dma_wait3A_277 = arith.constant 0 : i32
        %dma_wait3A_278 = arith.constant 0 : i32
        %dma_wait3A_279 = tpu.memref_slice %arg11[%select_n3A_260, %dma_wait3A_277, %dma_wait3A_278] : memref<2x125x128xf32, #tpu.memory_space<vmem>> -> memref<1x125x128xf32, #tpu.memory_space<vmem>>
        %dma_wait3A_280 = tpu.memref_squeeze %dma_wait3A_279 : memref<1x125x128xf32, #tpu.memory_space<vmem>> -> memref<125x128xf32, #tpu.memory_space<vmem>>
        %dma_wait3A_281 = arith.constant 0 : i32
        %dma_wait3A_282 = tpu.memref_slice %arg9[%select_n3A_276, %select_n3A_244, %dma_wait3A_281] : memref<2x16x125xi32, #tpu.memory_space<vmem>> -> memref<1x1x125xi32, #tpu.memory_space<vmem>>
        %dma_wait3A_283 = tpu.memref_squeeze %dma_wait3A_282 : memref<1x1x125xi32, #tpu.memory_space<vmem>> -> memref<125xi32, #tpu.memory_space<vmem>>
        %dma_wait3A_284 = arith.constant 0 : i32
        %dma_wait3A_285 = arith.constant 0 : i32
        %dma_wait3A_286 = tpu.memref_slice %arg2[%dma_wait3A_284, %dma_wait3A_285] : memref<10000x128xf32, #tpu.memory_space<hbm>> -> memref<10000x128xf32, #tpu.memory_space<hbm>>
        %dma_wait3A_287 = tpu.memref_slice %arg12[%select_n3A_260] : memref<2x!tpu.dma_semaphore, #tpu.memory_space<semaphore_mem>> -> memref<1x!tpu.dma_semaphore, #tpu.memory_space<semaphore_mem>>
        %dma_wait3A_288 = tpu.memref_squeeze %dma_wait3A_287 : memref<1x!tpu.dma_semaphore, #tpu.memory_space<semaphore_mem>> -> memref<!tpu.dma_semaphore, #tpu.memory_space<semaphore_mem>>
        tpu.wait_indirect_dma semaphore(%dma_wait3A_288 : memref<!tpu.dma_semaphore, #tpu.memory_space<semaphore_mem>>) src(%dma_wait3A_286 : memref<10000x128xf32, #tpu.memory_space<hbm>>) dst(%dma_wait3A_280 : memref<125x128xf32, #tpu.memory_space<vmem>>)
        %jit3A_289 = arith.constant 3 : i32
        %eq3A_290 = arith.constant 0 : i32
        %eq3A_291 = arith.cmpi eq, %jit3A_289, %eq3A_290 : i32
        %jit3A_292 = arith.constant 1 : i32
        %select_n3A_293 = arith.select %eq3A_291, %jit3A_292, %jit3A_289 : i32
        %rem3A_294 = arith.remsi %select_n3A_172, %select_n3A_293 : i32
        %ne3A_295 = arith.constant 0 : i32
        %ne3A_296 = arith.cmpi ne, %rem3A_294, %ne3A_295 : i32
        %lt3A_297 = arith.constant 0 : i32
        %lt3A_298 = arith.cmpi slt, %rem3A_294, %lt3A_297 : i32
        %lt3A_299 = arith.constant 0 : i32
        %lt3A_300 = arith.cmpi slt, %select_n3A_293, %lt3A_299 : i32
        %ne3A_301 = arith.xori %lt3A_298, %lt3A_300 : i1
        %and3A_302 = arith.andi %ne3A_301, %ne3A_296 : i1
        %add3A_303 = arith.addi %rem3A_294, %select_n3A_293 : i32
        %select_n3A_304 = arith.select %and3A_302, %add3A_303, %rem3A_294 : i32
        %dma_start3A_305 = arith.constant 0 : i32
        %dma_start3A_306 = arith.constant 0 : i32
        %dma_start3A_307 = tpu.memref_slice %arg11[%select_n3A_204, %dma_start3A_305, %dma_start3A_306] : memref<2x125x128xf32, #tpu.memory_space<vmem>> -> memref<1x125x128xf32, #tpu.memory_space<vmem>>
        %dma_start3A_308 = tpu.memref_squeeze %dma_start3A_307 : memref<1x125x128xf32, #tpu.memory_space<vmem>> -> memref<125x128xf32, #tpu.memory_space<vmem>>
        %dma_start3A_309 = arith.constant 0 : i32
        %dma_start3A_310 = tpu.memref_slice %arg10[%select_n3A_304, %select_n3A_188, %dma_start3A_309] : memref<3x16x125xi32, #tpu.memory_space<vmem>> -> memref<1x1x125xi32, #tpu.memory_space<vmem>>
        %dma_start3A_311 = tpu.memref_squeeze %dma_start3A_310 : memref<1x1x125xi32, #tpu.memory_space<vmem>> -> memref<125xi32, #tpu.memory_space<vmem>>
        %dma_start3A_312 = arith.constant 0 : i32
        %dma_start3A_313 = arith.constant 0 : i32
        %dma_start3A_314 = tpu.memref_slice %arg8[%dma_start3A_312, %dma_start3A_313] : memref<10240x128xf32, #tpu.memory_space<vmem_shared>> -> memref<10240x128xf32, #tpu.memory_space<vmem_shared>>
        %dma_start3A_315 = tpu.memref_slice %arg14[%select_n3A_204] : memref<2x!tpu.dma_semaphore, #tpu.memory_space<semaphore_mem>> -> memref<1x!tpu.dma_semaphore, #tpu.memory_space<semaphore_mem>>
        %dma_start3A_316 = tpu.memref_squeeze %dma_start3A_315 : memref<1x!tpu.dma_semaphore, #tpu.memory_space<semaphore_mem>> -> memref<!tpu.dma_semaphore, #tpu.memory_space<semaphore_mem>>
        tpu.enqueue_indirect_dma source(%dma_start3A_308 : memref<125x128xf32, #tpu.memory_space<vmem>>) target(%dma_start3A_314 : memref<10240x128xf32, #tpu.memory_space<vmem_shared>>) offsets(%dma_start3A_311 : memref<125xi32, #tpu.memory_space<vmem>>) semaphore(%dma_start3A_316 : memref<!tpu.dma_semaphore, #tpu.memory_space<semaphore_mem>>) {add = true}
        %lt3A_317 = arith.constant 160 : i32
        %lt3A_318 = arith.cmpi slt, %scan3A_102, %lt3A_317 : i32
        %eq3A_319 = arith.constant 0 : i32
        %eq3A_320 = arith.cmpi eq, %select_n3A_133, %eq3A_319 : i32
        %and3A_321 = arith.andi %lt3A_318, %eq3A_320 : i1
        %add3A_322 = arith.constant 1 : i32
        %add3A_323 = arith.addi %select_n3A, %add3A_322 : i32
        %lt3A_324 = arith.constant 10 : i32
        %lt3A_325 = arith.cmpi slt, %add3A_323, %lt3A_324 : i32
        %and3A_326 = arith.andi %and3A_321, %lt3A_325 : i1
        %convert_element_type3A_327 = arith.extui %and3A_326 : i1 to i32
        %cond3A_328 = arith.constant 0 : i32
        %cond3A_329 = arith.cmpi ne, %convert_element_type3A_327, %cond3A_328 : i32
        scf.if %cond3A_329 {
          %add3A_330 = arith.constant 1 : i32
          %add3A_331 = arith.addi %select_n3A, %add3A_330 : i32
          %jit3A_332 = arith.constant 2 : i32
          %eq3A_333 = arith.constant 0 : i32
          %eq3A_334 = arith.cmpi eq, %jit3A_332, %eq3A_333 : i32
          %jit3A_335 = arith.constant 1 : i32
          %select_n3A_336 = arith.select %eq3A_334, %jit3A_335, %jit3A_332 : i32
          %rem3A_337 = arith.remsi %add3A_331, %select_n3A_336 : i32
          %ne3A_338 = arith.constant 0 : i32
          %ne3A_339 = arith.cmpi ne, %rem3A_337, %ne3A_338 : i32
          %lt3A_340 = arith.constant 0 : i32
          %lt3A_341 = arith.cmpi slt, %rem3A_337, %lt3A_340 : i32
          %lt3A_342 = arith.constant 0 : i32
          %lt3A_343 = arith.cmpi slt, %select_n3A_336, %lt3A_342 : i32
          %ne3A_344 = arith.xori %lt3A_341, %lt3A_343 : i1
          %and3A_345 = arith.andi %ne3A_344, %ne3A_339 : i1
          %add3A_346 = arith.addi %rem3A_337, %select_n3A_336 : i32
          %select_n3A_347 = arith.select %and3A_345, %add3A_346, %rem3A_337 : i32
          %add3A_348 = arith.constant 1 : i32
          %add3A_349 = arith.addi %select_n3A, %add3A_348 : i32
          %jit3A_350 = arith.constant 3 : i32
          %eq3A_351 = arith.constant 0 : i32
          %eq3A_352 = arith.cmpi eq, %jit3A_350, %eq3A_351 : i32
          %jit3A_353 = arith.constant 1 : i32
          %select_n3A_354 = arith.select %eq3A_352, %jit3A_353, %jit3A_350 : i32
          %rem3A_355 = arith.remsi %add3A_349, %select_n3A_354 : i32
          %ne3A_356 = arith.constant 0 : i32
          %ne3A_357 = arith.cmpi ne, %rem3A_355, %ne3A_356 : i32
          %lt3A_358 = arith.constant 0 : i32
          %lt3A_359 = arith.cmpi slt, %rem3A_355, %lt3A_358 : i32
          %lt3A_360 = arith.constant 0 : i32
          %lt3A_361 = arith.cmpi slt, %select_n3A_354, %lt3A_360 : i32
          %ne3A_362 = arith.xori %lt3A_359, %lt3A_361 : i1
          %and3A_363 = arith.andi %ne3A_362, %ne3A_357 : i1
          %add3A_364 = arith.addi %rem3A_355, %select_n3A_354 : i32
          %select_n3A_365 = arith.select %and3A_363, %add3A_364, %rem3A_355 : i32
          %add3A_366 = arith.constant 1 : i32
          %add3A_367 = arith.addi %select_n3A, %add3A_366 : i32
          %mul3A_368 = arith.constant 16 : i32
          %mul3A_369 = arith.muli %add3A_367, %mul3A_368 : i32
          %add3A_370 = arith.addi %mul3A_2, %mul3A_369 : i32
          %dma_start3A_371 = arith.constant 0 : i32
          %dma_start3A_372 = arith.constant 0 : i32
          %dma_start3A_373 = tpu.memref_slice %arg9[%select_n3A_347, %dma_start3A_371, %dma_start3A_372] : memref<2x16x125xi32, #tpu.memory_space<vmem>> -> memref<1x16x125xi32, #tpu.memory_space<vmem>>
          %dma_start3A_374 = tpu.memref_squeeze %dma_start3A_373 : memref<1x16x125xi32, #tpu.memory_space<vmem>> -> memref<16x125xi32, #tpu.memory_space<vmem>>
          %dma_start3A_375 = arith.constant 0 : i32
          %dma_start3A_376 = tpu.memref_slice %arg4[%add3A_370, %dma_start3A_375] : memref<2560x125xi32, #tpu.memory_space<hbm>> -> memref<16x125xi32, #tpu.memory_space<hbm>>
          %dma_start3A_377 = tpu.memref_slice %arg13[%select_n3A_347] : memref<2x!tpu.dma_semaphore, #tpu.memory_space<semaphore_mem>> -> memref<1x!tpu.dma_semaphore, #tpu.memory_space<semaphore_mem>>
          %dma_start3A_378 = tpu.memref_squeeze %dma_start3A_377 : memref<1x!tpu.dma_semaphore, #tpu.memory_space<semaphore_mem>> -> memref<!tpu.dma_semaphore, #tpu.memory_space<semaphore_mem>>
          %dma_start3A_379 = arith.constant 0 : i32
          %dma_start3A_380 = arith.constant 0 : i32
          %dma_start3A_381 = tpu.memref_slice %arg9[%select_n3A_347, %dma_start3A_379, %dma_start3A_380] : memref<2x16x125xi32, #tpu.memory_space<vmem>> -> memref<1x16x125xi32, #tpu.memory_space<vmem>>
          %dma_start3A_382 = tpu.memref_squeeze %dma_start3A_381 : memref<1x16x125xi32, #tpu.memory_space<vmem>> -> memref<16x125xi32, #tpu.memory_space<vmem>>
          %dma_start3A_383 = arith.constant 0 : i32
          %dma_start3A_384 = tpu.memref_slice %arg4[%add3A_370, %dma_start3A_383] : memref<2560x125xi32, #tpu.memory_space<hbm>> -> memref<16x125xi32, #tpu.memory_space<hbm>>
          tpu.enqueue_dma source(%dma_start3A_384 : memref<16x125xi32, #tpu.memory_space<hbm>>) target(%dma_start3A_382 : memref<16x125xi32, #tpu.memory_space<vmem>>) target_semaphore(%dma_start3A_378 : memref<!tpu.dma_semaphore, #tpu.memory_space<semaphore_mem>>)
          %add3A_385 = arith.constant 1 : i32
          %add3A_386 = arith.addi %select_n3A, %add3A_385 : i32
          %mul3A_387 = arith.constant 16 : i32
          %mul3A_388 = arith.muli %add3A_386, %mul3A_387 : i32
          %add3A_389 = arith.addi %mul3A_2, %mul3A_388 : i32
          %dma_start3A_390 = arith.constant 0 : i32
          %dma_start3A_391 = arith.constant 0 : i32
          %dma_start3A_392 = tpu.memref_slice %arg10[%select_n3A_365, %dma_start3A_390, %dma_start3A_391] : memref<3x16x125xi32, #tpu.memory_space<vmem>> -> memref<1x16x125xi32, #tpu.memory_space<vmem>>
          %dma_start3A_393 = tpu.memref_squeeze %dma_start3A_392 : memref<1x16x125xi32, #tpu.memory_space<vmem>> -> memref<16x125xi32, #tpu.memory_space<vmem>>
          %dma_start3A_394 = arith.constant 0 : i32
          %dma_start3A_395 = tpu.memref_slice %arg5[%add3A_389, %dma_start3A_394] : memref<2560x125xi32, #tpu.memory_space<hbm>> -> memref<16x125xi32, #tpu.memory_space<hbm>>
          %dma_start3A_396 = tpu.memref_slice %arg13[%select_n3A_347] : memref<2x!tpu.dma_semaphore, #tpu.memory_space<semaphore_mem>> -> memref<1x!tpu.dma_semaphore, #tpu.memory_space<semaphore_mem>>
          %dma_start3A_397 = tpu.memref_squeeze %dma_start3A_396 : memref<1x!tpu.dma_semaphore, #tpu.memory_space<semaphore_mem>> -> memref<!tpu.dma_semaphore, #tpu.memory_space<semaphore_mem>>
          %dma_start3A_398 = arith.constant 0 : i32
          %dma_start3A_399 = arith.constant 0 : i32
          %dma_start3A_400 = tpu.memref_slice %arg10[%select_n3A_365, %dma_start3A_398, %dma_start3A_399] : memref<3x16x125xi32, #tpu.memory_space<vmem>> -> memref<1x16x125xi32, #tpu.memory_space<vmem>>
          %dma_start3A_401 = tpu.memref_squeeze %dma_start3A_400 : memref<1x16x125xi32, #tpu.memory_space<vmem>> -> memref<16x125xi32, #tpu.memory_space<vmem>>
          %dma_start3A_402 = arith.constant 0 : i32
          %dma_start3A_403 = tpu.memref_slice %arg5[%add3A_389, %dma_start3A_402] : memref<2560x125xi32, #tpu.memory_space<hbm>> -> memref<16x125xi32, #tpu.memory_space<hbm>>
          tpu.enqueue_dma source(%dma_start3A_403 : memref<16x125xi32, #tpu.memory_space<hbm>>) target(%dma_start3A_401 : memref<16x125xi32, #tpu.memory_space<vmem>>) target_semaphore(%dma_start3A_397 : memref<!tpu.dma_semaphore, #tpu.memory_space<semaphore_mem>>)
        } else {
        }
      }
      %scan3A_70 = arith.constant 160 : i32
      %dma_wait3A = arith.constant 0 : i32
      %dma_wait3A_71 = arith.constant 0 : i32
      %dma_wait3A_72 = arith.constant 14 : i32
      %dma_wait3A_73 = arith.constant 0 : i32
      %dma_wait3A_74 = arith.constant 0 : i32
      %dma_wait3A_75 = arith.constant 0 : i32
      %dma_wait3A_76 = tpu.memref_slice %arg11[%dma_wait3A, %dma_wait3A_74, %dma_wait3A_75] : memref<2x125x128xf32, #tpu.memory_space<vmem>> -> memref<1x125x128xf32, #tpu.memory_space<vmem>>
      %dma_wait3A_77 = tpu.memref_squeeze %dma_wait3A_76 : memref<1x125x128xf32, #tpu.memory_space<vmem>> -> memref<125x128xf32, #tpu.memory_space<vmem>>
      %dma_wait3A_78 = arith.constant 0 : i32
      %dma_wait3A_79 = tpu.memref_slice %arg10[%dma_wait3A_71, %dma_wait3A_72, %dma_wait3A_78] : memref<3x16x125xi32, #tpu.memory_space<vmem>> -> memref<1x1x125xi32, #tpu.memory_space<vmem>>
      %dma_wait3A_80 = tpu.memref_squeeze %dma_wait3A_79 : memref<1x1x125xi32, #tpu.memory_space<vmem>> -> memref<125xi32, #tpu.memory_space<vmem>>
      %dma_wait3A_81 = arith.constant 0 : i32
      %dma_wait3A_82 = arith.constant 0 : i32
      %dma_wait3A_83 = tpu.memref_slice %arg8[%dma_wait3A_81, %dma_wait3A_82] : memref<10240x128xf32, #tpu.memory_space<vmem_shared>> -> memref<10240x128xf32, #tpu.memory_space<vmem_shared>>
      %dma_wait3A_84 = tpu.memref_slice %arg14[%dma_wait3A_73] : memref<2x!tpu.dma_semaphore, #tpu.memory_space<semaphore_mem>> -> memref<1x!tpu.dma_semaphore, #tpu.memory_space<semaphore_mem>>
      %dma_wait3A_85 = tpu.memref_squeeze %dma_wait3A_84 : memref<1x!tpu.dma_semaphore, #tpu.memory_space<semaphore_mem>> -> memref<!tpu.dma_semaphore, #tpu.memory_space<semaphore_mem>>
      tpu.wait_indirect_dma semaphore(%dma_wait3A_85 : memref<!tpu.dma_semaphore, #tpu.memory_space<semaphore_mem>>) src(%dma_wait3A_77 : memref<125x128xf32, #tpu.memory_space<vmem>>) dst(%dma_wait3A_83 : memref<10240x128xf32, #tpu.memory_space<vmem_shared>>)
      %dma_wait3A_86 = arith.constant 1 : i32
      %dma_wait3A_87 = arith.constant 0 : i32
      %dma_wait3A_88 = arith.constant 15 : i32
      %dma_wait3A_89 = arith.constant 1 : i32
      %dma_wait3A_90 = arith.constant 0 : i32
      %dma_wait3A_91 = arith.constant 0 : i32
      %dma_wait3A_92 = tpu.memref_slice %arg11[%dma_wait3A_86, %dma_wait3A_90, %dma_wait3A_91] : memref<2x125x128xf32, #tpu.memory_space<vmem>> -> memref<1x125x128xf32, #tpu.memory_space<vmem>>
      %dma_wait3A_93 = tpu.memref_squeeze %dma_wait3A_92 : memref<1x125x128xf32, #tpu.memory_space<vmem>> -> memref<125x128xf32, #tpu.memory_space<vmem>>
      %dma_wait3A_94 = arith.constant 0 : i32
      %dma_wait3A_95 = tpu.memref_slice %arg10[%dma_wait3A_87, %dma_wait3A_88, %dma_wait3A_94] : memref<3x16x125xi32, #tpu.memory_space<vmem>> -> memref<1x1x125xi32, #tpu.memory_space<vmem>>
      %dma_wait3A_96 = tpu.memref_squeeze %dma_wait3A_95 : memref<1x1x125xi32, #tpu.memory_space<vmem>> -> memref<125xi32, #tpu.memory_space<vmem>>
      %dma_wait3A_97 = arith.constant 0 : i32
      %dma_wait3A_98 = arith.constant 0 : i32
      %dma_wait3A_99 = tpu.memref_slice %arg8[%dma_wait3A_97, %dma_wait3A_98] : memref<10240x128xf32, #tpu.memory_space<vmem_shared>> -> memref<10240x128xf32, #tpu.memory_space<vmem_shared>>
      %dma_wait3A_100 = tpu.memref_slice %arg14[%dma_wait3A_89] : memref<2x!tpu.dma_semaphore, #tpu.memory_space<semaphore_mem>> -> memref<1x!tpu.dma_semaphore, #tpu.memory_space<semaphore_mem>>
      %dma_wait3A_101 = tpu.memref_squeeze %dma_wait3A_100 : memref<1x!tpu.dma_semaphore, #tpu.memory_space<semaphore_mem>> -> memref<!tpu.dma_semaphore, #tpu.memory_space<semaphore_mem>>
      tpu.wait_indirect_dma semaphore(%dma_wait3A_101 : memref<!tpu.dma_semaphore, #tpu.memory_space<semaphore_mem>>) src(%dma_wait3A_93 : memref<125x128xf32, #tpu.memory_space<vmem>>) dst(%dma_wait3A_99 : memref<10240x128xf32, #tpu.memory_space<vmem_shared>>)
    } else {
    }
    %eq3A_5 = arith.constant 1 : i32
    %eq3A_6 = arith.cmpi eq, %arg0, %eq3A_5 : i32
    %convert_element_type3A_7 = arith.extui %eq3A_6 : i1 to i32
    %cond3A_8 = arith.constant 0 : i32
    %cond3A_9 = arith.cmpi ne, %convert_element_type3A_7, %cond3A_8 : i32
    scf.if %cond3A_9 {
      %add3A = arith.constant 0 : i32
      %add3A_11 = arith.addi %mul3A_2, %add3A : i32
      %run_scoped3A = arith.constant 0 : i32
      "tpu.region"() ({
        %run_scoped3A_102 = tpu.sem_alloc : memref<!tpu.dma_semaphore, #tpu.memory_space<semaphore_mem>>
        %dma_start3A_103 = arith.constant 0 : i32
        %dma_start3A_104 = arith.constant 0 : i32
        %dma_start3A_105 = tpu.memref_slice %arg9[%run_scoped3A, %dma_start3A_103, %dma_start3A_104] : memref<2x16x125xi32, #tpu.memory_space<vmem>> -> memref<1x16x125xi32, #tpu.memory_space<vmem>>
        %dma_start3A_106 = tpu.memref_squeeze %dma_start3A_105 : memref<1x16x125xi32, #tpu.memory_space<vmem>> -> memref<16x125xi32, #tpu.memory_space<vmem>>
        %dma_start3A_107 = arith.constant 0 : i32
        %dma_start3A_108 = tpu.memref_slice %arg4[%add3A_11, %dma_start3A_107] : memref<2560x125xi32, #tpu.memory_space<hbm>> -> memref<16x125xi32, #tpu.memory_space<hbm>>
        %dma_start3A_109 = arith.constant 0 : i32
        %dma_start3A_110 = arith.constant 0 : i32
        %dma_start3A_111 = tpu.memref_slice %arg9[%run_scoped3A, %dma_start3A_109, %dma_start3A_110] : memref<2x16x125xi32, #tpu.memory_space<vmem>> -> memref<1x16x125xi32, #tpu.memory_space<vmem>>
        %dma_start3A_112 = tpu.memref_squeeze %dma_start3A_111 : memref<1x16x125xi32, #tpu.memory_space<vmem>> -> memref<16x125xi32, #tpu.memory_space<vmem>>
        %dma_start3A_113 = arith.constant 0 : i32
        %dma_start3A_114 = tpu.memref_slice %arg4[%add3A_11, %dma_start3A_113] : memref<2560x125xi32, #tpu.memory_space<hbm>> -> memref<16x125xi32, #tpu.memory_space<hbm>>
        tpu.enqueue_dma source(%dma_start3A_114 : memref<16x125xi32, #tpu.memory_space<hbm>>) target(%dma_start3A_112 : memref<16x125xi32, #tpu.memory_space<vmem>>) target_semaphore(%run_scoped3A_102 : memref<!tpu.dma_semaphore, #tpu.memory_space<semaphore_mem>>)
        %dma_wait3A_115 = arith.constant 0 : i32
        %dma_wait3A_116 = arith.constant 0 : i32
        %dma_wait3A_117 = tpu.memref_slice %arg9[%run_scoped3A, %dma_wait3A_115, %dma_wait3A_116] : memref<2x16x125xi32, #tpu.memory_space<vmem>> -> memref<1x16x125xi32, #tpu.memory_space<vmem>>
        %dma_wait3A_118 = tpu.memref_squeeze %dma_wait3A_117 : memref<1x16x125xi32, #tpu.memory_space<vmem>> -> memref<16x125xi32, #tpu.memory_space<vmem>>
        %dma_wait3A_119 = arith.constant 0 : i32
        %dma_wait3A_120 = tpu.memref_slice %arg4[%add3A_11, %dma_wait3A_119] : memref<2560x125xi32, #tpu.memory_space<hbm>> -> memref<16x125xi32, #tpu.memory_space<hbm>>
        %dma_wait3A_121 = arith.constant 0 : i32
        %dma_wait3A_122 = arith.constant 0 : i32
        %dma_wait3A_123 = tpu.memref_slice %arg9[%run_scoped3A, %dma_wait3A_121, %dma_wait3A_122] : memref<2x16x125xi32, #tpu.memory_space<vmem>> -> memref<1x16x125xi32, #tpu.memory_space<vmem>>
        %dma_wait3A_124 = tpu.memref_squeeze %dma_wait3A_123 : memref<1x16x125xi32, #tpu.memory_space<vmem>> -> memref<16x125xi32, #tpu.memory_space<vmem>>
        %dma_wait3A_125 = arith.constant 0 : i32
        %dma_wait3A_126 = tpu.memref_slice %arg4[%add3A_11, %dma_wait3A_125] : memref<2560x125xi32, #tpu.memory_space<hbm>> -> memref<16x125xi32, #tpu.memory_space<hbm>>
        tpu.wait_dma2 semaphore(%run_scoped3A_102 : memref<!tpu.dma_semaphore, #tpu.memory_space<semaphore_mem>>) src(%dma_wait3A_126 : memref<16x125xi32, #tpu.memory_space<hbm>>) dst(%dma_wait3A_124 : memref<16x125xi32, #tpu.memory_space<vmem>>)
        tpu.yield
      }) : () -> ()
      %add3A_12 = arith.constant 0 : i32
      %add3A_13 = arith.addi %mul3A_2, %add3A_12 : i32
      %run_scoped3A_14 = arith.constant 0 : i32
      "tpu.region"() ({
        %run_scoped3A_102 = tpu.sem_alloc : memref<!tpu.dma_semaphore, #tpu.memory_space<semaphore_mem>>
        %dma_start3A_103 = arith.constant 0 : i32
        %dma_start3A_104 = arith.constant 0 : i32
        %dma_start3A_105 = tpu.memref_slice %arg10[%run_scoped3A_14, %dma_start3A_103, %dma_start3A_104] : memref<3x16x125xi32, #tpu.memory_space<vmem>> -> memref<1x16x125xi32, #tpu.memory_space<vmem>>
        %dma_start3A_106 = tpu.memref_squeeze %dma_start3A_105 : memref<1x16x125xi32, #tpu.memory_space<vmem>> -> memref<16x125xi32, #tpu.memory_space<vmem>>
        %dma_start3A_107 = arith.constant 0 : i32
        %dma_start3A_108 = tpu.memref_slice %arg5[%add3A_13, %dma_start3A_107] : memref<2560x125xi32, #tpu.memory_space<hbm>> -> memref<16x125xi32, #tpu.memory_space<hbm>>
        %dma_start3A_109 = arith.constant 0 : i32
        %dma_start3A_110 = arith.constant 0 : i32
        %dma_start3A_111 = tpu.memref_slice %arg10[%run_scoped3A_14, %dma_start3A_109, %dma_start3A_110] : memref<3x16x125xi32, #tpu.memory_space<vmem>> -> memref<1x16x125xi32, #tpu.memory_space<vmem>>
        %dma_start3A_112 = tpu.memref_squeeze %dma_start3A_111 : memref<1x16x125xi32, #tpu.memory_space<vmem>> -> memref<16x125xi32, #tpu.memory_space<vmem>>
        %dma_start3A_113 = arith.constant 0 : i32
        %dma_start3A_114 = tpu.memref_slice %arg5[%add3A_13, %dma_start3A_113] : memref<2560x125xi32, #tpu.memory_space<hbm>> -> memref<16x125xi32, #tpu.memory_space<hbm>>
        tpu.enqueue_dma source(%dma_start3A_114 : memref<16x125xi32, #tpu.memory_space<hbm>>) target(%dma_start3A_112 : memref<16x125xi32, #tpu.memory_space<vmem>>) target_semaphore(%run_scoped3A_102 : memref<!tpu.dma_semaphore, #tpu.memory_space<semaphore_mem>>)
        %dma_wait3A_115 = arith.constant 0 : i32
        %dma_wait3A_116 = arith.constant 0 : i32
        %dma_wait3A_117 = tpu.memref_slice %arg10[%run_scoped3A_14, %dma_wait3A_115, %dma_wait3A_116] : memref<3x16x125xi32, #tpu.memory_space<vmem>> -> memref<1x16x125xi32, #tpu.memory_space<vmem>>
        %dma_wait3A_118 = tpu.memref_squeeze %dma_wait3A_117 : memref<1x16x125xi32, #tpu.memory_space<vmem>> -> memref<16x125xi32, #tpu.memory_space<vmem>>
        %dma_wait3A_119 = arith.constant 0 : i32
        %dma_wait3A_120 = tpu.memref_slice %arg5[%add3A_13, %dma_wait3A_119] : memref<2560x125xi32, #tpu.memory_space<hbm>> -> memref<16x125xi32, #tpu.memory_space<hbm>>
        %dma_wait3A_121 = arith.constant 0 : i32
        %dma_wait3A_122 = arith.constant 0 : i32
        %dma_wait3A_123 = tpu.memref_slice %arg10[%run_scoped3A_14, %dma_wait3A_121, %dma_wait3A_122] : memref<3x16x125xi32, #tpu.memory_space<vmem>> -> memref<1x16x125xi32, #tpu.memory_space<vmem>>
        %dma_wait3A_124 = tpu.memref_squeeze %dma_wait3A_123 : memref<1x16x125xi32, #tpu.memory_space<vmem>> -> memref<16x125xi32, #tpu.memory_space<vmem>>
        %dma_wait3A_125 = arith.constant 0 : i32
        %dma_wait3A_126 = tpu.memref_slice %arg5[%add3A_13, %dma_wait3A_125] : memref<2560x125xi32, #tpu.memory_space<hbm>> -> memref<16x125xi32, #tpu.memory_space<hbm>>
        tpu.wait_dma2 semaphore(%run_scoped3A_102 : memref<!tpu.dma_semaphore, #tpu.memory_space<semaphore_mem>>) src(%dma_wait3A_126 : memref<16x125xi32, #tpu.memory_space<hbm>>) dst(%dma_wait3A_124 : memref<16x125xi32, #tpu.memory_space<vmem>>)
        tpu.yield
      }) : () -> ()
      %add3A_15 = arith.constant 16 : i32
      %add3A_16 = arith.addi %mul3A_2, %add3A_15 : i32
      %dma_start3A = arith.constant 1 : i32
      %dma_start3A_17 = arith.constant 1 : i32
      %dma_start3A_18 = arith.constant 0 : i32
      %dma_start3A_19 = arith.constant 0 : i32
      %dma_start3A_20 = tpu.memref_slice %arg9[%dma_start3A, %dma_start3A_18, %dma_start3A_19] : memref<2x16x125xi32, #tpu.memory_space<vmem>> -> memref<1x16x125xi32, #tpu.memory_space<vmem>>
      %dma_start3A_21 = tpu.memref_squeeze %dma_start3A_20 : memref<1x16x125xi32, #tpu.memory_space<vmem>> -> memref<16x125xi32, #tpu.memory_space<vmem>>
      %dma_start3A_22 = arith.constant 0 : i32
      %dma_start3A_23 = tpu.memref_slice %arg4[%add3A_16, %dma_start3A_22] : memref<2560x125xi32, #tpu.memory_space<hbm>> -> memref<16x125xi32, #tpu.memory_space<hbm>>
      %dma_start3A_24 = tpu.memref_slice %arg13[%dma_start3A_17] : memref<2x!tpu.dma_semaphore, #tpu.memory_space<semaphore_mem>> -> memref<1x!tpu.dma_semaphore, #tpu.memory_space<semaphore_mem>>
      %dma_start3A_25 = tpu.memref_squeeze %dma_start3A_24 : memref<1x!tpu.dma_semaphore, #tpu.memory_space<semaphore_mem>> -> memref<!tpu.dma_semaphore, #tpu.memory_space<semaphore_mem>>
      %dma_start3A_26 = arith.constant 0 : i32
      %dma_start3A_27 = arith.constant 0 : i32
      %dma_start3A_28 = tpu.memref_slice %arg9[%dma_start3A, %dma_start3A_26, %dma_start3A_27] : memref<2x16x125xi32, #tpu.memory_space<vmem>> -> memref<1x16x125xi32, #tpu.memory_space<vmem>>
      %dma_start3A_29 = tpu.memref_squeeze %dma_start3A_28 : memref<1x16x125xi32, #tpu.memory_space<vmem>> -> memref<16x125xi32, #tpu.memory_space<vmem>>
      %dma_start3A_30 = arith.constant 0 : i32
      %dma_start3A_31 = tpu.memref_slice %arg4[%add3A_16, %dma_start3A_30] : memref<2560x125xi32, #tpu.memory_space<hbm>> -> memref<16x125xi32, #tpu.memory_space<hbm>>
      tpu.enqueue_dma source(%dma_start3A_31 : memref<16x125xi32, #tpu.memory_space<hbm>>) target(%dma_start3A_29 : memref<16x125xi32, #tpu.memory_space<vmem>>) target_semaphore(%dma_start3A_25 : memref<!tpu.dma_semaphore, #tpu.memory_space<semaphore_mem>>)
      %add3A_32 = arith.constant 16 : i32
      %add3A_33 = arith.addi %mul3A_2, %add3A_32 : i32
      %dma_start3A_34 = arith.constant 1 : i32
      %dma_start3A_35 = arith.constant 1 : i32
      %dma_start3A_36 = arith.constant 0 : i32
      %dma_start3A_37 = arith.constant 0 : i32
      %dma_start3A_38 = tpu.memref_slice %arg10[%dma_start3A_34, %dma_start3A_36, %dma_start3A_37] : memref<3x16x125xi32, #tpu.memory_space<vmem>> -> memref<1x16x125xi32, #tpu.memory_space<vmem>>
      %dma_start3A_39 = tpu.memref_squeeze %dma_start3A_38 : memref<1x16x125xi32, #tpu.memory_space<vmem>> -> memref<16x125xi32, #tpu.memory_space<vmem>>
      %dma_start3A_40 = arith.constant 0 : i32
      %dma_start3A_41 = tpu.memref_slice %arg5[%add3A_33, %dma_start3A_40] : memref<2560x125xi32, #tpu.memory_space<hbm>> -> memref<16x125xi32, #tpu.memory_space<hbm>>
      %dma_start3A_42 = tpu.memref_slice %arg13[%dma_start3A_35] : memref<2x!tpu.dma_semaphore, #tpu.memory_space<semaphore_mem>> -> memref<1x!tpu.dma_semaphore, #tpu.memory_space<semaphore_mem>>
      %dma_start3A_43 = tpu.memref_squeeze %dma_start3A_42 : memref<1x!tpu.dma_semaphore, #tpu.memory_space<semaphore_mem>> -> memref<!tpu.dma_semaphore, #tpu.memory_space<semaphore_mem>>
      %dma_start3A_44 = arith.constant 0 : i32
      %dma_start3A_45 = arith.constant 0 : i32
      %dma_start3A_46 = tpu.memref_slice %arg10[%dma_start3A_34, %dma_start3A_44, %dma_start3A_45] : memref<3x16x125xi32, #tpu.memory_space<vmem>> -> memref<1x16x125xi32, #tpu.memory_space<vmem>>
      %dma_start3A_47 = tpu.memref_squeeze %dma_start3A_46 : memref<1x16x125xi32, #tpu.memory_space<vmem>> -> memref<16x125xi32, #tpu.memory_space<vmem>>
      %dma_start3A_48 = arith.constant 0 : i32
      %dma_start3A_49 = tpu.memref_slice %arg5[%add3A_33, %dma_start3A_48] : memref<2560x125xi32, #tpu.memory_space<hbm>> -> memref<16x125xi32, #tpu.memory_space<hbm>>
      tpu.enqueue_dma source(%dma_start3A_49 : memref<16x125xi32, #tpu.memory_space<hbm>>) target(%dma_start3A_47 : memref<16x125xi32, #tpu.memory_space<vmem>>) target_semaphore(%dma_start3A_43 : memref<!tpu.dma_semaphore, #tpu.memory_space<semaphore_mem>>)
      %dma_start3A_50 = arith.constant 0 : i32
      %dma_start3A_51 = arith.constant 0 : i32
      %dma_start3A_52 = arith.constant 0 : i32
      %dma_start3A_53 = arith.constant 0 : i32
      %dma_start3A_54 = arith.constant 0 : i32
      %dma_start3A_55 = arith.constant 0 : i32
      %dma_start3A_56 = tpu.memref_slice %arg11[%dma_start3A_52, %dma_start3A_54, %dma_start3A_55] : memref<2x125x128xf32, #tpu.memory_space<vmem>> -> memref<1x125x128xf32, #tpu.memory_space<vmem>>
      %dma_start3A_57 = tpu.memref_squeeze %dma_start3A_56 : memref<1x125x128xf32, #tpu.memory_space<vmem>> -> memref<125x128xf32, #tpu.memory_space<vmem>>
      %dma_start3A_58 = arith.constant 0 : i32
      %dma_start3A_59 = tpu.memref_slice %arg9[%dma_start3A_50, %dma_start3A_51, %dma_start3A_58] : memref<2x16x125xi32, #tpu.memory_space<vmem>> -> memref<1x1x125xi32, #tpu.memory_space<vmem>>
      %dma_start3A_60 = tpu.memref_squeeze %dma_start3A_59 : memref<1x1x125xi32, #tpu.memory_space<vmem>> -> memref<125xi32, #tpu.memory_space<vmem>>
      %dma_start3A_61 = arith.constant 0 : i32
      %dma_start3A_62 = arith.constant 0 : i32
      %dma_start3A_63 = tpu.memref_slice %arg3[%dma_start3A_61, %dma_start3A_62] : memref<10000x128xf32, #tpu.memory_space<hbm>> -> memref<10000x128xf32, #tpu.memory_space<hbm>>
      %dma_start3A_64 = tpu.memref_slice %arg12[%dma_start3A_53] : memref<2x!tpu.dma_semaphore, #tpu.memory_space<semaphore_mem>> -> memref<1x!tpu.dma_semaphore, #tpu.memory_space<semaphore_mem>>
      %dma_start3A_65 = tpu.memref_squeeze %dma_start3A_64 : memref<1x!tpu.dma_semaphore, #tpu.memory_space<semaphore_mem>> -> memref<!tpu.dma_semaphore, #tpu.memory_space<semaphore_mem>>
      tpu.enqueue_indirect_dma source(%dma_start3A_63 : memref<10000x128xf32, #tpu.memory_space<hbm>>) target(%dma_start3A_57 : memref<125x128xf32, #tpu.memory_space<vmem>>) offsets(%dma_start3A_60 : memref<125xi32, #tpu.memory_space<vmem>>) semaphore(%dma_start3A_65 : memref<!tpu.dma_semaphore, #tpu.memory_space<semaphore_mem>>)
      %scan3A = arith.constant 0 : i32
      %scan3A_66 = arith.constant 1 : i32
      %scan3A_67 = arith.constant 160 : i32
      %scan3A_68 = arith.addi %scan3A_66, %scan3A_67 : i32
      %scan3A_69 = arith.constant 1 : i32
      scf.for %scan3A_102 = %scan3A_66 to %scan3A_68 step %scan3A_69  : i32 {
        %jit3A = arith.constant 16 : i32
        %div3A = arith.divsi %scan3A_102, %jit3A : i32
        %sign3A = arith.constant 0 : i32
        %sign3A_103 = arith.cmpi sgt, %scan3A_102, %sign3A : i32
        %sign3A_104 = arith.extui %sign3A_103 : i1 to i32
        %sign3A_105 = arith.constant 0 : i32
        %sign3A_106 = arith.cmpi slt, %scan3A_102, %sign3A_105 : i32
        %sign3A_107 = arith.extui %sign3A_106 : i1 to i32
        %sign3A_108 = arith.subi %sign3A_104, %sign3A_107 : i32
        %sign3A_109 = arith.constant 0 : i32
        %sign3A_110 = arith.cmpi sgt, %jit3A, %sign3A_109 : i32
        %sign3A_111 = arith.extui %sign3A_110 : i1 to i32
        %sign3A_112 = arith.constant 0 : i32
        %sign3A_113 = arith.cmpi slt, %jit3A, %sign3A_112 : i32
        %sign3A_114 = arith.extui %sign3A_113 : i1 to i32
        %sign3A_115 = arith.subi %sign3A_111, %sign3A_114 : i32
        %ne3A = arith.cmpi ne, %sign3A_108, %sign3A_115 : i32
        %rem3A = arith.remsi %scan3A_102, %jit3A : i32
        %ne3A_116 = arith.constant 0 : i32
        %ne3A_117 = arith.cmpi ne, %rem3A, %ne3A_116 : i32
        %and3A = arith.andi %ne3A, %ne3A_117 : i1
        %sub3A = arith.constant 1 : i32
        %sub3A_118 = arith.subi %div3A, %sub3A : i32
        %select_n3A = arith.select %and3A, %sub3A_118, %div3A : i32
        %jit3A_119 = arith.constant 16 : i32
        %eq3A_120 = arith.constant 0 : i32
        %eq3A_121 = arith.cmpi eq, %jit3A_119, %eq3A_120 : i32
        %jit3A_122 = arith.constant 1 : i32
        %select_n3A_123 = arith.select %eq3A_121, %jit3A_122, %jit3A_119 : i32
        %rem3A_124 = arith.remsi %scan3A_102, %select_n3A_123 : i32
        %ne3A_125 = arith.constant 0 : i32
        %ne3A_126 = arith.cmpi ne, %rem3A_124, %ne3A_125 : i32
        %lt3A = arith.constant 0 : i32
        %lt3A_127 = arith.cmpi slt, %rem3A_124, %lt3A : i32
        %lt3A_128 = arith.constant 0 : i32
        %lt3A_129 = arith.cmpi slt, %select_n3A_123, %lt3A_128 : i32
        %ne3A_130 = arith.xori %lt3A_127, %lt3A_129 : i1
        %and3A_131 = arith.andi %ne3A_130, %ne3A_126 : i1
        %add3A_132 = arith.addi %rem3A_124, %select_n3A_123 : i32
        %select_n3A_133 = arith.select %and3A_131, %add3A_132, %rem3A_124 : i32
        %lt3A_134 = arith.constant 160 : i32
        %lt3A_135 = arith.cmpi slt, %scan3A_102, %lt3A_134 : i32
        %eq3A_136 = arith.constant 0 : i32
        %eq3A_137 = arith.cmpi eq, %select_n3A_133, %eq3A_136 : i32
        %and3A_138 = arith.andi %lt3A_135, %eq3A_137 : i1
        %convert_element_type3A_139 = arith.extui %and3A_138 : i1 to i32
        %cond3A_140 = arith.constant 0 : i32
        %cond3A_141 = arith.cmpi ne, %convert_element_type3A_139, %cond3A_140 : i32
        scf.if %cond3A_141 {
          %jit3A_330 = arith.constant 2 : i32
          %eq3A_331 = arith.constant 0 : i32
          %eq3A_332 = arith.cmpi eq, %jit3A_330, %eq3A_331 : i32
          %jit3A_333 = arith.constant 1 : i32
          %select_n3A_334 = arith.select %eq3A_332, %jit3A_333, %jit3A_330 : i32
          %rem3A_335 = arith.remsi %select_n3A, %select_n3A_334 : i32
          %ne3A_336 = arith.constant 0 : i32
          %ne3A_337 = arith.cmpi ne, %rem3A_335, %ne3A_336 : i32
          %lt3A_338 = arith.constant 0 : i32
          %lt3A_339 = arith.cmpi slt, %rem3A_335, %lt3A_338 : i32
          %lt3A_340 = arith.constant 0 : i32
          %lt3A_341 = arith.cmpi slt, %select_n3A_334, %lt3A_340 : i32
          %ne3A_342 = arith.xori %lt3A_339, %lt3A_341 : i1
          %and3A_343 = arith.andi %ne3A_342, %ne3A_337 : i1
          %add3A_344 = arith.addi %rem3A_335, %select_n3A_334 : i32
          %select_n3A_345 = arith.select %and3A_343, %add3A_344, %rem3A_335 : i32
          %jit3A_346 = arith.constant 3 : i32
          %eq3A_347 = arith.constant 0 : i32
          %eq3A_348 = arith.cmpi eq, %jit3A_346, %eq3A_347 : i32
          %jit3A_349 = arith.constant 1 : i32
          %select_n3A_350 = arith.select %eq3A_348, %jit3A_349, %jit3A_346 : i32
          %rem3A_351 = arith.remsi %select_n3A, %select_n3A_350 : i32
          %ne3A_352 = arith.constant 0 : i32
          %ne3A_353 = arith.cmpi ne, %rem3A_351, %ne3A_352 : i32
          %lt3A_354 = arith.constant 0 : i32
          %lt3A_355 = arith.cmpi slt, %rem3A_351, %lt3A_354 : i32
          %lt3A_356 = arith.constant 0 : i32
          %lt3A_357 = arith.cmpi slt, %select_n3A_350, %lt3A_356 : i32
          %ne3A_358 = arith.xori %lt3A_355, %lt3A_357 : i1
          %and3A_359 = arith.andi %ne3A_358, %ne3A_353 : i1
          %add3A_360 = arith.addi %rem3A_351, %select_n3A_350 : i32
          %select_n3A_361 = arith.select %and3A_359, %add3A_360, %rem3A_351 : i32
          %mul3A_362 = arith.constant 16 : i32
          %mul3A_363 = arith.muli %select_n3A, %mul3A_362 : i32
          %add3A_364 = arith.addi %mul3A_2, %mul3A_363 : i32
          %dma_wait3A_365 = arith.constant 0 : i32
          %dma_wait3A_366 = arith.constant 0 : i32
          %dma_wait3A_367 = tpu.memref_slice %arg9[%select_n3A_345, %dma_wait3A_365, %dma_wait3A_366] : memref<2x16x125xi32, #tpu.memory_space<vmem>> -> memref<1x16x125xi32, #tpu.memory_space<vmem>>
          %dma_wait3A_368 = tpu.memref_squeeze %dma_wait3A_367 : memref<1x16x125xi32, #tpu.memory_space<vmem>> -> memref<16x125xi32, #tpu.memory_space<vmem>>
          %dma_wait3A_369 = arith.constant 0 : i32
          %dma_wait3A_370 = tpu.memref_slice %arg4[%add3A_364, %dma_wait3A_369] : memref<2560x125xi32, #tpu.memory_space<hbm>> -> memref<16x125xi32, #tpu.memory_space<hbm>>
          %dma_wait3A_371 = tpu.memref_slice %arg13[%select_n3A_345] : memref<2x!tpu.dma_semaphore, #tpu.memory_space<semaphore_mem>> -> memref<1x!tpu.dma_semaphore, #tpu.memory_space<semaphore_mem>>
          %dma_wait3A_372 = tpu.memref_squeeze %dma_wait3A_371 : memref<1x!tpu.dma_semaphore, #tpu.memory_space<semaphore_mem>> -> memref<!tpu.dma_semaphore, #tpu.memory_space<semaphore_mem>>
          %dma_wait3A_373 = arith.constant 0 : i32
          %dma_wait3A_374 = arith.constant 0 : i32
          %dma_wait3A_375 = tpu.memref_slice %arg9[%select_n3A_345, %dma_wait3A_373, %dma_wait3A_374] : memref<2x16x125xi32, #tpu.memory_space<vmem>> -> memref<1x16x125xi32, #tpu.memory_space<vmem>>
          %dma_wait3A_376 = tpu.memref_squeeze %dma_wait3A_375 : memref<1x16x125xi32, #tpu.memory_space<vmem>> -> memref<16x125xi32, #tpu.memory_space<vmem>>
          %dma_wait3A_377 = arith.constant 0 : i32
          %dma_wait3A_378 = tpu.memref_slice %arg4[%add3A_364, %dma_wait3A_377] : memref<2560x125xi32, #tpu.memory_space<hbm>> -> memref<16x125xi32, #tpu.memory_space<hbm>>
          tpu.wait_dma2 semaphore(%dma_wait3A_372 : memref<!tpu.dma_semaphore, #tpu.memory_space<semaphore_mem>>) src(%dma_wait3A_378 : memref<16x125xi32, #tpu.memory_space<hbm>>) dst(%dma_wait3A_376 : memref<16x125xi32, #tpu.memory_space<vmem>>)
          %mul3A_379 = arith.constant 16 : i32
          %mul3A_380 = arith.muli %select_n3A, %mul3A_379 : i32
          %add3A_381 = arith.addi %mul3A_2, %mul3A_380 : i32
          %dma_wait3A_382 = arith.constant 0 : i32
          %dma_wait3A_383 = arith.constant 0 : i32
          %dma_wait3A_384 = tpu.memref_slice %arg10[%select_n3A_361, %dma_wait3A_382, %dma_wait3A_383] : memref<3x16x125xi32, #tpu.memory_space<vmem>> -> memref<1x16x125xi32, #tpu.memory_space<vmem>>
          %dma_wait3A_385 = tpu.memref_squeeze %dma_wait3A_384 : memref<1x16x125xi32, #tpu.memory_space<vmem>> -> memref<16x125xi32, #tpu.memory_space<vmem>>
          %dma_wait3A_386 = arith.constant 0 : i32
          %dma_wait3A_387 = tpu.memref_slice %arg5[%add3A_381, %dma_wait3A_386] : memref<2560x125xi32, #tpu.memory_space<hbm>> -> memref<16x125xi32, #tpu.memory_space<hbm>>
          %dma_wait3A_388 = tpu.memref_slice %arg13[%select_n3A_345] : memref<2x!tpu.dma_semaphore, #tpu.memory_space<semaphore_mem>> -> memref<1x!tpu.dma_semaphore, #tpu.memory_space<semaphore_mem>>
          %dma_wait3A_389 = tpu.memref_squeeze %dma_wait3A_388 : memref<1x!tpu.dma_semaphore, #tpu.memory_space<semaphore_mem>> -> memref<!tpu.dma_semaphore, #tpu.memory_space<semaphore_mem>>
          %dma_wait3A_390 = arith.constant 0 : i32
          %dma_wait3A_391 = arith.constant 0 : i32
          %dma_wait3A_392 = tpu.memref_slice %arg10[%select_n3A_361, %dma_wait3A_390, %dma_wait3A_391] : memref<3x16x125xi32, #tpu.memory_space<vmem>> -> memref<1x16x125xi32, #tpu.memory_space<vmem>>
          %dma_wait3A_393 = tpu.memref_squeeze %dma_wait3A_392 : memref<1x16x125xi32, #tpu.memory_space<vmem>> -> memref<16x125xi32, #tpu.memory_space<vmem>>
          %dma_wait3A_394 = arith.constant 0 : i32
          %dma_wait3A_395 = tpu.memref_slice %arg5[%add3A_381, %dma_wait3A_394] : memref<2560x125xi32, #tpu.memory_space<hbm>> -> memref<16x125xi32, #tpu.memory_space<hbm>>
          tpu.wait_dma2 semaphore(%dma_wait3A_389 : memref<!tpu.dma_semaphore, #tpu.memory_space<semaphore_mem>>) src(%dma_wait3A_395 : memref<16x125xi32, #tpu.memory_space<hbm>>) dst(%dma_wait3A_393 : memref<16x125xi32, #tpu.memory_space<vmem>>)
        } else {
        }
        %lt3A_142 = arith.constant 160 : i32
        %lt3A_143 = arith.cmpi slt, %scan3A_102, %lt3A_142 : i32
        %convert_element_type3A_144 = arith.extui %lt3A_143 : i1 to i32
        %cond3A_145 = arith.constant 0 : i32
        %cond3A_146 = arith.cmpi ne, %convert_element_type3A_144, %cond3A_145 : i32
        scf.if %cond3A_146 {
          %ge3A = arith.constant 2 : i32
          %ge3A_330 = arith.cmpi sge, %scan3A_102, %ge3A : i32
          %convert_element_type3A_331 = arith.extui %ge3A_330 : i1 to i32
          %cond3A_332 = arith.constant 0 : i32
          %cond3A_333 = arith.cmpi ne, %convert_element_type3A_331, %cond3A_332 : i32
          scf.if %cond3A_333 {
            %sub3A_418 = arith.constant 2 : i32
            %sub3A_419 = arith.subi %scan3A_102, %sub3A_418 : i32
            %jit3A_420 = arith.constant 16 : i32
            %div3A_421 = arith.divsi %sub3A_419, %jit3A_420 : i32
            %sign3A_422 = arith.constant 0 : i32
            %sign3A_423 = arith.cmpi sgt, %sub3A_419, %sign3A_422 : i32
            %sign3A_424 = arith.extui %sign3A_423 : i1 to i32
            %sign3A_425 = arith.constant 0 : i32
            %sign3A_426 = arith.cmpi slt, %sub3A_419, %sign3A_425 : i32
            %sign3A_427 = arith.extui %sign3A_426 : i1 to i32
            %sign3A_428 = arith.subi %sign3A_424, %sign3A_427 : i32
            %sign3A_429 = arith.constant 0 : i32
            %sign3A_430 = arith.cmpi sgt, %jit3A_420, %sign3A_429 : i32
            %sign3A_431 = arith.extui %sign3A_430 : i1 to i32
            %sign3A_432 = arith.constant 0 : i32
            %sign3A_433 = arith.cmpi slt, %jit3A_420, %sign3A_432 : i32
            %sign3A_434 = arith.extui %sign3A_433 : i1 to i32
            %sign3A_435 = arith.subi %sign3A_431, %sign3A_434 : i32
            %ne3A_436 = arith.cmpi ne, %sign3A_428, %sign3A_435 : i32
            %rem3A_437 = arith.remsi %sub3A_419, %jit3A_420 : i32
            %ne3A_438 = arith.constant 0 : i32
            %ne3A_439 = arith.cmpi ne, %rem3A_437, %ne3A_438 : i32
            %and3A_440 = arith.andi %ne3A_436, %ne3A_439 : i1
            %sub3A_441 = arith.constant 1 : i32
            %sub3A_442 = arith.subi %div3A_421, %sub3A_441 : i32
            %select_n3A_443 = arith.select %and3A_440, %sub3A_442, %div3A_421 : i32
            %jit3A_444 = arith.constant 16 : i32
            %eq3A_445 = arith.constant 0 : i32
            %eq3A_446 = arith.cmpi eq, %jit3A_444, %eq3A_445 : i32
            %jit3A_447 = arith.constant 1 : i32
            %select_n3A_448 = arith.select %eq3A_446, %jit3A_447, %jit3A_444 : i32
            %rem3A_449 = arith.remsi %sub3A_419, %select_n3A_448 : i32
            %ne3A_450 = arith.constant 0 : i32
            %ne3A_451 = arith.cmpi ne, %rem3A_449, %ne3A_450 : i32
            %lt3A_452 = arith.constant 0 : i32
            %lt3A_453 = arith.cmpi slt, %rem3A_449, %lt3A_452 : i32
            %lt3A_454 = arith.constant 0 : i32
            %lt3A_455 = arith.cmpi slt, %select_n3A_448, %lt3A_454 : i32
            %ne3A_456 = arith.xori %lt3A_453, %lt3A_455 : i1
            %and3A_457 = arith.andi %ne3A_456, %ne3A_451 : i1
            %add3A_458 = arith.addi %rem3A_449, %select_n3A_448 : i32
            %select_n3A_459 = arith.select %and3A_457, %add3A_458, %rem3A_449 : i32
            %jit3A_460 = arith.constant 2 : i32
            %eq3A_461 = arith.constant 0 : i32
            %eq3A_462 = arith.cmpi eq, %jit3A_460, %eq3A_461 : i32
            %jit3A_463 = arith.constant 1 : i32
            %select_n3A_464 = arith.select %eq3A_462, %jit3A_463, %jit3A_460 : i32
            %rem3A_465 = arith.remsi %sub3A_419, %select_n3A_464 : i32
            %ne3A_466 = arith.constant 0 : i32
            %ne3A_467 = arith.cmpi ne, %rem3A_465, %ne3A_466 : i32
            %lt3A_468 = arith.constant 0 : i32
            %lt3A_469 = arith.cmpi slt, %rem3A_465, %lt3A_468 : i32
            %lt3A_470 = arith.constant 0 : i32
            %lt3A_471 = arith.cmpi slt, %select_n3A_464, %lt3A_470 : i32
            %ne3A_472 = arith.xori %lt3A_469, %lt3A_471 : i1
            %and3A_473 = arith.andi %ne3A_472, %ne3A_467 : i1
            %add3A_474 = arith.addi %rem3A_465, %select_n3A_464 : i32
            %select_n3A_475 = arith.select %and3A_473, %add3A_474, %rem3A_465 : i32
            %jit3A_476 = arith.constant 3 : i32
            %eq3A_477 = arith.constant 0 : i32
            %eq3A_478 = arith.cmpi eq, %jit3A_476, %eq3A_477 : i32
            %jit3A_479 = arith.constant 1 : i32
            %select_n3A_480 = arith.select %eq3A_478, %jit3A_479, %jit3A_476 : i32
            %rem3A_481 = arith.remsi %select_n3A_443, %select_n3A_480 : i32
            %ne3A_482 = arith.constant 0 : i32
            %ne3A_483 = arith.cmpi ne, %rem3A_481, %ne3A_482 : i32
            %lt3A_484 = arith.constant 0 : i32
            %lt3A_485 = arith.cmpi slt, %rem3A_481, %lt3A_484 : i32
            %lt3A_486 = arith.constant 0 : i32
            %lt3A_487 = arith.cmpi slt, %select_n3A_480, %lt3A_486 : i32
            %ne3A_488 = arith.xori %lt3A_485, %lt3A_487 : i1
            %and3A_489 = arith.andi %ne3A_488, %ne3A_483 : i1
            %add3A_490 = arith.addi %rem3A_481, %select_n3A_480 : i32
            %select_n3A_491 = arith.select %and3A_489, %add3A_490, %rem3A_481 : i32
            %dma_wait3A_492 = arith.constant 0 : i32
            %dma_wait3A_493 = arith.constant 0 : i32
            %dma_wait3A_494 = tpu.memref_slice %arg11[%select_n3A_475, %dma_wait3A_492, %dma_wait3A_493] : memref<2x125x128xf32, #tpu.memory_space<vmem>> -> memref<1x125x128xf32, #tpu.memory_space<vmem>>
            %dma_wait3A_495 = tpu.memref_squeeze %dma_wait3A_494 : memref<1x125x128xf32, #tpu.memory_space<vmem>> -> memref<125x128xf32, #tpu.memory_space<vmem>>
            %dma_wait3A_496 = arith.constant 0 : i32
            %dma_wait3A_497 = tpu.memref_slice %arg10[%select_n3A_491, %select_n3A_459, %dma_wait3A_496] : memref<3x16x125xi32, #tpu.memory_space<vmem>> -> memref<1x1x125xi32, #tpu.memory_space<vmem>>
            %dma_wait3A_498 = tpu.memref_squeeze %dma_wait3A_497 : memref<1x1x125xi32, #tpu.memory_space<vmem>> -> memref<125xi32, #tpu.memory_space<vmem>>
            %dma_wait3A_499 = arith.constant 0 : i32
            %dma_wait3A_500 = arith.constant 0 : i32
            %dma_wait3A_501 = tpu.memref_slice %arg8[%dma_wait3A_499, %dma_wait3A_500] : memref<10240x128xf32, #tpu.memory_space<vmem_shared>> -> memref<10240x128xf32, #tpu.memory_space<vmem_shared>>
            %dma_wait3A_502 = tpu.memref_slice %arg14[%select_n3A_475] : memref<2x!tpu.dma_semaphore, #tpu.memory_space<semaphore_mem>> -> memref<1x!tpu.dma_semaphore, #tpu.memory_space<semaphore_mem>>
            %dma_wait3A_503 = tpu.memref_squeeze %dma_wait3A_502 : memref<1x!tpu.dma_semaphore, #tpu.memory_space<semaphore_mem>> -> memref<!tpu.dma_semaphore, #tpu.memory_space<semaphore_mem>>
            tpu.wait_indirect_dma semaphore(%dma_wait3A_503 : memref<!tpu.dma_semaphore, #tpu.memory_space<semaphore_mem>>) src(%dma_wait3A_495 : memref<125x128xf32, #tpu.memory_space<vmem>>) dst(%dma_wait3A_501 : memref<10240x128xf32, #tpu.memory_space<vmem_shared>>)
          } else {
          }
          %jit3A_334 = arith.constant 16 : i32
          %div3A_335 = arith.divsi %scan3A_102, %jit3A_334 : i32
          %sign3A_336 = arith.constant 0 : i32
          %sign3A_337 = arith.cmpi sgt, %scan3A_102, %sign3A_336 : i32
          %sign3A_338 = arith.extui %sign3A_337 : i1 to i32
          %sign3A_339 = arith.constant 0 : i32
          %sign3A_340 = arith.cmpi slt, %scan3A_102, %sign3A_339 : i32
          %sign3A_341 = arith.extui %sign3A_340 : i1 to i32
          %sign3A_342 = arith.subi %sign3A_338, %sign3A_341 : i32
          %sign3A_343 = arith.constant 0 : i32
          %sign3A_344 = arith.cmpi sgt, %jit3A_334, %sign3A_343 : i32
          %sign3A_345 = arith.extui %sign3A_344 : i1 to i32
          %sign3A_346 = arith.constant 0 : i32
          %sign3A_347 = arith.cmpi slt, %jit3A_334, %sign3A_346 : i32
          %sign3A_348 = arith.extui %sign3A_347 : i1 to i32
          %sign3A_349 = arith.subi %sign3A_345, %sign3A_348 : i32
          %ne3A_350 = arith.cmpi ne, %sign3A_342, %sign3A_349 : i32
          %rem3A_351 = arith.remsi %scan3A_102, %jit3A_334 : i32
          %ne3A_352 = arith.constant 0 : i32
          %ne3A_353 = arith.cmpi ne, %rem3A_351, %ne3A_352 : i32
          %and3A_354 = arith.andi %ne3A_350, %ne3A_353 : i1
          %sub3A_355 = arith.constant 1 : i32
          %sub3A_356 = arith.subi %div3A_335, %sub3A_355 : i32
          %select_n3A_357 = arith.select %and3A_354, %sub3A_356, %div3A_335 : i32
          %jit3A_358 = arith.constant 16 : i32
          %eq3A_359 = arith.constant 0 : i32
          %eq3A_360 = arith.cmpi eq, %jit3A_358, %eq3A_359 : i32
          %jit3A_361 = arith.constant 1 : i32
          %select_n3A_362 = arith.select %eq3A_360, %jit3A_361, %jit3A_358 : i32
          %rem3A_363 = arith.remsi %scan3A_102, %select_n3A_362 : i32
          %ne3A_364 = arith.constant 0 : i32
          %ne3A_365 = arith.cmpi ne, %rem3A_363, %ne3A_364 : i32
          %lt3A_366 = arith.constant 0 : i32
          %lt3A_367 = arith.cmpi slt, %rem3A_363, %lt3A_366 : i32
          %lt3A_368 = arith.constant 0 : i32
          %lt3A_369 = arith.cmpi slt, %select_n3A_362, %lt3A_368 : i32
          %ne3A_370 = arith.xori %lt3A_367, %lt3A_369 : i1
          %and3A_371 = arith.andi %ne3A_370, %ne3A_365 : i1
          %add3A_372 = arith.addi %rem3A_363, %select_n3A_362 : i32
          %select_n3A_373 = arith.select %and3A_371, %add3A_372, %rem3A_363 : i32
          %jit3A_374 = arith.constant 2 : i32
          %eq3A_375 = arith.constant 0 : i32
          %eq3A_376 = arith.cmpi eq, %jit3A_374, %eq3A_375 : i32
          %jit3A_377 = arith.constant 1 : i32
          %select_n3A_378 = arith.select %eq3A_376, %jit3A_377, %jit3A_374 : i32
          %rem3A_379 = arith.remsi %scan3A_102, %select_n3A_378 : i32
          %ne3A_380 = arith.constant 0 : i32
          %ne3A_381 = arith.cmpi ne, %rem3A_379, %ne3A_380 : i32
          %lt3A_382 = arith.constant 0 : i32
          %lt3A_383 = arith.cmpi slt, %rem3A_379, %lt3A_382 : i32
          %lt3A_384 = arith.constant 0 : i32
          %lt3A_385 = arith.cmpi slt, %select_n3A_378, %lt3A_384 : i32
          %ne3A_386 = arith.xori %lt3A_383, %lt3A_385 : i1
          %and3A_387 = arith.andi %ne3A_386, %ne3A_381 : i1
          %add3A_388 = arith.addi %rem3A_379, %select_n3A_378 : i32
          %select_n3A_389 = arith.select %and3A_387, %add3A_388, %rem3A_379 : i32
          %jit3A_390 = arith.constant 2 : i32
          %eq3A_391 = arith.constant 0 : i32
          %eq3A_392 = arith.cmpi eq, %jit3A_390, %eq3A_391 : i32
          %jit3A_393 = arith.constant 1 : i32
          %select_n3A_394 = arith.select %eq3A_392, %jit3A_393, %jit3A_390 : i32
          %rem3A_395 = arith.remsi %select_n3A_357, %select_n3A_394 : i32
          %ne3A_396 = arith.constant 0 : i32
          %ne3A_397 = arith.cmpi ne, %rem3A_395, %ne3A_396 : i32
          %lt3A_398 = arith.constant 0 : i32
          %lt3A_399 = arith.cmpi slt, %rem3A_395, %lt3A_398 : i32
          %lt3A_400 = arith.constant 0 : i32
          %lt3A_401 = arith.cmpi slt, %select_n3A_394, %lt3A_400 : i32
          %ne3A_402 = arith.xori %lt3A_399, %lt3A_401 : i1
          %and3A_403 = arith.andi %ne3A_402, %ne3A_397 : i1
          %add3A_404 = arith.addi %rem3A_395, %select_n3A_394 : i32
          %select_n3A_405 = arith.select %and3A_403, %add3A_404, %rem3A_395 : i32
          %dma_start3A_406 = arith.constant 0 : i32
          %dma_start3A_407 = arith.constant 0 : i32
          %dma_start3A_408 = tpu.memref_slice %arg11[%select_n3A_389, %dma_start3A_406, %dma_start3A_407] : memref<2x125x128xf32, #tpu.memory_space<vmem>> -> memref<1x125x128xf32, #tpu.memory_space<vmem>>
          %dma_start3A_409 = tpu.memref_squeeze %dma_start3A_408 : memref<1x125x128xf32, #tpu.memory_space<vmem>> -> memref<125x128xf32, #tpu.memory_space<vmem>>
          %dma_start3A_410 = arith.constant 0 : i32
          %dma_start3A_411 = tpu.memref_slice %arg9[%select_n3A_405, %select_n3A_373, %dma_start3A_410] : memref<2x16x125xi32, #tpu.memory_space<vmem>> -> memref<1x1x125xi32, #tpu.memory_space<vmem>>
          %dma_start3A_412 = tpu.memref_squeeze %dma_start3A_411 : memref<1x1x125xi32, #tpu.memory_space<vmem>> -> memref<125xi32, #tpu.memory_space<vmem>>
          %dma_start3A_413 = arith.constant 0 : i32
          %dma_start3A_414 = arith.constant 0 : i32
          %dma_start3A_415 = tpu.memref_slice %arg3[%dma_start3A_413, %dma_start3A_414] : memref<10000x128xf32, #tpu.memory_space<hbm>> -> memref<10000x128xf32, #tpu.memory_space<hbm>>
          %dma_start3A_416 = tpu.memref_slice %arg12[%select_n3A_389] : memref<2x!tpu.dma_semaphore, #tpu.memory_space<semaphore_mem>> -> memref<1x!tpu.dma_semaphore, #tpu.memory_space<semaphore_mem>>
          %dma_start3A_417 = tpu.memref_squeeze %dma_start3A_416 : memref<1x!tpu.dma_semaphore, #tpu.memory_space<semaphore_mem>> -> memref<!tpu.dma_semaphore, #tpu.memory_space<semaphore_mem>>
          tpu.enqueue_indirect_dma source(%dma_start3A_415 : memref<10000x128xf32, #tpu.memory_space<hbm>>) target(%dma_start3A_409 : memref<125x128xf32, #tpu.memory_space<vmem>>) offsets(%dma_start3A_412 : memref<125xi32, #tpu.memory_space<vmem>>) semaphore(%dma_start3A_417 : memref<!tpu.dma_semaphore, #tpu.memory_space<semaphore_mem>>)
        } else {
        }
        %sub3A_147 = arith.constant 1 : i32
        %sub3A_148 = arith.subi %scan3A_102, %sub3A_147 : i32
        %jit3A_149 = arith.constant 16 : i32
        %div3A_150 = arith.divsi %sub3A_148, %jit3A_149 : i32
        %sign3A_151 = arith.constant 0 : i32
        %sign3A_152 = arith.cmpi sgt, %sub3A_148, %sign3A_151 : i32
        %sign3A_153 = arith.extui %sign3A_152 : i1 to i32
        %sign3A_154 = arith.constant 0 : i32
        %sign3A_155 = arith.cmpi slt, %sub3A_148, %sign3A_154 : i32
        %sign3A_156 = arith.extui %sign3A_155 : i1 to i32
        %sign3A_157 = arith.subi %sign3A_153, %sign3A_156 : i32
        %sign3A_158 = arith.constant 0 : i32
        %sign3A_159 = arith.cmpi sgt, %jit3A_149, %sign3A_158 : i32
        %sign3A_160 = arith.extui %sign3A_159 : i1 to i32
        %sign3A_161 = arith.constant 0 : i32
        %sign3A_162 = arith.cmpi slt, %jit3A_149, %sign3A_161 : i32
        %sign3A_163 = arith.extui %sign3A_162 : i1 to i32
        %sign3A_164 = arith.subi %sign3A_160, %sign3A_163 : i32
        %ne3A_165 = arith.cmpi ne, %sign3A_157, %sign3A_164 : i32
        %rem3A_166 = arith.remsi %sub3A_148, %jit3A_149 : i32
        %ne3A_167 = arith.constant 0 : i32
        %ne3A_168 = arith.cmpi ne, %rem3A_166, %ne3A_167 : i32
        %and3A_169 = arith.andi %ne3A_165, %ne3A_168 : i1
        %sub3A_170 = arith.constant 1 : i32
        %sub3A_171 = arith.subi %div3A_150, %sub3A_170 : i32
        %select_n3A_172 = arith.select %and3A_169, %sub3A_171, %div3A_150 : i32
        %jit3A_173 = arith.constant 16 : i32
        %eq3A_174 = arith.constant 0 : i32
        %eq3A_175 = arith.cmpi eq, %jit3A_173, %eq3A_174 : i32
        %jit3A_176 = arith.constant 1 : i32
        %select_n3A_177 = arith.select %eq3A_175, %jit3A_176, %jit3A_173 : i32
        %rem3A_178 = arith.remsi %sub3A_148, %select_n3A_177 : i32
        %ne3A_179 = arith.constant 0 : i32
        %ne3A_180 = arith.cmpi ne, %rem3A_178, %ne3A_179 : i32
        %lt3A_181 = arith.constant 0 : i32
        %lt3A_182 = arith.cmpi slt, %rem3A_178, %lt3A_181 : i32
        %lt3A_183 = arith.constant 0 : i32
        %lt3A_184 = arith.cmpi slt, %select_n3A_177, %lt3A_183 : i32
        %ne3A_185 = arith.xori %lt3A_182, %lt3A_184 : i1
        %and3A_186 = arith.andi %ne3A_185, %ne3A_180 : i1
        %add3A_187 = arith.addi %rem3A_178, %select_n3A_177 : i32
        %select_n3A_188 = arith.select %and3A_186, %add3A_187, %rem3A_178 : i32
        %jit3A_189 = arith.constant 2 : i32
        %eq3A_190 = arith.constant 0 : i32
        %eq3A_191 = arith.cmpi eq, %jit3A_189, %eq3A_190 : i32
        %jit3A_192 = arith.constant 1 : i32
        %select_n3A_193 = arith.select %eq3A_191, %jit3A_192, %jit3A_189 : i32
        %rem3A_194 = arith.remsi %sub3A_148, %select_n3A_193 : i32
        %ne3A_195 = arith.constant 0 : i32
        %ne3A_196 = arith.cmpi ne, %rem3A_194, %ne3A_195 : i32
        %lt3A_197 = arith.constant 0 : i32
        %lt3A_198 = arith.cmpi slt, %rem3A_194, %lt3A_197 : i32
        %lt3A_199 = arith.constant 0 : i32
        %lt3A_200 = arith.cmpi slt, %select_n3A_193, %lt3A_199 : i32
        %ne3A_201 = arith.xori %lt3A_198, %lt3A_200 : i1
        %and3A_202 = arith.andi %ne3A_201, %ne3A_196 : i1
        %add3A_203 = arith.addi %rem3A_194, %select_n3A_193 : i32
        %select_n3A_204 = arith.select %and3A_202, %add3A_203, %rem3A_194 : i32
        %jit3A_205 = arith.constant 16 : i32
        %div3A_206 = arith.divsi %sub3A_148, %jit3A_205 : i32
        %sign3A_207 = arith.constant 0 : i32
        %sign3A_208 = arith.cmpi sgt, %sub3A_148, %sign3A_207 : i32
        %sign3A_209 = arith.extui %sign3A_208 : i1 to i32
        %sign3A_210 = arith.constant 0 : i32
        %sign3A_211 = arith.cmpi slt, %sub3A_148, %sign3A_210 : i32
        %sign3A_212 = arith.extui %sign3A_211 : i1 to i32
        %sign3A_213 = arith.subi %sign3A_209, %sign3A_212 : i32
        %sign3A_214 = arith.constant 0 : i32
        %sign3A_215 = arith.cmpi sgt, %jit3A_205, %sign3A_214 : i32
        %sign3A_216 = arith.extui %sign3A_215 : i1 to i32
        %sign3A_217 = arith.constant 0 : i32
        %sign3A_218 = arith.cmpi slt, %jit3A_205, %sign3A_217 : i32
        %sign3A_219 = arith.extui %sign3A_218 : i1 to i32
        %sign3A_220 = arith.subi %sign3A_216, %sign3A_219 : i32
        %ne3A_221 = arith.cmpi ne, %sign3A_213, %sign3A_220 : i32
        %rem3A_222 = arith.remsi %sub3A_148, %jit3A_205 : i32
        %ne3A_223 = arith.constant 0 : i32
        %ne3A_224 = arith.cmpi ne, %rem3A_222, %ne3A_223 : i32
        %and3A_225 = arith.andi %ne3A_221, %ne3A_224 : i1
        %sub3A_226 = arith.constant 1 : i32
        %sub3A_227 = arith.subi %div3A_206, %sub3A_226 : i32
        %select_n3A_228 = arith.select %and3A_225, %sub3A_227, %div3A_206 : i32
        %jit3A_229 = arith.constant 16 : i32
        %eq3A_230 = arith.constant 0 : i32
        %eq3A_231 = arith.cmpi eq, %jit3A_229, %eq3A_230 : i32
        %jit3A_232 = arith.constant 1 : i32
        %select_n3A_233 = arith.select %eq3A_231, %jit3A_232, %jit3A_229 : i32
        %rem3A_234 = arith.remsi %sub3A_148, %select_n3A_233 : i32
        %ne3A_235 = arith.constant 0 : i32
        %ne3A_236 = arith.cmpi ne, %rem3A_234, %ne3A_235 : i32
        %lt3A_237 = arith.constant 0 : i32
        %lt3A_238 = arith.cmpi slt, %rem3A_234, %lt3A_237 : i32
        %lt3A_239 = arith.constant 0 : i32
        %lt3A_240 = arith.cmpi slt, %select_n3A_233, %lt3A_239 : i32
        %ne3A_241 = arith.xori %lt3A_238, %lt3A_240 : i1
        %and3A_242 = arith.andi %ne3A_241, %ne3A_236 : i1
        %add3A_243 = arith.addi %rem3A_234, %select_n3A_233 : i32
        %select_n3A_244 = arith.select %and3A_242, %add3A_243, %rem3A_234 : i32
        %jit3A_245 = arith.constant 2 : i32
        %eq3A_246 = arith.constant 0 : i32
        %eq3A_247 = arith.cmpi eq, %jit3A_245, %eq3A_246 : i32
        %jit3A_248 = arith.constant 1 : i32
        %select_n3A_249 = arith.select %eq3A_247, %jit3A_248, %jit3A_245 : i32
        %rem3A_250 = arith.remsi %sub3A_148, %select_n3A_249 : i32
        %ne3A_251 = arith.constant 0 : i32
        %ne3A_252 = arith.cmpi ne, %rem3A_250, %ne3A_251 : i32
        %lt3A_253 = arith.constant 0 : i32
        %lt3A_254 = arith.cmpi slt, %rem3A_250, %lt3A_253 : i32
        %lt3A_255 = arith.constant 0 : i32
        %lt3A_256 = arith.cmpi slt, %select_n3A_249, %lt3A_255 : i32
        %ne3A_257 = arith.xori %lt3A_254, %lt3A_256 : i1
        %and3A_258 = arith.andi %ne3A_257, %ne3A_252 : i1
        %add3A_259 = arith.addi %rem3A_250, %select_n3A_249 : i32
        %select_n3A_260 = arith.select %and3A_258, %add3A_259, %rem3A_250 : i32
        %jit3A_261 = arith.constant 2 : i32
        %eq3A_262 = arith.constant 0 : i32
        %eq3A_263 = arith.cmpi eq, %jit3A_261, %eq3A_262 : i32
        %jit3A_264 = arith.constant 1 : i32
        %select_n3A_265 = arith.select %eq3A_263, %jit3A_264, %jit3A_261 : i32
        %rem3A_266 = arith.remsi %select_n3A_228, %select_n3A_265 : i32
        %ne3A_267 = arith.constant 0 : i32
        %ne3A_268 = arith.cmpi ne, %rem3A_266, %ne3A_267 : i32
        %lt3A_269 = arith.constant 0 : i32
        %lt3A_270 = arith.cmpi slt, %rem3A_266, %lt3A_269 : i32
        %lt3A_271 = arith.constant 0 : i32
        %lt3A_272 = arith.cmpi slt, %select_n3A_265, %lt3A_271 : i32
        %ne3A_273 = arith.xori %lt3A_270, %lt3A_272 : i1
        %and3A_274 = arith.andi %ne3A_273, %ne3A_268 : i1
        %add3A_275 = arith.addi %rem3A_266, %select_n3A_265 : i32
        %select_n3A_276 = arith.select %and3A_274, %add3A_275, %rem3A_266 : i32
        %dma_wait3A_277 = arith.constant 0 : i32
        %dma_wait3A_278 = arith.constant 0 : i32
        %dma_wait3A_279 = tpu.memref_slice %arg11[%select_n3A_260, %dma_wait3A_277, %dma_wait3A_278] : memref<2x125x128xf32, #tpu.memory_space<vmem>> -> memref<1x125x128xf32, #tpu.memory_space<vmem>>
        %dma_wait3A_280 = tpu.memref_squeeze %dma_wait3A_279 : memref<1x125x128xf32, #tpu.memory_space<vmem>> -> memref<125x128xf32, #tpu.memory_space<vmem>>
        %dma_wait3A_281 = arith.constant 0 : i32
        %dma_wait3A_282 = tpu.memref_slice %arg9[%select_n3A_276, %select_n3A_244, %dma_wait3A_281] : memref<2x16x125xi32, #tpu.memory_space<vmem>> -> memref<1x1x125xi32, #tpu.memory_space<vmem>>
        %dma_wait3A_283 = tpu.memref_squeeze %dma_wait3A_282 : memref<1x1x125xi32, #tpu.memory_space<vmem>> -> memref<125xi32, #tpu.memory_space<vmem>>
        %dma_wait3A_284 = arith.constant 0 : i32
        %dma_wait3A_285 = arith.constant 0 : i32
        %dma_wait3A_286 = tpu.memref_slice %arg3[%dma_wait3A_284, %dma_wait3A_285] : memref<10000x128xf32, #tpu.memory_space<hbm>> -> memref<10000x128xf32, #tpu.memory_space<hbm>>
        %dma_wait3A_287 = tpu.memref_slice %arg12[%select_n3A_260] : memref<2x!tpu.dma_semaphore, #tpu.memory_space<semaphore_mem>> -> memref<1x!tpu.dma_semaphore, #tpu.memory_space<semaphore_mem>>
        %dma_wait3A_288 = tpu.memref_squeeze %dma_wait3A_287 : memref<1x!tpu.dma_semaphore, #tpu.memory_space<semaphore_mem>> -> memref<!tpu.dma_semaphore, #tpu.memory_space<semaphore_mem>>
        tpu.wait_indirect_dma semaphore(%dma_wait3A_288 : memref<!tpu.dma_semaphore, #tpu.memory_space<semaphore_mem>>) src(%dma_wait3A_286 : memref<10000x128xf32, #tpu.memory_space<hbm>>) dst(%dma_wait3A_280 : memref<125x128xf32, #tpu.memory_space<vmem>>)
        %jit3A_289 = arith.constant 3 : i32
        %eq3A_290 = arith.constant 0 : i32
        %eq3A_291 = arith.cmpi eq, %jit3A_289, %eq3A_290 : i32
        %jit3A_292 = arith.constant 1 : i32
        %select_n3A_293 = arith.select %eq3A_291, %jit3A_292, %jit3A_289 : i32
        %rem3A_294 = arith.remsi %select_n3A_172, %select_n3A_293 : i32
        %ne3A_295 = arith.constant 0 : i32
        %ne3A_296 = arith.cmpi ne, %rem3A_294, %ne3A_295 : i32
        %lt3A_297 = arith.constant 0 : i32
        %lt3A_298 = arith.cmpi slt, %rem3A_294, %lt3A_297 : i32
        %lt3A_299 = arith.constant 0 : i32
        %lt3A_300 = arith.cmpi slt, %select_n3A_293, %lt3A_299 : i32
        %ne3A_301 = arith.xori %lt3A_298, %lt3A_300 : i1
        %and3A_302 = arith.andi %ne3A_301, %ne3A_296 : i1
        %add3A_303 = arith.addi %rem3A_294, %select_n3A_293 : i32
        %select_n3A_304 = arith.select %and3A_302, %add3A_303, %rem3A_294 : i32
        %dma_start3A_305 = arith.constant 0 : i32
        %dma_start3A_306 = arith.constant 0 : i32
        %dma_start3A_307 = tpu.memref_slice %arg11[%select_n3A_204, %dma_start3A_305, %dma_start3A_306] : memref<2x125x128xf32, #tpu.memory_space<vmem>> -> memref<1x125x128xf32, #tpu.memory_space<vmem>>
        %dma_start3A_308 = tpu.memref_squeeze %dma_start3A_307 : memref<1x125x128xf32, #tpu.memory_space<vmem>> -> memref<125x128xf32, #tpu.memory_space<vmem>>
        %dma_start3A_309 = arith.constant 0 : i32
        %dma_start3A_310 = tpu.memref_slice %arg10[%select_n3A_304, %select_n3A_188, %dma_start3A_309] : memref<3x16x125xi32, #tpu.memory_space<vmem>> -> memref<1x1x125xi32, #tpu.memory_space<vmem>>
        %dma_start3A_311 = tpu.memref_squeeze %dma_start3A_310 : memref<1x1x125xi32, #tpu.memory_space<vmem>> -> memref<125xi32, #tpu.memory_space<vmem>>
        %dma_start3A_312 = arith.constant 0 : i32
        %dma_start3A_313 = arith.constant 0 : i32
        %dma_start3A_314 = tpu.memref_slice %arg8[%dma_start3A_312, %dma_start3A_313] : memref<10240x128xf32, #tpu.memory_space<vmem_shared>> -> memref<10240x128xf32, #tpu.memory_space<vmem_shared>>
        %dma_start3A_315 = tpu.memref_slice %arg14[%select_n3A_204] : memref<2x!tpu.dma_semaphore, #tpu.memory_space<semaphore_mem>> -> memref<1x!tpu.dma_semaphore, #tpu.memory_space<semaphore_mem>>
        %dma_start3A_316 = tpu.memref_squeeze %dma_start3A_315 : memref<1x!tpu.dma_semaphore, #tpu.memory_space<semaphore_mem>> -> memref<!tpu.dma_semaphore, #tpu.memory_space<semaphore_mem>>
        tpu.enqueue_indirect_dma source(%dma_start3A_308 : memref<125x128xf32, #tpu.memory_space<vmem>>) target(%dma_start3A_314 : memref<10240x128xf32, #tpu.memory_space<vmem_shared>>) offsets(%dma_start3A_311 : memref<125xi32, #tpu.memory_space<vmem>>) semaphore(%dma_start3A_316 : memref<!tpu.dma_semaphore, #tpu.memory_space<semaphore_mem>>) {add = true}
        %lt3A_317 = arith.constant 160 : i32
        %lt3A_318 = arith.cmpi slt, %scan3A_102, %lt3A_317 : i32
        %eq3A_319 = arith.constant 0 : i32
        %eq3A_320 = arith.cmpi eq, %select_n3A_133, %eq3A_319 : i32
        %and3A_321 = arith.andi %lt3A_318, %eq3A_320 : i1
        %add3A_322 = arith.constant 1 : i32
        %add3A_323 = arith.addi %select_n3A, %add3A_322 : i32
        %lt3A_324 = arith.constant 10 : i32
        %lt3A_325 = arith.cmpi slt, %add3A_323, %lt3A_324 : i32
        %and3A_326 = arith.andi %and3A_321, %lt3A_325 : i1
        %convert_element_type3A_327 = arith.extui %and3A_326 : i1 to i32
        %cond3A_328 = arith.constant 0 : i32
        %cond3A_329 = arith.cmpi ne, %convert_element_type3A_327, %cond3A_328 : i32
        scf.if %cond3A_329 {
          %add3A_330 = arith.constant 1 : i32
          %add3A_331 = arith.addi %select_n3A, %add3A_330 : i32
          %jit3A_332 = arith.constant 2 : i32
          %eq3A_333 = arith.constant 0 : i32
          %eq3A_334 = arith.cmpi eq, %jit3A_332, %eq3A_333 : i32
          %jit3A_335 = arith.constant 1 : i32
          %select_n3A_336 = arith.select %eq3A_334, %jit3A_335, %jit3A_332 : i32
          %rem3A_337 = arith.remsi %add3A_331, %select_n3A_336 : i32
          %ne3A_338 = arith.constant 0 : i32
          %ne3A_339 = arith.cmpi ne, %rem3A_337, %ne3A_338 : i32
          %lt3A_340 = arith.constant 0 : i32
          %lt3A_341 = arith.cmpi slt, %rem3A_337, %lt3A_340 : i32
          %lt3A_342 = arith.constant 0 : i32
          %lt3A_343 = arith.cmpi slt, %select_n3A_336, %lt3A_342 : i32
          %ne3A_344 = arith.xori %lt3A_341, %lt3A_343 : i1
          %and3A_345 = arith.andi %ne3A_344, %ne3A_339 : i1
          %add3A_346 = arith.addi %rem3A_337, %select_n3A_336 : i32
          %select_n3A_347 = arith.select %and3A_345, %add3A_346, %rem3A_337 : i32
          %add3A_348 = arith.constant 1 : i32
          %add3A_349 = arith.addi %select_n3A, %add3A_348 : i32
          %jit3A_350 = arith.constant 3 : i32
          %eq3A_351 = arith.constant 0 : i32
          %eq3A_352 = arith.cmpi eq, %jit3A_350, %eq3A_351 : i32
          %jit3A_353 = arith.constant 1 : i32
          %select_n3A_354 = arith.select %eq3A_352, %jit3A_353, %jit3A_350 : i32
          %rem3A_355 = arith.remsi %add3A_349, %select_n3A_354 : i32
          %ne3A_356 = arith.constant 0 : i32
          %ne3A_357 = arith.cmpi ne, %rem3A_355, %ne3A_356 : i32
          %lt3A_358 = arith.constant 0 : i32
          %lt3A_359 = arith.cmpi slt, %rem3A_355, %lt3A_358 : i32
          %lt3A_360 = arith.constant 0 : i32
          %lt3A_361 = arith.cmpi slt, %select_n3A_354, %lt3A_360 : i32
          %ne3A_362 = arith.xori %lt3A_359, %lt3A_361 : i1
          %and3A_363 = arith.andi %ne3A_362, %ne3A_357 : i1
          %add3A_364 = arith.addi %rem3A_355, %select_n3A_354 : i32
          %select_n3A_365 = arith.select %and3A_363, %add3A_364, %rem3A_355 : i32
          %add3A_366 = arith.constant 1 : i32
          %add3A_367 = arith.addi %select_n3A, %add3A_366 : i32
          %mul3A_368 = arith.constant 16 : i32
          %mul3A_369 = arith.muli %add3A_367, %mul3A_368 : i32
          %add3A_370 = arith.addi %mul3A_2, %mul3A_369 : i32
          %dma_start3A_371 = arith.constant 0 : i32
          %dma_start3A_372 = arith.constant 0 : i32
          %dma_start3A_373 = tpu.memref_slice %arg9[%select_n3A_347, %dma_start3A_371, %dma_start3A_372] : memref<2x16x125xi32, #tpu.memory_space<vmem>> -> memref<1x16x125xi32, #tpu.memory_space<vmem>>
          %dma_start3A_374 = tpu.memref_squeeze %dma_start3A_373 : memref<1x16x125xi32, #tpu.memory_space<vmem>> -> memref<16x125xi32, #tpu.memory_space<vmem>>
          %dma_start3A_375 = arith.constant 0 : i32
          %dma_start3A_376 = tpu.memref_slice %arg4[%add3A_370, %dma_start3A_375] : memref<2560x125xi32, #tpu.memory_space<hbm>> -> memref<16x125xi32, #tpu.memory_space<hbm>>
          %dma_start3A_377 = tpu.memref_slice %arg13[%select_n3A_347] : memref<2x!tpu.dma_semaphore, #tpu.memory_space<semaphore_mem>> -> memref<1x!tpu.dma_semaphore, #tpu.memory_space<semaphore_mem>>
          %dma_start3A_378 = tpu.memref_squeeze %dma_start3A_377 : memref<1x!tpu.dma_semaphore, #tpu.memory_space<semaphore_mem>> -> memref<!tpu.dma_semaphore, #tpu.memory_space<semaphore_mem>>
          %dma_start3A_379 = arith.constant 0 : i32
          %dma_start3A_380 = arith.constant 0 : i32
          %dma_start3A_381 = tpu.memref_slice %arg9[%select_n3A_347, %dma_start3A_379, %dma_start3A_380] : memref<2x16x125xi32, #tpu.memory_space<vmem>> -> memref<1x16x125xi32, #tpu.memory_space<vmem>>
          %dma_start3A_382 = tpu.memref_squeeze %dma_start3A_381 : memref<1x16x125xi32, #tpu.memory_space<vmem>> -> memref<16x125xi32, #tpu.memory_space<vmem>>
          %dma_start3A_383 = arith.constant 0 : i32
          %dma_start3A_384 = tpu.memref_slice %arg4[%add3A_370, %dma_start3A_383] : memref<2560x125xi32, #tpu.memory_space<hbm>> -> memref<16x125xi32, #tpu.memory_space<hbm>>
          tpu.enqueue_dma source(%dma_start3A_384 : memref<16x125xi32, #tpu.memory_space<hbm>>) target(%dma_start3A_382 : memref<16x125xi32, #tpu.memory_space<vmem>>) target_semaphore(%dma_start3A_378 : memref<!tpu.dma_semaphore, #tpu.memory_space<semaphore_mem>>)
          %add3A_385 = arith.constant 1 : i32
          %add3A_386 = arith.addi %select_n3A, %add3A_385 : i32
          %mul3A_387 = arith.constant 16 : i32
          %mul3A_388 = arith.muli %add3A_386, %mul3A_387 : i32
          %add3A_389 = arith.addi %mul3A_2, %mul3A_388 : i32
          %dma_start3A_390 = arith.constant 0 : i32
          %dma_start3A_391 = arith.constant 0 : i32
          %dma_start3A_392 = tpu.memref_slice %arg10[%select_n3A_365, %dma_start3A_390, %dma_start3A_391] : memref<3x16x125xi32, #tpu.memory_space<vmem>> -> memref<1x16x125xi32, #tpu.memory_space<vmem>>
          %dma_start3A_393 = tpu.memref_squeeze %dma_start3A_392 : memref<1x16x125xi32, #tpu.memory_space<vmem>> -> memref<16x125xi32, #tpu.memory_space<vmem>>
          %dma_start3A_394 = arith.constant 0 : i32
          %dma_start3A_395 = tpu.memref_slice %arg5[%add3A_389, %dma_start3A_394] : memref<2560x125xi32, #tpu.memory_space<hbm>> -> memref<16x125xi32, #tpu.memory_space<hbm>>
          %dma_start3A_396 = tpu.memref_slice %arg13[%select_n3A_347] : memref<2x!tpu.dma_semaphore, #tpu.memory_space<semaphore_mem>> -> memref<1x!tpu.dma_semaphore, #tpu.memory_space<semaphore_mem>>
          %dma_start3A_397 = tpu.memref_squeeze %dma_start3A_396 : memref<1x!tpu.dma_semaphore, #tpu.memory_space<semaphore_mem>> -> memref<!tpu.dma_semaphore, #tpu.memory_space<semaphore_mem>>
          %dma_start3A_398 = arith.constant 0 : i32
          %dma_start3A_399 = arith.constant 0 : i32
          %dma_start3A_400 = tpu.memref_slice %arg10[%select_n3A_365, %dma_start3A_398, %dma_start3A_399] : memref<3x16x125xi32, #tpu.memory_space<vmem>> -> memref<1x16x125xi32, #tpu.memory_space<vmem>>
          %dma_start3A_401 = tpu.memref_squeeze %dma_start3A_400 : memref<1x16x125xi32, #tpu.memory_space<vmem>> -> memref<16x125xi32, #tpu.memory_space<vmem>>
          %dma_start3A_402 = arith.constant 0 : i32
          %dma_start3A_403 = tpu.memref_slice %arg5[%add3A_389, %dma_start3A_402] : memref<2560x125xi32, #tpu.memory_space<hbm>> -> memref<16x125xi32, #tpu.memory_space<hbm>>
          tpu.enqueue_dma source(%dma_start3A_403 : memref<16x125xi32, #tpu.memory_space<hbm>>) target(%dma_start3A_401 : memref<16x125xi32, #tpu.memory_space<vmem>>) target_semaphore(%dma_start3A_397 : memref<!tpu.dma_semaphore, #tpu.memory_space<semaphore_mem>>)
        } else {
        }
      }
      %scan3A_70 = arith.constant 160 : i32
      %dma_wait3A = arith.constant 0 : i32
      %dma_wait3A_71 = arith.constant 0 : i32
      %dma_wait3A_72 = arith.constant 14 : i32
      %dma_wait3A_73 = arith.constant 0 : i32
      %dma_wait3A_74 = arith.constant 0 : i32
      %dma_wait3A_75 = arith.constant 0 : i32
      %dma_wait3A_76 = tpu.memref_slice %arg11[%dma_wait3A, %dma_wait3A_74, %dma_wait3A_75] : memref<2x125x128xf32, #tpu.memory_space<vmem>> -> memref<1x125x128xf32, #tpu.memory_space<vmem>>
      %dma_wait3A_77 = tpu.memref_squeeze %dma_wait3A_76 : memref<1x125x128xf32, #tpu.memory_space<vmem>> -> memref<125x128xf32, #tpu.memory_space<vmem>>
      %dma_wait3A_78 = arith.constant 0 : i32
      %dma_wait3A_79 = tpu.memref_slice %arg10[%dma_wait3A_71, %dma_wait3A_72, %dma_wait3A_78] : memref<3x16x125xi32, #tpu.memory_space<vmem>> -> memref<1x1x125xi32, #tpu.memory_space<vmem>>
      %dma_wait3A_80 = tpu.memref_squeeze %dma_wait3A_79 : memref<1x1x125xi32, #tpu.memory_space<vmem>> -> memref<125xi32, #tpu.memory_space<vmem>>
      %dma_wait3A_81 = arith.constant 0 : i32
      %dma_wait3A_82 = arith.constant 0 : i32
      %dma_wait3A_83 = tpu.memref_slice %arg8[%dma_wait3A_81, %dma_wait3A_82] : memref<10240x128xf32, #tpu.memory_space<vmem_shared>> -> memref<10240x128xf32, #tpu.memory_space<vmem_shared>>
      %dma_wait3A_84 = tpu.memref_slice %arg14[%dma_wait3A_73] : memref<2x!tpu.dma_semaphore, #tpu.memory_space<semaphore_mem>> -> memref<1x!tpu.dma_semaphore, #tpu.memory_space<semaphore_mem>>
      %dma_wait3A_85 = tpu.memref_squeeze %dma_wait3A_84 : memref<1x!tpu.dma_semaphore, #tpu.memory_space<semaphore_mem>> -> memref<!tpu.dma_semaphore, #tpu.memory_space<semaphore_mem>>
      tpu.wait_indirect_dma semaphore(%dma_wait3A_85 : memref<!tpu.dma_semaphore, #tpu.memory_space<semaphore_mem>>) src(%dma_wait3A_77 : memref<125x128xf32, #tpu.memory_space<vmem>>) dst(%dma_wait3A_83 : memref<10240x128xf32, #tpu.memory_space<vmem_shared>>)
      %dma_wait3A_86 = arith.constant 1 : i32
      %dma_wait3A_87 = arith.constant 0 : i32
      %dma_wait3A_88 = arith.constant 15 : i32
      %dma_wait3A_89 = arith.constant 1 : i32
      %dma_wait3A_90 = arith.constant 0 : i32
      %dma_wait3A_91 = arith.constant 0 : i32
      %dma_wait3A_92 = tpu.memref_slice %arg11[%dma_wait3A_86, %dma_wait3A_90, %dma_wait3A_91] : memref<2x125x128xf32, #tpu.memory_space<vmem>> -> memref<1x125x128xf32, #tpu.memory_space<vmem>>
      %dma_wait3A_93 = tpu.memref_squeeze %dma_wait3A_92 : memref<1x125x128xf32, #tpu.memory_space<vmem>> -> memref<125x128xf32, #tpu.memory_space<vmem>>
      %dma_wait3A_94 = arith.constant 0 : i32
      %dma_wait3A_95 = tpu.memref_slice %arg10[%dma_wait3A_87, %dma_wait3A_88, %dma_wait3A_94] : memref<3x16x125xi32, #tpu.memory_space<vmem>> -> memref<1x1x125xi32, #tpu.memory_space<vmem>>
      %dma_wait3A_96 = tpu.memref_squeeze %dma_wait3A_95 : memref<1x1x125xi32, #tpu.memory_space<vmem>> -> memref<125xi32, #tpu.memory_space<vmem>>
      %dma_wait3A_97 = arith.constant 0 : i32
      %dma_wait3A_98 = arith.constant 0 : i32
      %dma_wait3A_99 = tpu.memref_slice %arg8[%dma_wait3A_97, %dma_wait3A_98] : memref<10240x128xf32, #tpu.memory_space<vmem_shared>> -> memref<10240x128xf32, #tpu.memory_space<vmem_shared>>
      %dma_wait3A_100 = tpu.memref_slice %arg14[%dma_wait3A_89] : memref<2x!tpu.dma_semaphore, #tpu.memory_space<semaphore_mem>> -> memref<1x!tpu.dma_semaphore, #tpu.memory_space<semaphore_mem>>
      %dma_wait3A_101 = tpu.memref_squeeze %dma_wait3A_100 : memref<1x!tpu.dma_semaphore, #tpu.memory_space<semaphore_mem>> -> memref<!tpu.dma_semaphore, #tpu.memory_space<semaphore_mem>>
      tpu.wait_indirect_dma semaphore(%dma_wait3A_101 : memref<!tpu.dma_semaphore, #tpu.memory_space<semaphore_mem>>) src(%dma_wait3A_93 : memref<125x128xf32, #tpu.memory_space<vmem>>) dst(%dma_wait3A_99 : memref<10240x128xf32, #tpu.memory_space<vmem_shared>>)
    } else {
    }
    %barrier3A_10 = arith.constant 0 : index
    tpu.barrier barrier_id(%barrier3A_10)
    "tpu.region"() ({
      %run_scoped3A = tpu.sem_alloc : memref<!tpu.dma_semaphore, #tpu.memory_space<semaphore_mem>>
      %dma_start3A = arith.constant 0 : i32
      %dma_start3A_11 = tpu.memref_slice %arg7[%arg0, %mul3A_0, %dma_start3A] : memref<2x10240x128xf32, #tpu.memory_space<hbm>> -> memref<1x640x128xf32, #tpu.memory_space<hbm>>
      %dma_start3A_12 = tpu.memref_squeeze %dma_start3A_11 : memref<1x640x128xf32, #tpu.memory_space<hbm>> -> memref<640x128xf32, #tpu.memory_space<hbm>>
      %dma_start3A_13 = arith.constant 0 : i32
      %dma_start3A_14 = tpu.memref_slice %arg8[%mul3A_0, %dma_start3A_13] : memref<10240x128xf32, #tpu.memory_space<vmem_shared>> -> memref<640x128xf32, #tpu.memory_space<vmem_shared>>
      tpu.enqueue_dma source(%dma_start3A_14 : memref<640x128xf32, #tpu.memory_space<vmem_shared>>) target(%dma_start3A_12 : memref<640x128xf32, #tpu.memory_space<hbm>>) target_semaphore(%run_scoped3A : memref<!tpu.dma_semaphore, #tpu.memory_space<semaphore_mem>>)
      %dma_wait3A = arith.constant 0 : i32
      %dma_wait3A_15 = tpu.memref_slice %arg7[%arg0, %mul3A_0, %dma_wait3A] : memref<2x10240x128xf32, #tpu.memory_space<hbm>> -> memref<1x640x128xf32, #tpu.memory_space<hbm>>
      %dma_wait3A_16 = tpu.memref_squeeze %dma_wait3A_15 : memref<1x640x128xf32, #tpu.memory_space<hbm>> -> memref<640x128xf32, #tpu.memory_space<hbm>>
      %dma_wait3A_17 = arith.constant 0 : i32
      %dma_wait3A_18 = tpu.memref_slice %arg8[%mul3A_0, %dma_wait3A_17] : memref<10240x128xf32, #tpu.memory_space<vmem_shared>> -> memref<640x128xf32, #tpu.memory_space<vmem_shared>>
      tpu.wait_dma2 semaphore(%run_scoped3A : memref<!tpu.dma_semaphore, #tpu.memory_space<semaphore_mem>>) src(%dma_wait3A_18 : memref<640x128xf32, #tpu.memory_space<vmem_shared>>) dst(%dma_wait3A_16 : memref<640x128xf32, #tpu.memory_space<hbm>>)
      tpu.yield
    }) : () -> ()
    return
  }
}

#map = affine_map<(d0, d1) -> (0, 0)>
#map1 = affine_map<(d0, d1) -> (0, 0, 0)>
module attributes {stable_mosaic.version = 14 : i64} {
  func.func @k(%arg0: i32, %arg1: i32, %arg2: memref<10000x128xf32, #tpu.memory_space<hbm>>, %arg3: memref<2560x125xi32, #tpu.memory_space<hbm>>, %arg4: memref<2560x125xi32, #tpu.memory_space<hbm>>, %arg5: memref<640x128xf32, #tpu.memory_space<hbm>>, %arg6: memref<2x10240x128xf32, #tpu.memory_space<hbm>>, %arg7: memref<10240x128xf32, #tpu.memory_space<vmem_shared>>, %arg8: memref<2x16x125xi32, #tpu.memory_space<vmem>>, %arg9: memref<3x16x125xi32, #tpu.memory_space<vmem>>, %arg10: memref<2x125x128xf32, #tpu.memory_space<vmem>>, %arg11: memref<2x!tpu.dma_semaphore, #tpu.memory_space<semaphore_mem>>, %arg12: memref<2x!tpu.dma_semaphore, #tpu.memory_space<semaphore_mem>>, %arg13: memref<2x!tpu.dma_semaphore, #tpu.memory_space<semaphore_mem>>) attributes {dimension_semantics = [#tpu.dimension_semantics<core_parallel>, #tpu.dimension_semantics<subcore_parallel>], iteration_bounds = array<i64: 2, 16>, scalar_prefetch = 0 : i64, scratch_operands = 7 : i64, tpu.core_type = #tpu.core_type<sc_vector_subcore>, window_params = [{transform_indices = #map}, {transform_indices = #map}, {transform_indices = #map}, {transform_indices = #map}, {transform_indices = #map1}]} {
    %mul3A = arith.constant 640 : i32
    %mul3A_0 = arith.muli %arg1, %mul3A : i32
    "tpu.region"() ({
      %run_scoped3A_98 = tpu.sem_alloc : memref<!tpu.dma_semaphore, #tpu.memory_space<semaphore_mem>>
      %dma_start3A_99 = arith.constant 0 : i32
      %dma_start3A_100 = tpu.memref_slice %arg7[%mul3A_0, %dma_start3A_99] : memref<10240x128xf32, #tpu.memory_space<vmem_shared>> -> memref<640x128xf32, #tpu.memory_space<vmem_shared>>
      tpu.enqueue_dma source(%arg5 : memref<640x128xf32, #tpu.memory_space<hbm>>) target(%dma_start3A_100 : memref<640x128xf32, #tpu.memory_space<vmem_shared>>) target_semaphore(%run_scoped3A_98 : memref<!tpu.dma_semaphore, #tpu.memory_space<semaphore_mem>>)
      %dma_wait3A_101 = arith.constant 0 : i32
      %dma_wait3A_102 = tpu.memref_slice %arg7[%mul3A_0, %dma_wait3A_101] : memref<10240x128xf32, #tpu.memory_space<vmem_shared>> -> memref<640x128xf32, #tpu.memory_space<vmem_shared>>
      tpu.wait_dma2 semaphore(%run_scoped3A_98 : memref<!tpu.dma_semaphore, #tpu.memory_space<semaphore_mem>>) src(%arg5 : memref<640x128xf32, #tpu.memory_space<hbm>>) dst(%dma_wait3A_102 : memref<640x128xf32, #tpu.memory_space<vmem_shared>>)
      tpu.yield
    }) : () -> ()
    %mul3A_1 = arith.constant 16 : i32
    %mul3A_2 = arith.muli %arg0, %mul3A_1 : i32
    %add3A = arith.addi %mul3A_2, %arg1 : i32
    %mul3A_3 = arith.constant 80 : i32
    %mul3A_4 = arith.muli %add3A, %mul3A_3 : i32
    %barrier3A = arith.constant 0 : index
    tpu.barrier barrier_id(%barrier3A)
    %add3A_5 = arith.constant 0 : i32
    %add3A_6 = arith.addi %mul3A_4, %add3A_5 : i32
    %run_scoped3A = arith.constant 0 : i32
    "tpu.region"() ({
      %run_scoped3A_98 = tpu.sem_alloc : memref<!tpu.dma_semaphore, #tpu.memory_space<semaphore_mem>>
      %dma_start3A_99 = arith.constant 0 : i32
      %dma_start3A_100 = arith.constant 0 : i32
      %dma_start3A_101 = tpu.memref_slice %arg8[%run_scoped3A, %dma_start3A_99, %dma_start3A_100] : memref<2x16x125xi32, #tpu.memory_space<vmem>> -> memref<1x16x125xi32, #tpu.memory_space<vmem>>
      %dma_start3A_102 = tpu.memref_squeeze %dma_start3A_101 : memref<1x16x125xi32, #tpu.memory_space<vmem>> -> memref<16x125xi32, #tpu.memory_space<vmem>>
      %dma_start3A_103 = arith.constant 0 : i32
      %dma_start3A_104 = tpu.memref_slice %arg3[%add3A_6, %dma_start3A_103] : memref<2560x125xi32, #tpu.memory_space<hbm>> -> memref<16x125xi32, #tpu.memory_space<hbm>>
      %dma_start3A_105 = arith.constant 0 : i32
      %dma_start3A_106 = arith.constant 0 : i32
      %dma_start3A_107 = tpu.memref_slice %arg8[%run_scoped3A, %dma_start3A_105, %dma_start3A_106] : memref<2x16x125xi32, #tpu.memory_space<vmem>> -> memref<1x16x125xi32, #tpu.memory_space<vmem>>
      %dma_start3A_108 = tpu.memref_squeeze %dma_start3A_107 : memref<1x16x125xi32, #tpu.memory_space<vmem>> -> memref<16x125xi32, #tpu.memory_space<vmem>>
      %dma_start3A_109 = arith.constant 0 : i32
      %dma_start3A_110 = tpu.memref_slice %arg3[%add3A_6, %dma_start3A_109] : memref<2560x125xi32, #tpu.memory_space<hbm>> -> memref<16x125xi32, #tpu.memory_space<hbm>>
      tpu.enqueue_dma source(%dma_start3A_110 : memref<16x125xi32, #tpu.memory_space<hbm>>) target(%dma_start3A_108 : memref<16x125xi32, #tpu.memory_space<vmem>>) target_semaphore(%run_scoped3A_98 : memref<!tpu.dma_semaphore, #tpu.memory_space<semaphore_mem>>)
      %dma_wait3A_111 = arith.constant 0 : i32
      %dma_wait3A_112 = arith.constant 0 : i32
      %dma_wait3A_113 = tpu.memref_slice %arg8[%run_scoped3A, %dma_wait3A_111, %dma_wait3A_112] : memref<2x16x125xi32, #tpu.memory_space<vmem>> -> memref<1x16x125xi32, #tpu.memory_space<vmem>>
      %dma_wait3A_114 = tpu.memref_squeeze %dma_wait3A_113 : memref<1x16x125xi32, #tpu.memory_space<vmem>> -> memref<16x125xi32, #tpu.memory_space<vmem>>
      %dma_wait3A_115 = arith.constant 0 : i32
      %dma_wait3A_116 = tpu.memref_slice %arg3[%add3A_6, %dma_wait3A_115] : memref<2560x125xi32, #tpu.memory_space<hbm>> -> memref<16x125xi32, #tpu.memory_space<hbm>>
      %dma_wait3A_117 = arith.constant 0 : i32
      %dma_wait3A_118 = arith.constant 0 : i32
      %dma_wait3A_119 = tpu.memref_slice %arg8[%run_scoped3A, %dma_wait3A_117, %dma_wait3A_118] : memref<2x16x125xi32, #tpu.memory_space<vmem>> -> memref<1x16x125xi32, #tpu.memory_space<vmem>>
      %dma_wait3A_120 = tpu.memref_squeeze %dma_wait3A_119 : memref<1x16x125xi32, #tpu.memory_space<vmem>> -> memref<16x125xi32, #tpu.memory_space<vmem>>
      %dma_wait3A_121 = arith.constant 0 : i32
      %dma_wait3A_122 = tpu.memref_slice %arg3[%add3A_6, %dma_wait3A_121] : memref<2560x125xi32, #tpu.memory_space<hbm>> -> memref<16x125xi32, #tpu.memory_space<hbm>>
      tpu.wait_dma2 semaphore(%run_scoped3A_98 : memref<!tpu.dma_semaphore, #tpu.memory_space<semaphore_mem>>) src(%dma_wait3A_122 : memref<16x125xi32, #tpu.memory_space<hbm>>) dst(%dma_wait3A_120 : memref<16x125xi32, #tpu.memory_space<vmem>>)
      tpu.yield
    }) : () -> ()
    %add3A_7 = arith.constant 0 : i32
    %add3A_8 = arith.addi %mul3A_4, %add3A_7 : i32
    %run_scoped3A_9 = arith.constant 0 : i32
    "tpu.region"() ({
      %run_scoped3A_98 = tpu.sem_alloc : memref<!tpu.dma_semaphore, #tpu.memory_space<semaphore_mem>>
      %dma_start3A_99 = arith.constant 0 : i32
      %dma_start3A_100 = arith.constant 0 : i32
      %dma_start3A_101 = tpu.memref_slice %arg9[%run_scoped3A_9, %dma_start3A_99, %dma_start3A_100] : memref<3x16x125xi32, #tpu.memory_space<vmem>> -> memref<1x16x125xi32, #tpu.memory_space<vmem>>
      %dma_start3A_102 = tpu.memref_squeeze %dma_start3A_101 : memref<1x16x125xi32, #tpu.memory_space<vmem>> -> memref<16x125xi32, #tpu.memory_space<vmem>>
      %dma_start3A_103 = arith.constant 0 : i32
      %dma_start3A_104 = tpu.memref_slice %arg4[%add3A_8, %dma_start3A_103] : memref<2560x125xi32, #tpu.memory_space<hbm>> -> memref<16x125xi32, #tpu.memory_space<hbm>>
      %dma_start3A_105 = arith.constant 0 : i32
      %dma_start3A_106 = arith.constant 0 : i32
      %dma_start3A_107 = tpu.memref_slice %arg9[%run_scoped3A_9, %dma_start3A_105, %dma_start3A_106] : memref<3x16x125xi32, #tpu.memory_space<vmem>> -> memref<1x16x125xi32, #tpu.memory_space<vmem>>
      %dma_start3A_108 = tpu.memref_squeeze %dma_start3A_107 : memref<1x16x125xi32, #tpu.memory_space<vmem>> -> memref<16x125xi32, #tpu.memory_space<vmem>>
      %dma_start3A_109 = arith.constant 0 : i32
      %dma_start3A_110 = tpu.memref_slice %arg4[%add3A_8, %dma_start3A_109] : memref<2560x125xi32, #tpu.memory_space<hbm>> -> memref<16x125xi32, #tpu.memory_space<hbm>>
      tpu.enqueue_dma source(%dma_start3A_110 : memref<16x125xi32, #tpu.memory_space<hbm>>) target(%dma_start3A_108 : memref<16x125xi32, #tpu.memory_space<vmem>>) target_semaphore(%run_scoped3A_98 : memref<!tpu.dma_semaphore, #tpu.memory_space<semaphore_mem>>)
      %dma_wait3A_111 = arith.constant 0 : i32
      %dma_wait3A_112 = arith.constant 0 : i32
      %dma_wait3A_113 = tpu.memref_slice %arg9[%run_scoped3A_9, %dma_wait3A_111, %dma_wait3A_112] : memref<3x16x125xi32, #tpu.memory_space<vmem>> -> memref<1x16x125xi32, #tpu.memory_space<vmem>>
      %dma_wait3A_114 = tpu.memref_squeeze %dma_wait3A_113 : memref<1x16x125xi32, #tpu.memory_space<vmem>> -> memref<16x125xi32, #tpu.memory_space<vmem>>
      %dma_wait3A_115 = arith.constant 0 : i32
      %dma_wait3A_116 = tpu.memref_slice %arg4[%add3A_8, %dma_wait3A_115] : memref<2560x125xi32, #tpu.memory_space<hbm>> -> memref<16x125xi32, #tpu.memory_space<hbm>>
      %dma_wait3A_117 = arith.constant 0 : i32
      %dma_wait3A_118 = arith.constant 0 : i32
      %dma_wait3A_119 = tpu.memref_slice %arg9[%run_scoped3A_9, %dma_wait3A_117, %dma_wait3A_118] : memref<3x16x125xi32, #tpu.memory_space<vmem>> -> memref<1x16x125xi32, #tpu.memory_space<vmem>>
      %dma_wait3A_120 = tpu.memref_squeeze %dma_wait3A_119 : memref<1x16x125xi32, #tpu.memory_space<vmem>> -> memref<16x125xi32, #tpu.memory_space<vmem>>
      %dma_wait3A_121 = arith.constant 0 : i32
      %dma_wait3A_122 = tpu.memref_slice %arg4[%add3A_8, %dma_wait3A_121] : memref<2560x125xi32, #tpu.memory_space<hbm>> -> memref<16x125xi32, #tpu.memory_space<hbm>>
      tpu.wait_dma2 semaphore(%run_scoped3A_98 : memref<!tpu.dma_semaphore, #tpu.memory_space<semaphore_mem>>) src(%dma_wait3A_122 : memref<16x125xi32, #tpu.memory_space<hbm>>) dst(%dma_wait3A_120 : memref<16x125xi32, #tpu.memory_space<vmem>>)
      tpu.yield
    }) : () -> ()
    %add3A_10 = arith.constant 16 : i32
    %add3A_11 = arith.addi %mul3A_4, %add3A_10 : i32
    %dma_start3A = arith.constant 1 : i32
    %dma_start3A_12 = arith.constant 1 : i32
    %dma_start3A_13 = arith.constant 0 : i32
    %dma_start3A_14 = arith.constant 0 : i32
    %dma_start3A_15 = tpu.memref_slice %arg8[%dma_start3A, %dma_start3A_13, %dma_start3A_14] : memref<2x16x125xi32, #tpu.memory_space<vmem>> -> memref<1x16x125xi32, #tpu.memory_space<vmem>>
    %dma_start3A_16 = tpu.memref_squeeze %dma_start3A_15 : memref<1x16x125xi32, #tpu.memory_space<vmem>> -> memref<16x125xi32, #tpu.memory_space<vmem>>
    %dma_start3A_17 = arith.constant 0 : i32
    %dma_start3A_18 = tpu.memref_slice %arg3[%add3A_11, %dma_start3A_17] : memref<2560x125xi32, #tpu.memory_space<hbm>> -> memref<16x125xi32, #tpu.memory_space<hbm>>
    %dma_start3A_19 = tpu.memref_slice %arg12[%dma_start3A_12] : memref<2x!tpu.dma_semaphore, #tpu.memory_space<semaphore_mem>> -> memref<1x!tpu.dma_semaphore, #tpu.memory_space<semaphore_mem>>
    %dma_start3A_20 = tpu.memref_squeeze %dma_start3A_19 : memref<1x!tpu.dma_semaphore, #tpu.memory_space<semaphore_mem>> -> memref<!tpu.dma_semaphore, #tpu.memory_space<semaphore_mem>>
    %dma_start3A_21 = arith.constant 0 : i32
    %dma_start3A_22 = arith.constant 0 : i32
    %dma_start3A_23 = tpu.memref_slice %arg8[%dma_start3A, %dma_start3A_21, %dma_start3A_22] : memref<2x16x125xi32, #tpu.memory_space<vmem>> -> memref<1x16x125xi32, #tpu.memory_space<vmem>>
    %dma_start3A_24 = tpu.memref_squeeze %dma_start3A_23 : memref<1x16x125xi32, #tpu.memory_space<vmem>> -> memref<16x125xi32, #tpu.memory_space<vmem>>
    %dma_start3A_25 = arith.constant 0 : i32
    %dma_start3A_26 = tpu.memref_slice %arg3[%add3A_11, %dma_start3A_25] : memref<2560x125xi32, #tpu.memory_space<hbm>> -> memref<16x125xi32, #tpu.memory_space<hbm>>
    tpu.enqueue_dma source(%dma_start3A_26 : memref<16x125xi32, #tpu.memory_space<hbm>>) target(%dma_start3A_24 : memref<16x125xi32, #tpu.memory_space<vmem>>) target_semaphore(%dma_start3A_20 : memref<!tpu.dma_semaphore, #tpu.memory_space<semaphore_mem>>)
    %add3A_27 = arith.constant 16 : i32
    %add3A_28 = arith.addi %mul3A_4, %add3A_27 : i32
    %dma_start3A_29 = arith.constant 1 : i32
    %dma_start3A_30 = arith.constant 1 : i32
    %dma_start3A_31 = arith.constant 0 : i32
    %dma_start3A_32 = arith.constant 0 : i32
    %dma_start3A_33 = tpu.memref_slice %arg9[%dma_start3A_29, %dma_start3A_31, %dma_start3A_32] : memref<3x16x125xi32, #tpu.memory_space<vmem>> -> memref<1x16x125xi32, #tpu.memory_space<vmem>>
    %dma_start3A_34 = tpu.memref_squeeze %dma_start3A_33 : memref<1x16x125xi32, #tpu.memory_space<vmem>> -> memref<16x125xi32, #tpu.memory_space<vmem>>
    %dma_start3A_35 = arith.constant 0 : i32
    %dma_start3A_36 = tpu.memref_slice %arg4[%add3A_28, %dma_start3A_35] : memref<2560x125xi32, #tpu.memory_space<hbm>> -> memref<16x125xi32, #tpu.memory_space<hbm>>
    %dma_start3A_37 = tpu.memref_slice %arg12[%dma_start3A_30] : memref<2x!tpu.dma_semaphore, #tpu.memory_space<semaphore_mem>> -> memref<1x!tpu.dma_semaphore, #tpu.memory_space<semaphore_mem>>
    %dma_start3A_38 = tpu.memref_squeeze %dma_start3A_37 : memref<1x!tpu.dma_semaphore, #tpu.memory_space<semaphore_mem>> -> memref<!tpu.dma_semaphore, #tpu.memory_space<semaphore_mem>>
    %dma_start3A_39 = arith.constant 0 : i32
    %dma_start3A_40 = arith.constant 0 : i32
    %dma_start3A_41 = tpu.memref_slice %arg9[%dma_start3A_29, %dma_start3A_39, %dma_start3A_40] : memref<3x16x125xi32, #tpu.memory_space<vmem>> -> memref<1x16x125xi32, #tpu.memory_space<vmem>>
    %dma_start3A_42 = tpu.memref_squeeze %dma_start3A_41 : memref<1x16x125xi32, #tpu.memory_space<vmem>> -> memref<16x125xi32, #tpu.memory_space<vmem>>
    %dma_start3A_43 = arith.constant 0 : i32
    %dma_start3A_44 = tpu.memref_slice %arg4[%add3A_28, %dma_start3A_43] : memref<2560x125xi32, #tpu.memory_space<hbm>> -> memref<16x125xi32, #tpu.memory_space<hbm>>
    tpu.enqueue_dma source(%dma_start3A_44 : memref<16x125xi32, #tpu.memory_space<hbm>>) target(%dma_start3A_42 : memref<16x125xi32, #tpu.memory_space<vmem>>) target_semaphore(%dma_start3A_38 : memref<!tpu.dma_semaphore, #tpu.memory_space<semaphore_mem>>)
    %dma_start3A_45 = arith.constant 0 : i32
    %dma_start3A_46 = arith.constant 0 : i32
    %dma_start3A_47 = arith.constant 0 : i32
    %dma_start3A_48 = arith.constant 0 : i32
    %dma_start3A_49 = arith.constant 0 : i32
    %dma_start3A_50 = arith.constant 0 : i32
    %dma_start3A_51 = tpu.memref_slice %arg10[%dma_start3A_47, %dma_start3A_49, %dma_start3A_50] : memref<2x125x128xf32, #tpu.memory_space<vmem>> -> memref<1x125x128xf32, #tpu.memory_space<vmem>>
    %dma_start3A_52 = tpu.memref_squeeze %dma_start3A_51 : memref<1x125x128xf32, #tpu.memory_space<vmem>> -> memref<125x128xf32, #tpu.memory_space<vmem>>
    %dma_start3A_53 = arith.constant 0 : i32
    %dma_start3A_54 = tpu.memref_slice %arg8[%dma_start3A_45, %dma_start3A_46, %dma_start3A_53] : memref<2x16x125xi32, #tpu.memory_space<vmem>> -> memref<1x1x125xi32, #tpu.memory_space<vmem>>
    %dma_start3A_55 = tpu.memref_squeeze %dma_start3A_54 : memref<1x1x125xi32, #tpu.memory_space<vmem>> -> memref<125xi32, #tpu.memory_space<vmem>>
    %dma_start3A_56 = arith.constant 0 : i32
    %dma_start3A_57 = arith.constant 0 : i32
    %dma_start3A_58 = tpu.memref_slice %arg2[%dma_start3A_56, %dma_start3A_57] : memref<10000x128xf32, #tpu.memory_space<hbm>> -> memref<10000x128xf32, #tpu.memory_space<hbm>>
    %dma_start3A_59 = tpu.memref_slice %arg11[%dma_start3A_48] : memref<2x!tpu.dma_semaphore, #tpu.memory_space<semaphore_mem>> -> memref<1x!tpu.dma_semaphore, #tpu.memory_space<semaphore_mem>>
    %dma_start3A_60 = tpu.memref_squeeze %dma_start3A_59 : memref<1x!tpu.dma_semaphore, #tpu.memory_space<semaphore_mem>> -> memref<!tpu.dma_semaphore, #tpu.memory_space<semaphore_mem>>
    tpu.enqueue_indirect_dma source(%dma_start3A_58 : memref<10000x128xf32, #tpu.memory_space<hbm>>) target(%dma_start3A_52 : memref<125x128xf32, #tpu.memory_space<vmem>>) offsets(%dma_start3A_55 : memref<125xi32, #tpu.memory_space<vmem>>) semaphore(%dma_start3A_60 : memref<!tpu.dma_semaphore, #tpu.memory_space<semaphore_mem>>)
    %scan3A = arith.constant 0 : i32
    %scan3A_61 = arith.constant 1 : i32
    %scan3A_62 = arith.constant 80 : i32
    %scan3A_63 = arith.addi %scan3A_61, %scan3A_62 : i32
    %scan3A_64 = arith.constant 1 : i32
    scf.for %scan3A_98 = %scan3A_61 to %scan3A_63 step %scan3A_64  : i32 {
      %jit3A = arith.constant 16 : i32
      %div3A = arith.divsi %scan3A_98, %jit3A : i32
      %sign3A = arith.constant 0 : i32
      %sign3A_99 = arith.cmpi sgt, %scan3A_98, %sign3A : i32
      %sign3A_100 = arith.extui %sign3A_99 : i1 to i32
      %sign3A_101 = arith.constant 0 : i32
      %sign3A_102 = arith.cmpi slt, %scan3A_98, %sign3A_101 : i32
      %sign3A_103 = arith.extui %sign3A_102 : i1 to i32
      %sign3A_104 = arith.subi %sign3A_100, %sign3A_103 : i32
      %sign3A_105 = arith.constant 0 : i32
      %sign3A_106 = arith.cmpi sgt, %jit3A, %sign3A_105 : i32
      %sign3A_107 = arith.extui %sign3A_106 : i1 to i32
      %sign3A_108 = arith.constant 0 : i32
      %sign3A_109 = arith.cmpi slt, %jit3A, %sign3A_108 : i32
      %sign3A_110 = arith.extui %sign3A_109 : i1 to i32
      %sign3A_111 = arith.subi %sign3A_107, %sign3A_110 : i32
      %ne3A = arith.cmpi ne, %sign3A_104, %sign3A_111 : i32
      %rem3A = arith.remsi %scan3A_98, %jit3A : i32
      %ne3A_112 = arith.constant 0 : i32
      %ne3A_113 = arith.cmpi ne, %rem3A, %ne3A_112 : i32
      %and3A = arith.andi %ne3A, %ne3A_113 : i1
      %sub3A = arith.constant 1 : i32
      %sub3A_114 = arith.subi %div3A, %sub3A : i32
      %select_n3A = arith.select %and3A, %sub3A_114, %div3A : i32
      %jit3A_115 = arith.constant 16 : i32
      %eq3A = arith.constant 0 : i32
      %eq3A_116 = arith.cmpi eq, %jit3A_115, %eq3A : i32
      %jit3A_117 = arith.constant 1 : i32
      %select_n3A_118 = arith.select %eq3A_116, %jit3A_117, %jit3A_115 : i32
      %rem3A_119 = arith.remsi %scan3A_98, %select_n3A_118 : i32
      %ne3A_120 = arith.constant 0 : i32
      %ne3A_121 = arith.cmpi ne, %rem3A_119, %ne3A_120 : i32
      %lt3A = arith.constant 0 : i32
      %lt3A_122 = arith.cmpi slt, %rem3A_119, %lt3A : i32
      %lt3A_123 = arith.constant 0 : i32
      %lt3A_124 = arith.cmpi slt, %select_n3A_118, %lt3A_123 : i32
      %ne3A_125 = arith.xori %lt3A_122, %lt3A_124 : i1
      %and3A_126 = arith.andi %ne3A_125, %ne3A_121 : i1
      %add3A_127 = arith.addi %rem3A_119, %select_n3A_118 : i32
      %select_n3A_128 = arith.select %and3A_126, %add3A_127, %rem3A_119 : i32
      %lt3A_129 = arith.constant 80 : i32
      %lt3A_130 = arith.cmpi slt, %scan3A_98, %lt3A_129 : i32
      %eq3A_131 = arith.constant 0 : i32
      %eq3A_132 = arith.cmpi eq, %select_n3A_128, %eq3A_131 : i32
      %and3A_133 = arith.andi %lt3A_130, %eq3A_132 : i1
      %convert_element_type3A = arith.extui %and3A_133 : i1 to i32
      %cond3A = arith.constant 0 : i32
      %cond3A_134 = arith.cmpi ne, %convert_element_type3A, %cond3A : i32
      scf.if %cond3A_134 {
        %jit3A_323 = arith.constant 2 : i32
        %eq3A_324 = arith.constant 0 : i32
        %eq3A_325 = arith.cmpi eq, %jit3A_323, %eq3A_324 : i32
        %jit3A_326 = arith.constant 1 : i32
        %select_n3A_327 = arith.select %eq3A_325, %jit3A_326, %jit3A_323 : i32
        %rem3A_328 = arith.remsi %select_n3A, %select_n3A_327 : i32
        %ne3A_329 = arith.constant 0 : i32
        %ne3A_330 = arith.cmpi ne, %rem3A_328, %ne3A_329 : i32
        %lt3A_331 = arith.constant 0 : i32
        %lt3A_332 = arith.cmpi slt, %rem3A_328, %lt3A_331 : i32
        %lt3A_333 = arith.constant 0 : i32
        %lt3A_334 = arith.cmpi slt, %select_n3A_327, %lt3A_333 : i32
        %ne3A_335 = arith.xori %lt3A_332, %lt3A_334 : i1
        %and3A_336 = arith.andi %ne3A_335, %ne3A_330 : i1
        %add3A_337 = arith.addi %rem3A_328, %select_n3A_327 : i32
        %select_n3A_338 = arith.select %and3A_336, %add3A_337, %rem3A_328 : i32
        %jit3A_339 = arith.constant 3 : i32
        %eq3A_340 = arith.constant 0 : i32
        %eq3A_341 = arith.cmpi eq, %jit3A_339, %eq3A_340 : i32
        %jit3A_342 = arith.constant 1 : i32
        %select_n3A_343 = arith.select %eq3A_341, %jit3A_342, %jit3A_339 : i32
        %rem3A_344 = arith.remsi %select_n3A, %select_n3A_343 : i32
        %ne3A_345 = arith.constant 0 : i32
        %ne3A_346 = arith.cmpi ne, %rem3A_344, %ne3A_345 : i32
        %lt3A_347 = arith.constant 0 : i32
        %lt3A_348 = arith.cmpi slt, %rem3A_344, %lt3A_347 : i32
        %lt3A_349 = arith.constant 0 : i32
        %lt3A_350 = arith.cmpi slt, %select_n3A_343, %lt3A_349 : i32
        %ne3A_351 = arith.xori %lt3A_348, %lt3A_350 : i1
        %and3A_352 = arith.andi %ne3A_351, %ne3A_346 : i1
        %add3A_353 = arith.addi %rem3A_344, %select_n3A_343 : i32
        %select_n3A_354 = arith.select %and3A_352, %add3A_353, %rem3A_344 : i32
        %mul3A_355 = arith.constant 16 : i32
        %mul3A_356 = arith.muli %select_n3A, %mul3A_355 : i32
        %add3A_357 = arith.addi %mul3A_4, %mul3A_356 : i32
        %dma_wait3A_358 = arith.constant 0 : i32
        %dma_wait3A_359 = arith.constant 0 : i32
        %dma_wait3A_360 = tpu.memref_slice %arg8[%select_n3A_338, %dma_wait3A_358, %dma_wait3A_359] : memref<2x16x125xi32, #tpu.memory_space<vmem>> -> memref<1x16x125xi32, #tpu.memory_space<vmem>>
        %dma_wait3A_361 = tpu.memref_squeeze %dma_wait3A_360 : memref<1x16x125xi32, #tpu.memory_space<vmem>> -> memref<16x125xi32, #tpu.memory_space<vmem>>
        %dma_wait3A_362 = arith.constant 0 : i32
        %dma_wait3A_363 = tpu.memref_slice %arg3[%add3A_357, %dma_wait3A_362] : memref<2560x125xi32, #tpu.memory_space<hbm>> -> memref<16x125xi32, #tpu.memory_space<hbm>>
        %dma_wait3A_364 = tpu.memref_slice %arg12[%select_n3A_338] : memref<2x!tpu.dma_semaphore, #tpu.memory_space<semaphore_mem>> -> memref<1x!tpu.dma_semaphore, #tpu.memory_space<semaphore_mem>>
        %dma_wait3A_365 = tpu.memref_squeeze %dma_wait3A_364 : memref<1x!tpu.dma_semaphore, #tpu.memory_space<semaphore_mem>> -> memref<!tpu.dma_semaphore, #tpu.memory_space<semaphore_mem>>
        %dma_wait3A_366 = arith.constant 0 : i32
        %dma_wait3A_367 = arith.constant 0 : i32
        %dma_wait3A_368 = tpu.memref_slice %arg8[%select_n3A_338, %dma_wait3A_366, %dma_wait3A_367] : memref<2x16x125xi32, #tpu.memory_space<vmem>> -> memref<1x16x125xi32, #tpu.memory_space<vmem>>
        %dma_wait3A_369 = tpu.memref_squeeze %dma_wait3A_368 : memref<1x16x125xi32, #tpu.memory_space<vmem>> -> memref<16x125xi32, #tpu.memory_space<vmem>>
        %dma_wait3A_370 = arith.constant 0 : i32
        %dma_wait3A_371 = tpu.memref_slice %arg3[%add3A_357, %dma_wait3A_370] : memref<2560x125xi32, #tpu.memory_space<hbm>> -> memref<16x125xi32, #tpu.memory_space<hbm>>
        tpu.wait_dma2 semaphore(%dma_wait3A_365 : memref<!tpu.dma_semaphore, #tpu.memory_space<semaphore_mem>>) src(%dma_wait3A_371 : memref<16x125xi32, #tpu.memory_space<hbm>>) dst(%dma_wait3A_369 : memref<16x125xi32, #tpu.memory_space<vmem>>)
        %mul3A_372 = arith.constant 16 : i32
        %mul3A_373 = arith.muli %select_n3A, %mul3A_372 : i32
        %add3A_374 = arith.addi %mul3A_4, %mul3A_373 : i32
        %dma_wait3A_375 = arith.constant 0 : i32
        %dma_wait3A_376 = arith.constant 0 : i32
        %dma_wait3A_377 = tpu.memref_slice %arg9[%select_n3A_354, %dma_wait3A_375, %dma_wait3A_376] : memref<3x16x125xi32, #tpu.memory_space<vmem>> -> memref<1x16x125xi32, #tpu.memory_space<vmem>>
        %dma_wait3A_378 = tpu.memref_squeeze %dma_wait3A_377 : memref<1x16x125xi32, #tpu.memory_space<vmem>> -> memref<16x125xi32, #tpu.memory_space<vmem>>
        %dma_wait3A_379 = arith.constant 0 : i32
        %dma_wait3A_380 = tpu.memref_slice %arg4[%add3A_374, %dma_wait3A_379] : memref<2560x125xi32, #tpu.memory_space<hbm>> -> memref<16x125xi32, #tpu.memory_space<hbm>>
        %dma_wait3A_381 = tpu.memref_slice %arg12[%select_n3A_338] : memref<2x!tpu.dma_semaphore, #tpu.memory_space<semaphore_mem>> -> memref<1x!tpu.dma_semaphore, #tpu.memory_space<semaphore_mem>>
        %dma_wait3A_382 = tpu.memref_squeeze %dma_wait3A_381 : memref<1x!tpu.dma_semaphore, #tpu.memory_space<semaphore_mem>> -> memref<!tpu.dma_semaphore, #tpu.memory_space<semaphore_mem>>
        %dma_wait3A_383 = arith.constant 0 : i32
        %dma_wait3A_384 = arith.constant 0 : i32
        %dma_wait3A_385 = tpu.memref_slice %arg9[%select_n3A_354, %dma_wait3A_383, %dma_wait3A_384] : memref<3x16x125xi32, #tpu.memory_space<vmem>> -> memref<1x16x125xi32, #tpu.memory_space<vmem>>
        %dma_wait3A_386 = tpu.memref_squeeze %dma_wait3A_385 : memref<1x16x125xi32, #tpu.memory_space<vmem>> -> memref<16x125xi32, #tpu.memory_space<vmem>>
        %dma_wait3A_387 = arith.constant 0 : i32
        %dma_wait3A_388 = tpu.memref_slice %arg4[%add3A_374, %dma_wait3A_387] : memref<2560x125xi32, #tpu.memory_space<hbm>> -> memref<16x125xi32, #tpu.memory_space<hbm>>
        tpu.wait_dma2 semaphore(%dma_wait3A_382 : memref<!tpu.dma_semaphore, #tpu.memory_space<semaphore_mem>>) src(%dma_wait3A_388 : memref<16x125xi32, #tpu.memory_space<hbm>>) dst(%dma_wait3A_386 : memref<16x125xi32, #tpu.memory_space<vmem>>)
      } else {
      }
      %lt3A_135 = arith.constant 80 : i32
      %lt3A_136 = arith.cmpi slt, %scan3A_98, %lt3A_135 : i32
      %convert_element_type3A_137 = arith.extui %lt3A_136 : i1 to i32
      %cond3A_138 = arith.constant 0 : i32
      %cond3A_139 = arith.cmpi ne, %convert_element_type3A_137, %cond3A_138 : i32
      scf.if %cond3A_139 {
        %ge3A = arith.constant 2 : i32
        %ge3A_323 = arith.cmpi sge, %scan3A_98, %ge3A : i32
        %convert_element_type3A_324 = arith.extui %ge3A_323 : i1 to i32
        %cond3A_325 = arith.constant 0 : i32
        %cond3A_326 = arith.cmpi ne, %convert_element_type3A_324, %cond3A_325 : i32
        scf.if %cond3A_326 {
          %sub3A_411 = arith.constant 2 : i32
          %sub3A_412 = arith.subi %scan3A_98, %sub3A_411 : i32
          %jit3A_413 = arith.constant 16 : i32
          %div3A_414 = arith.divsi %sub3A_412, %jit3A_413 : i32
          %sign3A_415 = arith.constant 0 : i32
          %sign3A_416 = arith.cmpi sgt, %sub3A_412, %sign3A_415 : i32
          %sign3A_417 = arith.extui %sign3A_416 : i1 to i32
          %sign3A_418 = arith.constant 0 : i32
          %sign3A_419 = arith.cmpi slt, %sub3A_412, %sign3A_418 : i32
          %sign3A_420 = arith.extui %sign3A_419 : i1 to i32
          %sign3A_421 = arith.subi %sign3A_417, %sign3A_420 : i32
          %sign3A_422 = arith.constant 0 : i32
          %sign3A_423 = arith.cmpi sgt, %jit3A_413, %sign3A_422 : i32
          %sign3A_424 = arith.extui %sign3A_423 : i1 to i32
          %sign3A_425 = arith.constant 0 : i32
          %sign3A_426 = arith.cmpi slt, %jit3A_413, %sign3A_425 : i32
          %sign3A_427 = arith.extui %sign3A_426 : i1 to i32
          %sign3A_428 = arith.subi %sign3A_424, %sign3A_427 : i32
          %ne3A_429 = arith.cmpi ne, %sign3A_421, %sign3A_428 : i32
          %rem3A_430 = arith.remsi %sub3A_412, %jit3A_413 : i32
          %ne3A_431 = arith.constant 0 : i32
          %ne3A_432 = arith.cmpi ne, %rem3A_430, %ne3A_431 : i32
          %and3A_433 = arith.andi %ne3A_429, %ne3A_432 : i1
          %sub3A_434 = arith.constant 1 : i32
          %sub3A_435 = arith.subi %div3A_414, %sub3A_434 : i32
          %select_n3A_436 = arith.select %and3A_433, %sub3A_435, %div3A_414 : i32
          %jit3A_437 = arith.constant 16 : i32
          %eq3A_438 = arith.constant 0 : i32
          %eq3A_439 = arith.cmpi eq, %jit3A_437, %eq3A_438 : i32
          %jit3A_440 = arith.constant 1 : i32
          %select_n3A_441 = arith.select %eq3A_439, %jit3A_440, %jit3A_437 : i32
          %rem3A_442 = arith.remsi %sub3A_412, %select_n3A_441 : i32
          %ne3A_443 = arith.constant 0 : i32
          %ne3A_444 = arith.cmpi ne, %rem3A_442, %ne3A_443 : i32
          %lt3A_445 = arith.constant 0 : i32
          %lt3A_446 = arith.cmpi slt, %rem3A_442, %lt3A_445 : i32
          %lt3A_447 = arith.constant 0 : i32
          %lt3A_448 = arith.cmpi slt, %select_n3A_441, %lt3A_447 : i32
          %ne3A_449 = arith.xori %lt3A_446, %lt3A_448 : i1
          %and3A_450 = arith.andi %ne3A_449, %ne3A_444 : i1
          %add3A_451 = arith.addi %rem3A_442, %select_n3A_441 : i32
          %select_n3A_452 = arith.select %and3A_450, %add3A_451, %rem3A_442 : i32
          %jit3A_453 = arith.constant 2 : i32
          %eq3A_454 = arith.constant 0 : i32
          %eq3A_455 = arith.cmpi eq, %jit3A_453, %eq3A_454 : i32
          %jit3A_456 = arith.constant 1 : i32
          %select_n3A_457 = arith.select %eq3A_455, %jit3A_456, %jit3A_453 : i32
          %rem3A_458 = arith.remsi %sub3A_412, %select_n3A_457 : i32
          %ne3A_459 = arith.constant 0 : i32
          %ne3A_460 = arith.cmpi ne, %rem3A_458, %ne3A_459 : i32
          %lt3A_461 = arith.constant 0 : i32
          %lt3A_462 = arith.cmpi slt, %rem3A_458, %lt3A_461 : i32
          %lt3A_463 = arith.constant 0 : i32
          %lt3A_464 = arith.cmpi slt, %select_n3A_457, %lt3A_463 : i32
          %ne3A_465 = arith.xori %lt3A_462, %lt3A_464 : i1
          %and3A_466 = arith.andi %ne3A_465, %ne3A_460 : i1
          %add3A_467 = arith.addi %rem3A_458, %select_n3A_457 : i32
          %select_n3A_468 = arith.select %and3A_466, %add3A_467, %rem3A_458 : i32
          %jit3A_469 = arith.constant 3 : i32
          %eq3A_470 = arith.constant 0 : i32
          %eq3A_471 = arith.cmpi eq, %jit3A_469, %eq3A_470 : i32
          %jit3A_472 = arith.constant 1 : i32
          %select_n3A_473 = arith.select %eq3A_471, %jit3A_472, %jit3A_469 : i32
          %rem3A_474 = arith.remsi %select_n3A_436, %select_n3A_473 : i32
          %ne3A_475 = arith.constant 0 : i32
          %ne3A_476 = arith.cmpi ne, %rem3A_474, %ne3A_475 : i32
          %lt3A_477 = arith.constant 0 : i32
          %lt3A_478 = arith.cmpi slt, %rem3A_474, %lt3A_477 : i32
          %lt3A_479 = arith.constant 0 : i32
          %lt3A_480 = arith.cmpi slt, %select_n3A_473, %lt3A_479 : i32
          %ne3A_481 = arith.xori %lt3A_478, %lt3A_480 : i1
          %and3A_482 = arith.andi %ne3A_481, %ne3A_476 : i1
          %add3A_483 = arith.addi %rem3A_474, %select_n3A_473 : i32
          %select_n3A_484 = arith.select %and3A_482, %add3A_483, %rem3A_474 : i32
          %dma_wait3A_485 = arith.constant 0 : i32
          %dma_wait3A_486 = arith.constant 0 : i32
          %dma_wait3A_487 = tpu.memref_slice %arg10[%select_n3A_468, %dma_wait3A_485, %dma_wait3A_486] : memref<2x125x128xf32, #tpu.memory_space<vmem>> -> memref<1x125x128xf32, #tpu.memory_space<vmem>>
          %dma_wait3A_488 = tpu.memref_squeeze %dma_wait3A_487 : memref<1x125x128xf32, #tpu.memory_space<vmem>> -> memref<125x128xf32, #tpu.memory_space<vmem>>
          %dma_wait3A_489 = arith.constant 0 : i32
          %dma_wait3A_490 = tpu.memref_slice %arg9[%select_n3A_484, %select_n3A_452, %dma_wait3A_489] : memref<3x16x125xi32, #tpu.memory_space<vmem>> -> memref<1x1x125xi32, #tpu.memory_space<vmem>>
          %dma_wait3A_491 = tpu.memref_squeeze %dma_wait3A_490 : memref<1x1x125xi32, #tpu.memory_space<vmem>> -> memref<125xi32, #tpu.memory_space<vmem>>
          %dma_wait3A_492 = arith.constant 0 : i32
          %dma_wait3A_493 = arith.constant 0 : i32
          %dma_wait3A_494 = tpu.memref_slice %arg7[%dma_wait3A_492, %dma_wait3A_493] : memref<10240x128xf32, #tpu.memory_space<vmem_shared>> -> memref<10240x128xf32, #tpu.memory_space<vmem_shared>>
          %dma_wait3A_495 = tpu.memref_slice %arg13[%select_n3A_468] : memref<2x!tpu.dma_semaphore, #tpu.memory_space<semaphore_mem>> -> memref<1x!tpu.dma_semaphore, #tpu.memory_space<semaphore_mem>>
          %dma_wait3A_496 = tpu.memref_squeeze %dma_wait3A_495 : memref<1x!tpu.dma_semaphore, #tpu.memory_space<semaphore_mem>> -> memref<!tpu.dma_semaphore, #tpu.memory_space<semaphore_mem>>
          tpu.wait_indirect_dma semaphore(%dma_wait3A_496 : memref<!tpu.dma_semaphore, #tpu.memory_space<semaphore_mem>>) src(%dma_wait3A_488 : memref<125x128xf32, #tpu.memory_space<vmem>>) dst(%dma_wait3A_494 : memref<10240x128xf32, #tpu.memory_space<vmem_shared>>)
        } else {
        }
        %jit3A_327 = arith.constant 16 : i32
        %div3A_328 = arith.divsi %scan3A_98, %jit3A_327 : i32
        %sign3A_329 = arith.constant 0 : i32
        %sign3A_330 = arith.cmpi sgt, %scan3A_98, %sign3A_329 : i32
        %sign3A_331 = arith.extui %sign3A_330 : i1 to i32
        %sign3A_332 = arith.constant 0 : i32
        %sign3A_333 = arith.cmpi slt, %scan3A_98, %sign3A_332 : i32
        %sign3A_334 = arith.extui %sign3A_333 : i1 to i32
        %sign3A_335 = arith.subi %sign3A_331, %sign3A_334 : i32
        %sign3A_336 = arith.constant 0 : i32
        %sign3A_337 = arith.cmpi sgt, %jit3A_327, %sign3A_336 : i32
        %sign3A_338 = arith.extui %sign3A_337 : i1 to i32
        %sign3A_339 = arith.constant 0 : i32
        %sign3A_340 = arith.cmpi slt, %jit3A_327, %sign3A_339 : i32
        %sign3A_341 = arith.extui %sign3A_340 : i1 to i32
        %sign3A_342 = arith.subi %sign3A_338, %sign3A_341 : i32
        %ne3A_343 = arith.cmpi ne, %sign3A_335, %sign3A_342 : i32
        %rem3A_344 = arith.remsi %scan3A_98, %jit3A_327 : i32
        %ne3A_345 = arith.constant 0 : i32
        %ne3A_346 = arith.cmpi ne, %rem3A_344, %ne3A_345 : i32
        %and3A_347 = arith.andi %ne3A_343, %ne3A_346 : i1
        %sub3A_348 = arith.constant 1 : i32
        %sub3A_349 = arith.subi %div3A_328, %sub3A_348 : i32
        %select_n3A_350 = arith.select %and3A_347, %sub3A_349, %div3A_328 : i32
        %jit3A_351 = arith.constant 16 : i32
        %eq3A_352 = arith.constant 0 : i32
        %eq3A_353 = arith.cmpi eq, %jit3A_351, %eq3A_352 : i32
        %jit3A_354 = arith.constant 1 : i32
        %select_n3A_355 = arith.select %eq3A_353, %jit3A_354, %jit3A_351 : i32
        %rem3A_356 = arith.remsi %scan3A_98, %select_n3A_355 : i32
        %ne3A_357 = arith.constant 0 : i32
        %ne3A_358 = arith.cmpi ne, %rem3A_356, %ne3A_357 : i32
        %lt3A_359 = arith.constant 0 : i32
        %lt3A_360 = arith.cmpi slt, %rem3A_356, %lt3A_359 : i32
        %lt3A_361 = arith.constant 0 : i32
        %lt3A_362 = arith.cmpi slt, %select_n3A_355, %lt3A_361 : i32
        %ne3A_363 = arith.xori %lt3A_360, %lt3A_362 : i1
        %and3A_364 = arith.andi %ne3A_363, %ne3A_358 : i1
        %add3A_365 = arith.addi %rem3A_356, %select_n3A_355 : i32
        %select_n3A_366 = arith.select %and3A_364, %add3A_365, %rem3A_356 : i32
        %jit3A_367 = arith.constant 2 : i32
        %eq3A_368 = arith.constant 0 : i32
        %eq3A_369 = arith.cmpi eq, %jit3A_367, %eq3A_368 : i32
        %jit3A_370 = arith.constant 1 : i32
        %select_n3A_371 = arith.select %eq3A_369, %jit3A_370, %jit3A_367 : i32
        %rem3A_372 = arith.remsi %scan3A_98, %select_n3A_371 : i32
        %ne3A_373 = arith.constant 0 : i32
        %ne3A_374 = arith.cmpi ne, %rem3A_372, %ne3A_373 : i32
        %lt3A_375 = arith.constant 0 : i32
        %lt3A_376 = arith.cmpi slt, %rem3A_372, %lt3A_375 : i32
        %lt3A_377 = arith.constant 0 : i32
        %lt3A_378 = arith.cmpi slt, %select_n3A_371, %lt3A_377 : i32
        %ne3A_379 = arith.xori %lt3A_376, %lt3A_378 : i1
        %and3A_380 = arith.andi %ne3A_379, %ne3A_374 : i1
        %add3A_381 = arith.addi %rem3A_372, %select_n3A_371 : i32
        %select_n3A_382 = arith.select %and3A_380, %add3A_381, %rem3A_372 : i32
        %jit3A_383 = arith.constant 2 : i32
        %eq3A_384 = arith.constant 0 : i32
        %eq3A_385 = arith.cmpi eq, %jit3A_383, %eq3A_384 : i32
        %jit3A_386 = arith.constant 1 : i32
        %select_n3A_387 = arith.select %eq3A_385, %jit3A_386, %jit3A_383 : i32
        %rem3A_388 = arith.remsi %select_n3A_350, %select_n3A_387 : i32
        %ne3A_389 = arith.constant 0 : i32
        %ne3A_390 = arith.cmpi ne, %rem3A_388, %ne3A_389 : i32
        %lt3A_391 = arith.constant 0 : i32
        %lt3A_392 = arith.cmpi slt, %rem3A_388, %lt3A_391 : i32
        %lt3A_393 = arith.constant 0 : i32
        %lt3A_394 = arith.cmpi slt, %select_n3A_387, %lt3A_393 : i32
        %ne3A_395 = arith.xori %lt3A_392, %lt3A_394 : i1
        %and3A_396 = arith.andi %ne3A_395, %ne3A_390 : i1
        %add3A_397 = arith.addi %rem3A_388, %select_n3A_387 : i32
        %select_n3A_398 = arith.select %and3A_396, %add3A_397, %rem3A_388 : i32
        %dma_start3A_399 = arith.constant 0 : i32
        %dma_start3A_400 = arith.constant 0 : i32
        %dma_start3A_401 = tpu.memref_slice %arg10[%select_n3A_382, %dma_start3A_399, %dma_start3A_400] : memref<2x125x128xf32, #tpu.memory_space<vmem>> -> memref<1x125x128xf32, #tpu.memory_space<vmem>>
        %dma_start3A_402 = tpu.memref_squeeze %dma_start3A_401 : memref<1x125x128xf32, #tpu.memory_space<vmem>> -> memref<125x128xf32, #tpu.memory_space<vmem>>
        %dma_start3A_403 = arith.constant 0 : i32
        %dma_start3A_404 = tpu.memref_slice %arg8[%select_n3A_398, %select_n3A_366, %dma_start3A_403] : memref<2x16x125xi32, #tpu.memory_space<vmem>> -> memref<1x1x125xi32, #tpu.memory_space<vmem>>
        %dma_start3A_405 = tpu.memref_squeeze %dma_start3A_404 : memref<1x1x125xi32, #tpu.memory_space<vmem>> -> memref<125xi32, #tpu.memory_space<vmem>>
        %dma_start3A_406 = arith.constant 0 : i32
        %dma_start3A_407 = arith.constant 0 : i32
        %dma_start3A_408 = tpu.memref_slice %arg2[%dma_start3A_406, %dma_start3A_407] : memref<10000x128xf32, #tpu.memory_space<hbm>> -> memref<10000x128xf32, #tpu.memory_space<hbm>>
        %dma_start3A_409 = tpu.memref_slice %arg11[%select_n3A_382] : memref<2x!tpu.dma_semaphore, #tpu.memory_space<semaphore_mem>> -> memref<1x!tpu.dma_semaphore, #tpu.memory_space<semaphore_mem>>
        %dma_start3A_410 = tpu.memref_squeeze %dma_start3A_409 : memref<1x!tpu.dma_semaphore, #tpu.memory_space<semaphore_mem>> -> memref<!tpu.dma_semaphore, #tpu.memory_space<semaphore_mem>>
        tpu.enqueue_indirect_dma source(%dma_start3A_408 : memref<10000x128xf32, #tpu.memory_space<hbm>>) target(%dma_start3A_402 : memref<125x128xf32, #tpu.memory_space<vmem>>) offsets(%dma_start3A_405 : memref<125xi32, #tpu.memory_space<vmem>>) semaphore(%dma_start3A_410 : memref<!tpu.dma_semaphore, #tpu.memory_space<semaphore_mem>>)
      } else {
      }
      %sub3A_140 = arith.constant 1 : i32
      %sub3A_141 = arith.subi %scan3A_98, %sub3A_140 : i32
      %jit3A_142 = arith.constant 16 : i32
      %div3A_143 = arith.divsi %sub3A_141, %jit3A_142 : i32
      %sign3A_144 = arith.constant 0 : i32
      %sign3A_145 = arith.cmpi sgt, %sub3A_141, %sign3A_144 : i32
      %sign3A_146 = arith.extui %sign3A_145 : i1 to i32
      %sign3A_147 = arith.constant 0 : i32
      %sign3A_148 = arith.cmpi slt, %sub3A_141, %sign3A_147 : i32
      %sign3A_149 = arith.extui %sign3A_148 : i1 to i32
      %sign3A_150 = arith.subi %sign3A_146, %sign3A_149 : i32
      %sign3A_151 = arith.constant 0 : i32
      %sign3A_152 = arith.cmpi sgt, %jit3A_142, %sign3A_151 : i32
      %sign3A_153 = arith.extui %sign3A_152 : i1 to i32
      %sign3A_154 = arith.constant 0 : i32
      %sign3A_155 = arith.cmpi slt, %jit3A_142, %sign3A_154 : i32
      %sign3A_156 = arith.extui %sign3A_155 : i1 to i32
      %sign3A_157 = arith.subi %sign3A_153, %sign3A_156 : i32
      %ne3A_158 = arith.cmpi ne, %sign3A_150, %sign3A_157 : i32
      %rem3A_159 = arith.remsi %sub3A_141, %jit3A_142 : i32
      %ne3A_160 = arith.constant 0 : i32
      %ne3A_161 = arith.cmpi ne, %rem3A_159, %ne3A_160 : i32
      %and3A_162 = arith.andi %ne3A_158, %ne3A_161 : i1
      %sub3A_163 = arith.constant 1 : i32
      %sub3A_164 = arith.subi %div3A_143, %sub3A_163 : i32
      %select_n3A_165 = arith.select %and3A_162, %sub3A_164, %div3A_143 : i32
      %jit3A_166 = arith.constant 16 : i32
      %eq3A_167 = arith.constant 0 : i32
      %eq3A_168 = arith.cmpi eq, %jit3A_166, %eq3A_167 : i32
      %jit3A_169 = arith.constant 1 : i32
      %select_n3A_170 = arith.select %eq3A_168, %jit3A_169, %jit3A_166 : i32
      %rem3A_171 = arith.remsi %sub3A_141, %select_n3A_170 : i32
      %ne3A_172 = arith.constant 0 : i32
      %ne3A_173 = arith.cmpi ne, %rem3A_171, %ne3A_172 : i32
      %lt3A_174 = arith.constant 0 : i32
      %lt3A_175 = arith.cmpi slt, %rem3A_171, %lt3A_174 : i32
      %lt3A_176 = arith.constant 0 : i32
      %lt3A_177 = arith.cmpi slt, %select_n3A_170, %lt3A_176 : i32
      %ne3A_178 = arith.xori %lt3A_175, %lt3A_177 : i1
      %and3A_179 = arith.andi %ne3A_178, %ne3A_173 : i1
      %add3A_180 = arith.addi %rem3A_171, %select_n3A_170 : i32
      %select_n3A_181 = arith.select %and3A_179, %add3A_180, %rem3A_171 : i32
      %jit3A_182 = arith.constant 2 : i32
      %eq3A_183 = arith.constant 0 : i32
      %eq3A_184 = arith.cmpi eq, %jit3A_182, %eq3A_183 : i32
      %jit3A_185 = arith.constant 1 : i32
      %select_n3A_186 = arith.select %eq3A_184, %jit3A_185, %jit3A_182 : i32
      %rem3A_187 = arith.remsi %sub3A_141, %select_n3A_186 : i32
      %ne3A_188 = arith.constant 0 : i32
      %ne3A_189 = arith.cmpi ne, %rem3A_187, %ne3A_188 : i32
      %lt3A_190 = arith.constant 0 : i32
      %lt3A_191 = arith.cmpi slt, %rem3A_187, %lt3A_190 : i32
      %lt3A_192 = arith.constant 0 : i32
      %lt3A_193 = arith.cmpi slt, %select_n3A_186, %lt3A_192 : i32
      %ne3A_194 = arith.xori %lt3A_191, %lt3A_193 : i1
      %and3A_195 = arith.andi %ne3A_194, %ne3A_189 : i1
      %add3A_196 = arith.addi %rem3A_187, %select_n3A_186 : i32
      %select_n3A_197 = arith.select %and3A_195, %add3A_196, %rem3A_187 : i32
      %jit3A_198 = arith.constant 16 : i32
      %div3A_199 = arith.divsi %sub3A_141, %jit3A_198 : i32
      %sign3A_200 = arith.constant 0 : i32
      %sign3A_201 = arith.cmpi sgt, %sub3A_141, %sign3A_200 : i32
      %sign3A_202 = arith.extui %sign3A_201 : i1 to i32
      %sign3A_203 = arith.constant 0 : i32
      %sign3A_204 = arith.cmpi slt, %sub3A_141, %sign3A_203 : i32
      %sign3A_205 = arith.extui %sign3A_204 : i1 to i32
      %sign3A_206 = arith.subi %sign3A_202, %sign3A_205 : i32
      %sign3A_207 = arith.constant 0 : i32
      %sign3A_208 = arith.cmpi sgt, %jit3A_198, %sign3A_207 : i32
      %sign3A_209 = arith.extui %sign3A_208 : i1 to i32
      %sign3A_210 = arith.constant 0 : i32
      %sign3A_211 = arith.cmpi slt, %jit3A_198, %sign3A_210 : i32
      %sign3A_212 = arith.extui %sign3A_211 : i1 to i32
      %sign3A_213 = arith.subi %sign3A_209, %sign3A_212 : i32
      %ne3A_214 = arith.cmpi ne, %sign3A_206, %sign3A_213 : i32
      %rem3A_215 = arith.remsi %sub3A_141, %jit3A_198 : i32
      %ne3A_216 = arith.constant 0 : i32
      %ne3A_217 = arith.cmpi ne, %rem3A_215, %ne3A_216 : i32
      %and3A_218 = arith.andi %ne3A_214, %ne3A_217 : i1
      %sub3A_219 = arith.constant 1 : i32
      %sub3A_220 = arith.subi %div3A_199, %sub3A_219 : i32
      %select_n3A_221 = arith.select %and3A_218, %sub3A_220, %div3A_199 : i32
      %jit3A_222 = arith.constant 16 : i32
      %eq3A_223 = arith.constant 0 : i32
      %eq3A_224 = arith.cmpi eq, %jit3A_222, %eq3A_223 : i32
      %jit3A_225 = arith.constant 1 : i32
      %select_n3A_226 = arith.select %eq3A_224, %jit3A_225, %jit3A_222 : i32
      %rem3A_227 = arith.remsi %sub3A_141, %select_n3A_226 : i32
      %ne3A_228 = arith.constant 0 : i32
      %ne3A_229 = arith.cmpi ne, %rem3A_227, %ne3A_228 : i32
      %lt3A_230 = arith.constant 0 : i32
      %lt3A_231 = arith.cmpi slt, %rem3A_227, %lt3A_230 : i32
      %lt3A_232 = arith.constant 0 : i32
      %lt3A_233 = arith.cmpi slt, %select_n3A_226, %lt3A_232 : i32
      %ne3A_234 = arith.xori %lt3A_231, %lt3A_233 : i1
      %and3A_235 = arith.andi %ne3A_234, %ne3A_229 : i1
      %add3A_236 = arith.addi %rem3A_227, %select_n3A_226 : i32
      %select_n3A_237 = arith.select %and3A_235, %add3A_236, %rem3A_227 : i32
      %jit3A_238 = arith.constant 2 : i32
      %eq3A_239 = arith.constant 0 : i32
      %eq3A_240 = arith.cmpi eq, %jit3A_238, %eq3A_239 : i32
      %jit3A_241 = arith.constant 1 : i32
      %select_n3A_242 = arith.select %eq3A_240, %jit3A_241, %jit3A_238 : i32
      %rem3A_243 = arith.remsi %sub3A_141, %select_n3A_242 : i32
      %ne3A_244 = arith.constant 0 : i32
      %ne3A_245 = arith.cmpi ne, %rem3A_243, %ne3A_244 : i32
      %lt3A_246 = arith.constant 0 : i32
      %lt3A_247 = arith.cmpi slt, %rem3A_243, %lt3A_246 : i32
      %lt3A_248 = arith.constant 0 : i32
      %lt3A_249 = arith.cmpi slt, %select_n3A_242, %lt3A_248 : i32
      %ne3A_250 = arith.xori %lt3A_247, %lt3A_249 : i1
      %and3A_251 = arith.andi %ne3A_250, %ne3A_245 : i1
      %add3A_252 = arith.addi %rem3A_243, %select_n3A_242 : i32
      %select_n3A_253 = arith.select %and3A_251, %add3A_252, %rem3A_243 : i32
      %jit3A_254 = arith.constant 2 : i32
      %eq3A_255 = arith.constant 0 : i32
      %eq3A_256 = arith.cmpi eq, %jit3A_254, %eq3A_255 : i32
      %jit3A_257 = arith.constant 1 : i32
      %select_n3A_258 = arith.select %eq3A_256, %jit3A_257, %jit3A_254 : i32
      %rem3A_259 = arith.remsi %select_n3A_221, %select_n3A_258 : i32
      %ne3A_260 = arith.constant 0 : i32
      %ne3A_261 = arith.cmpi ne, %rem3A_259, %ne3A_260 : i32
      %lt3A_262 = arith.constant 0 : i32
      %lt3A_263 = arith.cmpi slt, %rem3A_259, %lt3A_262 : i32
      %lt3A_264 = arith.constant 0 : i32
      %lt3A_265 = arith.cmpi slt, %select_n3A_258, %lt3A_264 : i32
      %ne3A_266 = arith.xori %lt3A_263, %lt3A_265 : i1
      %and3A_267 = arith.andi %ne3A_266, %ne3A_261 : i1
      %add3A_268 = arith.addi %rem3A_259, %select_n3A_258 : i32
      %select_n3A_269 = arith.select %and3A_267, %add3A_268, %rem3A_259 : i32
      %dma_wait3A_270 = arith.constant 0 : i32
      %dma_wait3A_271 = arith.constant 0 : i32
      %dma_wait3A_272 = tpu.memref_slice %arg10[%select_n3A_253, %dma_wait3A_270, %dma_wait3A_271] : memref<2x125x128xf32, #tpu.memory_space<vmem>> -> memref<1x125x128xf32, #tpu.memory_space<vmem>>
      %dma_wait3A_273 = tpu.memref_squeeze %dma_wait3A_272 : memref<1x125x128xf32, #tpu.memory_space<vmem>> -> memref<125x128xf32, #tpu.memory_space<vmem>>
      %dma_wait3A_274 = arith.constant 0 : i32
      %dma_wait3A_275 = tpu.memref_slice %arg8[%select_n3A_269, %select_n3A_237, %dma_wait3A_274] : memref<2x16x125xi32, #tpu.memory_space<vmem>> -> memref<1x1x125xi32, #tpu.memory_space<vmem>>
      %dma_wait3A_276 = tpu.memref_squeeze %dma_wait3A_275 : memref<1x1x125xi32, #tpu.memory_space<vmem>> -> memref<125xi32, #tpu.memory_space<vmem>>
      %dma_wait3A_277 = arith.constant 0 : i32
      %dma_wait3A_278 = arith.constant 0 : i32
      %dma_wait3A_279 = tpu.memref_slice %arg2[%dma_wait3A_277, %dma_wait3A_278] : memref<10000x128xf32, #tpu.memory_space<hbm>> -> memref<10000x128xf32, #tpu.memory_space<hbm>>
      %dma_wait3A_280 = tpu.memref_slice %arg11[%select_n3A_253] : memref<2x!tpu.dma_semaphore, #tpu.memory_space<semaphore_mem>> -> memref<1x!tpu.dma_semaphore, #tpu.memory_space<semaphore_mem>>
      %dma_wait3A_281 = tpu.memref_squeeze %dma_wait3A_280 : memref<1x!tpu.dma_semaphore, #tpu.memory_space<semaphore_mem>> -> memref<!tpu.dma_semaphore, #tpu.memory_space<semaphore_mem>>
      tpu.wait_indirect_dma semaphore(%dma_wait3A_281 : memref<!tpu.dma_semaphore, #tpu.memory_space<semaphore_mem>>) src(%dma_wait3A_279 : memref<10000x128xf32, #tpu.memory_space<hbm>>) dst(%dma_wait3A_273 : memref<125x128xf32, #tpu.memory_space<vmem>>)
      %jit3A_282 = arith.constant 3 : i32
      %eq3A_283 = arith.constant 0 : i32
      %eq3A_284 = arith.cmpi eq, %jit3A_282, %eq3A_283 : i32
      %jit3A_285 = arith.constant 1 : i32
      %select_n3A_286 = arith.select %eq3A_284, %jit3A_285, %jit3A_282 : i32
      %rem3A_287 = arith.remsi %select_n3A_165, %select_n3A_286 : i32
      %ne3A_288 = arith.constant 0 : i32
      %ne3A_289 = arith.cmpi ne, %rem3A_287, %ne3A_288 : i32
      %lt3A_290 = arith.constant 0 : i32
      %lt3A_291 = arith.cmpi slt, %rem3A_287, %lt3A_290 : i32
      %lt3A_292 = arith.constant 0 : i32
      %lt3A_293 = arith.cmpi slt, %select_n3A_286, %lt3A_292 : i32
      %ne3A_294 = arith.xori %lt3A_291, %lt3A_293 : i1
      %and3A_295 = arith.andi %ne3A_294, %ne3A_289 : i1
      %add3A_296 = arith.addi %rem3A_287, %select_n3A_286 : i32
      %select_n3A_297 = arith.select %and3A_295, %add3A_296, %rem3A_287 : i32
      %dma_start3A_298 = arith.constant 0 : i32
      %dma_start3A_299 = arith.constant 0 : i32
      %dma_start3A_300 = tpu.memref_slice %arg10[%select_n3A_197, %dma_start3A_298, %dma_start3A_299] : memref<2x125x128xf32, #tpu.memory_space<vmem>> -> memref<1x125x128xf32, #tpu.memory_space<vmem>>
      %dma_start3A_301 = tpu.memref_squeeze %dma_start3A_300 : memref<1x125x128xf32, #tpu.memory_space<vmem>> -> memref<125x128xf32, #tpu.memory_space<vmem>>
      %dma_start3A_302 = arith.constant 0 : i32
      %dma_start3A_303 = tpu.memref_slice %arg9[%select_n3A_297, %select_n3A_181, %dma_start3A_302] : memref<3x16x125xi32, #tpu.memory_space<vmem>> -> memref<1x1x125xi32, #tpu.memory_space<vmem>>
      %dma_start3A_304 = tpu.memref_squeeze %dma_start3A_303 : memref<1x1x125xi32, #tpu.memory_space<vmem>> -> memref<125xi32, #tpu.memory_space<vmem>>
      %dma_start3A_305 = arith.constant 0 : i32
      %dma_start3A_306 = arith.constant 0 : i32
      %dma_start3A_307 = tpu.memref_slice %arg7[%dma_start3A_305, %dma_start3A_306] : memref<10240x128xf32, #tpu.memory_space<vmem_shared>> -> memref<10240x128xf32, #tpu.memory_space<vmem_shared>>
      %dma_start3A_308 = tpu.memref_slice %arg13[%select_n3A_197] : memref<2x!tpu.dma_semaphore, #tpu.memory_space<semaphore_mem>> -> memref<1x!tpu.dma_semaphore, #tpu.memory_space<semaphore_mem>>
      %dma_start3A_309 = tpu.memref_squeeze %dma_start3A_308 : memref<1x!tpu.dma_semaphore, #tpu.memory_space<semaphore_mem>> -> memref<!tpu.dma_semaphore, #tpu.memory_space<semaphore_mem>>
      tpu.enqueue_indirect_dma source(%dma_start3A_301 : memref<125x128xf32, #tpu.memory_space<vmem>>) target(%dma_start3A_307 : memref<10240x128xf32, #tpu.memory_space<vmem_shared>>) offsets(%dma_start3A_304 : memref<125xi32, #tpu.memory_space<vmem>>) semaphore(%dma_start3A_309 : memref<!tpu.dma_semaphore, #tpu.memory_space<semaphore_mem>>) {add = true}
      %lt3A_310 = arith.constant 80 : i32
      %lt3A_311 = arith.cmpi slt, %scan3A_98, %lt3A_310 : i32
      %eq3A_312 = arith.constant 0 : i32
      %eq3A_313 = arith.cmpi eq, %select_n3A_128, %eq3A_312 : i32
      %and3A_314 = arith.andi %lt3A_311, %eq3A_313 : i1
      %add3A_315 = arith.constant 1 : i32
      %add3A_316 = arith.addi %select_n3A, %add3A_315 : i32
      %lt3A_317 = arith.constant 5 : i32
      %lt3A_318 = arith.cmpi slt, %add3A_316, %lt3A_317 : i32
      %and3A_319 = arith.andi %and3A_314, %lt3A_318 : i1
      %convert_element_type3A_320 = arith.extui %and3A_319 : i1 to i32
      %cond3A_321 = arith.constant 0 : i32
      %cond3A_322 = arith.cmpi ne, %convert_element_type3A_320, %cond3A_321 : i32
      scf.if %cond3A_322 {
        %add3A_323 = arith.constant 1 : i32
        %add3A_324 = arith.addi %select_n3A, %add3A_323 : i32
        %jit3A_325 = arith.constant 2 : i32
        %eq3A_326 = arith.constant 0 : i32
        %eq3A_327 = arith.cmpi eq, %jit3A_325, %eq3A_326 : i32
        %jit3A_328 = arith.constant 1 : i32
        %select_n3A_329 = arith.select %eq3A_327, %jit3A_328, %jit3A_325 : i32
        %rem3A_330 = arith.remsi %add3A_324, %select_n3A_329 : i32
        %ne3A_331 = arith.constant 0 : i32
        %ne3A_332 = arith.cmpi ne, %rem3A_330, %ne3A_331 : i32
        %lt3A_333 = arith.constant 0 : i32
        %lt3A_334 = arith.cmpi slt, %rem3A_330, %lt3A_333 : i32
        %lt3A_335 = arith.constant 0 : i32
        %lt3A_336 = arith.cmpi slt, %select_n3A_329, %lt3A_335 : i32
        %ne3A_337 = arith.xori %lt3A_334, %lt3A_336 : i1
        %and3A_338 = arith.andi %ne3A_337, %ne3A_332 : i1
        %add3A_339 = arith.addi %rem3A_330, %select_n3A_329 : i32
        %select_n3A_340 = arith.select %and3A_338, %add3A_339, %rem3A_330 : i32
        %add3A_341 = arith.constant 1 : i32
        %add3A_342 = arith.addi %select_n3A, %add3A_341 : i32
        %jit3A_343 = arith.constant 3 : i32
        %eq3A_344 = arith.constant 0 : i32
        %eq3A_345 = arith.cmpi eq, %jit3A_343, %eq3A_344 : i32
        %jit3A_346 = arith.constant 1 : i32
        %select_n3A_347 = arith.select %eq3A_345, %jit3A_346, %jit3A_343 : i32
        %rem3A_348 = arith.remsi %add3A_342, %select_n3A_347 : i32
        %ne3A_349 = arith.constant 0 : i32
        %ne3A_350 = arith.cmpi ne, %rem3A_348, %ne3A_349 : i32
        %lt3A_351 = arith.constant 0 : i32
        %lt3A_352 = arith.cmpi slt, %rem3A_348, %lt3A_351 : i32
        %lt3A_353 = arith.constant 0 : i32
        %lt3A_354 = arith.cmpi slt, %select_n3A_347, %lt3A_353 : i32
        %ne3A_355 = arith.xori %lt3A_352, %lt3A_354 : i1
        %and3A_356 = arith.andi %ne3A_355, %ne3A_350 : i1
        %add3A_357 = arith.addi %rem3A_348, %select_n3A_347 : i32
        %select_n3A_358 = arith.select %and3A_356, %add3A_357, %rem3A_348 : i32
        %add3A_359 = arith.constant 1 : i32
        %add3A_360 = arith.addi %select_n3A, %add3A_359 : i32
        %mul3A_361 = arith.constant 16 : i32
        %mul3A_362 = arith.muli %add3A_360, %mul3A_361 : i32
        %add3A_363 = arith.addi %mul3A_4, %mul3A_362 : i32
        %dma_start3A_364 = arith.constant 0 : i32
        %dma_start3A_365 = arith.constant 0 : i32
        %dma_start3A_366 = tpu.memref_slice %arg8[%select_n3A_340, %dma_start3A_364, %dma_start3A_365] : memref<2x16x125xi32, #tpu.memory_space<vmem>> -> memref<1x16x125xi32, #tpu.memory_space<vmem>>
        %dma_start3A_367 = tpu.memref_squeeze %dma_start3A_366 : memref<1x16x125xi32, #tpu.memory_space<vmem>> -> memref<16x125xi32, #tpu.memory_space<vmem>>
        %dma_start3A_368 = arith.constant 0 : i32
        %dma_start3A_369 = tpu.memref_slice %arg3[%add3A_363, %dma_start3A_368] : memref<2560x125xi32, #tpu.memory_space<hbm>> -> memref<16x125xi32, #tpu.memory_space<hbm>>
        %dma_start3A_370 = tpu.memref_slice %arg12[%select_n3A_340] : memref<2x!tpu.dma_semaphore, #tpu.memory_space<semaphore_mem>> -> memref<1x!tpu.dma_semaphore, #tpu.memory_space<semaphore_mem>>
        %dma_start3A_371 = tpu.memref_squeeze %dma_start3A_370 : memref<1x!tpu.dma_semaphore, #tpu.memory_space<semaphore_mem>> -> memref<!tpu.dma_semaphore, #tpu.memory_space<semaphore_mem>>
        %dma_start3A_372 = arith.constant 0 : i32
        %dma_start3A_373 = arith.constant 0 : i32
        %dma_start3A_374 = tpu.memref_slice %arg8[%select_n3A_340, %dma_start3A_372, %dma_start3A_373] : memref<2x16x125xi32, #tpu.memory_space<vmem>> -> memref<1x16x125xi32, #tpu.memory_space<vmem>>
        %dma_start3A_375 = tpu.memref_squeeze %dma_start3A_374 : memref<1x16x125xi32, #tpu.memory_space<vmem>> -> memref<16x125xi32, #tpu.memory_space<vmem>>
        %dma_start3A_376 = arith.constant 0 : i32
        %dma_start3A_377 = tpu.memref_slice %arg3[%add3A_363, %dma_start3A_376] : memref<2560x125xi32, #tpu.memory_space<hbm>> -> memref<16x125xi32, #tpu.memory_space<hbm>>
        tpu.enqueue_dma source(%dma_start3A_377 : memref<16x125xi32, #tpu.memory_space<hbm>>) target(%dma_start3A_375 : memref<16x125xi32, #tpu.memory_space<vmem>>) target_semaphore(%dma_start3A_371 : memref<!tpu.dma_semaphore, #tpu.memory_space<semaphore_mem>>)
        %add3A_378 = arith.constant 1 : i32
        %add3A_379 = arith.addi %select_n3A, %add3A_378 : i32
        %mul3A_380 = arith.constant 16 : i32
        %mul3A_381 = arith.muli %add3A_379, %mul3A_380 : i32
        %add3A_382 = arith.addi %mul3A_4, %mul3A_381 : i32
        %dma_start3A_383 = arith.constant 0 : i32
        %dma_start3A_384 = arith.constant 0 : i32
        %dma_start3A_385 = tpu.memref_slice %arg9[%select_n3A_358, %dma_start3A_383, %dma_start3A_384] : memref<3x16x125xi32, #tpu.memory_space<vmem>> -> memref<1x16x125xi32, #tpu.memory_space<vmem>>
        %dma_start3A_386 = tpu.memref_squeeze %dma_start3A_385 : memref<1x16x125xi32, #tpu.memory_space<vmem>> -> memref<16x125xi32, #tpu.memory_space<vmem>>
        %dma_start3A_387 = arith.constant 0 : i32
        %dma_start3A_388 = tpu.memref_slice %arg4[%add3A_382, %dma_start3A_387] : memref<2560x125xi32, #tpu.memory_space<hbm>> -> memref<16x125xi32, #tpu.memory_space<hbm>>
        %dma_start3A_389 = tpu.memref_slice %arg12[%select_n3A_340] : memref<2x!tpu.dma_semaphore, #tpu.memory_space<semaphore_mem>> -> memref<1x!tpu.dma_semaphore, #tpu.memory_space<semaphore_mem>>
        %dma_start3A_390 = tpu.memref_squeeze %dma_start3A_389 : memref<1x!tpu.dma_semaphore, #tpu.memory_space<semaphore_mem>> -> memref<!tpu.dma_semaphore, #tpu.memory_space<semaphore_mem>>
        %dma_start3A_391 = arith.constant 0 : i32
        %dma_start3A_392 = arith.constant 0 : i32
        %dma_start3A_393 = tpu.memref_slice %arg9[%select_n3A_358, %dma_start3A_391, %dma_start3A_392] : memref<3x16x125xi32, #tpu.memory_space<vmem>> -> memref<1x16x125xi32, #tpu.memory_space<vmem>>
        %dma_start3A_394 = tpu.memref_squeeze %dma_start3A_393 : memref<1x16x125xi32, #tpu.memory_space<vmem>> -> memref<16x125xi32, #tpu.memory_space<vmem>>
        %dma_start3A_395 = arith.constant 0 : i32
        %dma_start3A_396 = tpu.memref_slice %arg4[%add3A_382, %dma_start3A_395] : memref<2560x125xi32, #tpu.memory_space<hbm>> -> memref<16x125xi32, #tpu.memory_space<hbm>>
        tpu.enqueue_dma source(%dma_start3A_396 : memref<16x125xi32, #tpu.memory_space<hbm>>) target(%dma_start3A_394 : memref<16x125xi32, #tpu.memory_space<vmem>>) target_semaphore(%dma_start3A_390 : memref<!tpu.dma_semaphore, #tpu.memory_space<semaphore_mem>>)
      } else {
      }
    }
    %scan3A_65 = arith.constant 80 : i32
    %dma_wait3A = arith.constant 0 : i32
    %dma_wait3A_66 = arith.constant 1 : i32
    %dma_wait3A_67 = arith.constant 14 : i32
    %dma_wait3A_68 = arith.constant 0 : i32
    %dma_wait3A_69 = arith.constant 0 : i32
    %dma_wait3A_70 = arith.constant 0 : i32
    %dma_wait3A_71 = tpu.memref_slice %arg10[%dma_wait3A, %dma_wait3A_69, %dma_wait3A_70] : memref<2x125x128xf32, #tpu.memory_space<vmem>> -> memref<1x125x128xf32, #tpu.memory_space<vmem>>
    %dma_wait3A_72 = tpu.memref_squeeze %dma_wait3A_71 : memref<1x125x128xf32, #tpu.memory_space<vmem>> -> memref<125x128xf32, #tpu.memory_space<vmem>>
    %dma_wait3A_73 = arith.constant 0 : i32
    %dma_wait3A_74 = tpu.memref_slice %arg9[%dma_wait3A_66, %dma_wait3A_67, %dma_wait3A_73] : memref<3x16x125xi32, #tpu.memory_space<vmem>> -> memref<1x1x125xi32, #tpu.memory_space<vmem>>
    %dma_wait3A_75 = tpu.memref_squeeze %dma_wait3A_74 : memref<1x1x125xi32, #tpu.memory_space<vmem>> -> memref<125xi32, #tpu.memory_space<vmem>>
    %dma_wait3A_76 = arith.constant 0 : i32
    %dma_wait3A_77 = arith.constant 0 : i32
    %dma_wait3A_78 = tpu.memref_slice %arg7[%dma_wait3A_76, %dma_wait3A_77] : memref<10240x128xf32, #tpu.memory_space<vmem_shared>> -> memref<10240x128xf32, #tpu.memory_space<vmem_shared>>
    %dma_wait3A_79 = tpu.memref_slice %arg13[%dma_wait3A_68] : memref<2x!tpu.dma_semaphore, #tpu.memory_space<semaphore_mem>> -> memref<1x!tpu.dma_semaphore, #tpu.memory_space<semaphore_mem>>
    %dma_wait3A_80 = tpu.memref_squeeze %dma_wait3A_79 : memref<1x!tpu.dma_semaphore, #tpu.memory_space<semaphore_mem>> -> memref<!tpu.dma_semaphore, #tpu.memory_space<semaphore_mem>>
    tpu.wait_indirect_dma semaphore(%dma_wait3A_80 : memref<!tpu.dma_semaphore, #tpu.memory_space<semaphore_mem>>) src(%dma_wait3A_72 : memref<125x128xf32, #tpu.memory_space<vmem>>) dst(%dma_wait3A_78 : memref<10240x128xf32, #tpu.memory_space<vmem_shared>>)
    %dma_wait3A_81 = arith.constant 1 : i32
    %dma_wait3A_82 = arith.constant 1 : i32
    %dma_wait3A_83 = arith.constant 15 : i32
    %dma_wait3A_84 = arith.constant 1 : i32
    %dma_wait3A_85 = arith.constant 0 : i32
    %dma_wait3A_86 = arith.constant 0 : i32
    %dma_wait3A_87 = tpu.memref_slice %arg10[%dma_wait3A_81, %dma_wait3A_85, %dma_wait3A_86] : memref<2x125x128xf32, #tpu.memory_space<vmem>> -> memref<1x125x128xf32, #tpu.memory_space<vmem>>
    %dma_wait3A_88 = tpu.memref_squeeze %dma_wait3A_87 : memref<1x125x128xf32, #tpu.memory_space<vmem>> -> memref<125x128xf32, #tpu.memory_space<vmem>>
    %dma_wait3A_89 = arith.constant 0 : i32
    %dma_wait3A_90 = tpu.memref_slice %arg9[%dma_wait3A_82, %dma_wait3A_83, %dma_wait3A_89] : memref<3x16x125xi32, #tpu.memory_space<vmem>> -> memref<1x1x125xi32, #tpu.memory_space<vmem>>
    %dma_wait3A_91 = tpu.memref_squeeze %dma_wait3A_90 : memref<1x1x125xi32, #tpu.memory_space<vmem>> -> memref<125xi32, #tpu.memory_space<vmem>>
    %dma_wait3A_92 = arith.constant 0 : i32
    %dma_wait3A_93 = arith.constant 0 : i32
    %dma_wait3A_94 = tpu.memref_slice %arg7[%dma_wait3A_92, %dma_wait3A_93] : memref<10240x128xf32, #tpu.memory_space<vmem_shared>> -> memref<10240x128xf32, #tpu.memory_space<vmem_shared>>
    %dma_wait3A_95 = tpu.memref_slice %arg13[%dma_wait3A_84] : memref<2x!tpu.dma_semaphore, #tpu.memory_space<semaphore_mem>> -> memref<1x!tpu.dma_semaphore, #tpu.memory_space<semaphore_mem>>
    %dma_wait3A_96 = tpu.memref_squeeze %dma_wait3A_95 : memref<1x!tpu.dma_semaphore, #tpu.memory_space<semaphore_mem>> -> memref<!tpu.dma_semaphore, #tpu.memory_space<semaphore_mem>>
    tpu.wait_indirect_dma semaphore(%dma_wait3A_96 : memref<!tpu.dma_semaphore, #tpu.memory_space<semaphore_mem>>) src(%dma_wait3A_88 : memref<125x128xf32, #tpu.memory_space<vmem>>) dst(%dma_wait3A_94 : memref<10240x128xf32, #tpu.memory_space<vmem_shared>>)
    %barrier3A_97 = arith.constant 0 : index
    tpu.barrier barrier_id(%barrier3A_97)
    "tpu.region"() ({
      %run_scoped3A_98 = tpu.sem_alloc : memref<!tpu.dma_semaphore, #tpu.memory_space<semaphore_mem>>
      %dma_start3A_99 = arith.constant 0 : i32
      %dma_start3A_100 = tpu.memref_slice %arg6[%arg0, %mul3A_0, %dma_start3A_99] : memref<2x10240x128xf32, #tpu.memory_space<hbm>> -> memref<1x640x128xf32, #tpu.memory_space<hbm>>
      %dma_start3A_101 = tpu.memref_squeeze %dma_start3A_100 : memref<1x640x128xf32, #tpu.memory_space<hbm>> -> memref<640x128xf32, #tpu.memory_space<hbm>>
      %dma_start3A_102 = arith.constant 0 : i32
      %dma_start3A_103 = tpu.memref_slice %arg7[%mul3A_0, %dma_start3A_102] : memref<10240x128xf32, #tpu.memory_space<vmem_shared>> -> memref<640x128xf32, #tpu.memory_space<vmem_shared>>
      tpu.enqueue_dma source(%dma_start3A_103 : memref<640x128xf32, #tpu.memory_space<vmem_shared>>) target(%dma_start3A_101 : memref<640x128xf32, #tpu.memory_space<hbm>>) target_semaphore(%run_scoped3A_98 : memref<!tpu.dma_semaphore, #tpu.memory_space<semaphore_mem>>)
      %dma_wait3A_104 = arith.constant 0 : i32
      %dma_wait3A_105 = tpu.memref_slice %arg6[%arg0, %mul3A_0, %dma_wait3A_104] : memref<2x10240x128xf32, #tpu.memory_space<hbm>> -> memref<1x640x128xf32, #tpu.memory_space<hbm>>
      %dma_wait3A_106 = tpu.memref_squeeze %dma_wait3A_105 : memref<1x640x128xf32, #tpu.memory_space<hbm>> -> memref<640x128xf32, #tpu.memory_space<hbm>>
      %dma_wait3A_107 = arith.constant 0 : i32
      %dma_wait3A_108 = tpu.memref_slice %arg7[%mul3A_0, %dma_wait3A_107] : memref<10240x128xf32, #tpu.memory_space<vmem_shared>> -> memref<640x128xf32, #tpu.memory_space<vmem_shared>>
      tpu.wait_dma2 semaphore(%run_scoped3A_98 : memref<!tpu.dma_semaphore, #tpu.memory_space<semaphore_mem>>) src(%dma_wait3A_108 : memref<640x128xf32, #tpu.memory_space<vmem_shared>>) dst(%dma_wait3A_106 : memref<640x128xf32, #tpu.memory_space<hbm>>)
      tpu.yield
    }) : () -> ()
    return
  }
}

module attributes {stable_mosaic.version = 14 : i64} {
  func.func @body(%arg0: i32, %arg1: memref<1x1000x128xf32, #tpu.memory_space<vmem>>, %arg2: memref<1x1000x128xf32, #tpu.memory_space<vmem>>, %arg3: memref<128x128xf32, #tpu.memory_space<vmem>>, %arg4: memref<128x128xf32, #tpu.memory_space<vmem>>, %arg5: memref<128x128xf32, #tpu.memory_space<vmem>>, %arg6: memref<1x128xf32, #tpu.memory_space<vmem>>, %arg7: memref<1x128xf32, #tpu.memory_space<vmem>>, %arg8: memref<1000x128xf32, #tpu.memory_space<vmem>>, %arg9: memref<1000x128xf32, #tpu.memory_space<vmem>>) attributes {dimension_semantics = [#tpu.dimension_semantics<arbitrary>], iteration_bounds = array<i64: 10>, scalar_prefetch = 0 : i64, scratch_operands = 0 : i64, tpu.core_type = #tpu.core_type<tc>, window_params = [{transform_indices = @transform_0, window_bounds = array<i64: 1, 1000, 128>}, {transform_indices = @transform_1, window_bounds = array<i64: 1, 1000, 128>}, {pipeline_mode = #tpu.pipeline_mode<synchronous>, transform_indices = @transform_2, window_bounds = array<i64: 128, 128>}, {pipeline_mode = #tpu.pipeline_mode<synchronous>, transform_indices = @transform_3, window_bounds = array<i64: 128, 128>}, {pipeline_mode = #tpu.pipeline_mode<synchronous>, transform_indices = @transform_4, window_bounds = array<i64: 128, 128>}, {pipeline_mode = #tpu.pipeline_mode<synchronous>, transform_indices = @transform_5, window_bounds = array<i64: 1, 128>}, {pipeline_mode = #tpu.pipeline_mode<synchronous>, transform_indices = @transform_6, window_bounds = array<i64: 1, 128>}, {transform_indices = @transform_7, window_bounds = array<i64: 1000, 128>}, {transform_indices = @transform_8, window_bounds = array<i64: 1000, 128>}]} {
    %get3A = arith.constant 0 : index
    %get3A_0 = arith.constant 0 : index
    %get3A_1 = arith.constant 0 : index
    %get3A_2 = vector.load %arg1[%get3A, %get3A_0, %get3A_1] : memref<1x1000x128xf32, #tpu.memory_space<vmem>>, vector<1x1000x128xf32>
    %get3A_3 = vector.shape_cast %get3A_2 : vector<1x1000x128xf32> to vector<1000x128xf32>
    %get3A_4 = arith.constant 0 : index
    %get3A_5 = arith.constant 0 : index
    %get3A_6 = vector.load %arg3[%get3A_4, %get3A_5] : memref<128x128xf32, #tpu.memory_space<vmem>>, vector<128x128xf32>
    %dot_general3A = arith.constant dense<0.000000e+00> : vector<1000x128xf32>
    %dot_general3A_7 = tpu.matmul %get3A_3, %get3A_6, %dot_general3A {dimension_numbers = #tpu.dot_dimension_numbers<[1], [0], [0], [1], [0, 0, 1, 1], [], []>, precision = #tpu.contract_precision<fp32>, transpose_lhs_hint = false} : vector<1000x128xf32>, vector<128x128xf32>, vector<1000x128xf32> -> vector<1000x128xf32>
    %get3A_8 = arith.constant 0 : index
    %get3A_9 = arith.constant 0 : index
    %get3A_10 = arith.constant 0 : index
    %get3A_11 = vector.load %arg2[%get3A_8, %get3A_9, %get3A_10] : memref<1x1000x128xf32, #tpu.memory_space<vmem>>, vector<1x1000x128xf32>
    %get3A_12 = vector.shape_cast %get3A_11 : vector<1x1000x128xf32> to vector<1000x128xf32>
    %get3A_13 = arith.constant 0 : index
    %get3A_14 = arith.constant 0 : index
    %get3A_15 = vector.load %arg4[%get3A_13, %get3A_14] : memref<128x128xf32, #tpu.memory_space<vmem>>, vector<128x128xf32>
    %dot_general3A_16 = arith.constant dense<0.000000e+00> : vector<1000x128xf32>
    %dot_general3A_17 = tpu.matmul %get3A_12, %get3A_15, %dot_general3A_16 {dimension_numbers = #tpu.dot_dimension_numbers<[1], [0], [0], [1], [0, 0, 1, 1], [], []>, precision = #tpu.contract_precision<fp32>, transpose_lhs_hint = false} : vector<1000x128xf32>, vector<128x128xf32>, vector<1000x128xf32> -> vector<1000x128xf32>
    %add3A = arith.addf %dot_general3A_7, %dot_general3A_17 : vector<1000x128xf32>
    %get3A_18 = arith.constant 0 : index
    %get3A_19 = arith.constant 0 : index
    %get3A_20 = vector.load %arg6[%get3A_18, %get3A_19] : memref<1x128xf32, #tpu.memory_space<vmem>>, vector<1x128xf32>
    %add3A_21 = vector.broadcast %get3A_20 : vector<1x128xf32> to vector<1000x128xf32>
    %add3A_22 = arith.addf %add3A, %add3A_21 : vector<1000x128xf32>
    %logistic3A = arith.negf %add3A_22 : vector<1000x128xf32>
    %logistic3A_23 = math.exp %logistic3A : vector<1000x128xf32>
    %logistic3A_24 = arith.constant 1.000000e+00 : f32
    %logistic3A_25 = vector.broadcast %logistic3A_24 : f32 to vector<1000x128xf32>
    %logistic3A_26 = arith.addf %logistic3A_25, %logistic3A_23 : vector<1000x128xf32>
    %logistic3A_27 = arith.divf %logistic3A_25, %logistic3A_26 : vector<1000x128xf32>
    %swap3A = arith.constant 0 : index
    %swap3A_28 = arith.constant 0 : index
    %swap3A_29 = vector.load %arg8[%swap3A, %swap3A_28] : memref<1000x128xf32, #tpu.memory_space<vmem>>, vector<1000x128xf32>
    tpu.vector_store %arg8[%swap3A, %swap3A_28], %logistic3A_27 {strides = array<i32>} : memref<1000x128xf32, #tpu.memory_space<vmem>>, vector<1000x128xf32>,
    %get3A_30 = arith.constant 0 : index
    %get3A_31 = arith.constant 0 : index
    %get3A_32 = vector.load %arg5[%get3A_30, %get3A_31] : memref<128x128xf32, #tpu.memory_space<vmem>>, vector<128x128xf32>
    %dot_general3A_33 = arith.constant dense<0.000000e+00> : vector<1000x128xf32>
    %dot_general3A_34 = tpu.matmul %get3A_3, %get3A_32, %dot_general3A_33 {dimension_numbers = #tpu.dot_dimension_numbers<[1], [0], [0], [1], [0, 0, 1, 1], [], []>, precision = #tpu.contract_precision<fp32>, transpose_lhs_hint = false} : vector<1000x128xf32>, vector<128x128xf32>, vector<1000x128xf32> -> vector<1000x128xf32>
    %get3A_35 = arith.constant 0 : index
    %get3A_36 = arith.constant 0 : index
    %get3A_37 = vector.load %arg7[%get3A_35, %get3A_36] : memref<1x128xf32, #tpu.memory_space<vmem>>, vector<1x128xf32>
    %add3A_38 = vector.broadcast %get3A_37 : vector<1x128xf32> to vector<1000x128xf32>
    %add3A_39 = arith.addf %dot_general3A_34, %add3A_38 : vector<1000x128xf32>
    %swap3A_40 = arith.constant 0 : index
    %swap3A_41 = arith.constant 0 : index
    %swap3A_42 = vector.load %arg9[%swap3A_40, %swap3A_41] : memref<1000x128xf32, #tpu.memory_space<vmem>>, vector<1000x128xf32>
    tpu.vector_store %arg9[%swap3A_40, %swap3A_41], %add3A_39 {strides = array<i32>} : memref<1000x128xf32, #tpu.memory_space<vmem>>, vector<1000x128xf32>,
    return
  }
  func.func @transform_0(%arg0: i32) -> (i32, i32, i32) {
    %c0_i32 = arith.constant 0 : i32
    %c0_i32_0 = arith.constant 0 : i32
    %c0_i32_1 = arith.constant 0 : i32
    return %c0_i32, %arg0, %c0_i32_0 : i32, i32, i32
  }
  func.func @transform_1(%arg0: i32) -> (i32, i32, i32) {
    %c1_i32 = arith.constant 1 : i32
    %c0_i32 = arith.constant 0 : i32
    %c0_i32_0 = arith.constant 0 : i32
    return %c1_i32, %arg0, %c0_i32 : i32, i32, i32
  }
  func.func @transform_2(%arg0: i32) -> (i32, i32) {
    %c0_i32 = arith.constant 0 : i32
    %c0_i32_0 = arith.constant 0 : i32
    %c0_i32_1 = arith.constant 0 : i32
    return %c0_i32, %c0_i32_0 : i32, i32
  }
  func.func @transform_3(%arg0: i32) -> (i32, i32) {
    %c0_i32 = arith.constant 0 : i32
    %c0_i32_0 = arith.constant 0 : i32
    %c0_i32_1 = arith.constant 0 : i32
    return %c0_i32, %c0_i32_0 : i32, i32
  }
  func.func @transform_4(%arg0: i32) -> (i32, i32) {
    %c0_i32 = arith.constant 0 : i32
    %c0_i32_0 = arith.constant 0 : i32
    %c0_i32_1 = arith.constant 0 : i32
    return %c0_i32, %c0_i32_0 : i32, i32
  }
  func.func @transform_5(%arg0: i32) -> (i32, i32) {
    %c0_i32 = arith.constant 0 : i32
    %c0_i32_0 = arith.constant 0 : i32
    %c0_i32_1 = arith.constant 0 : i32
    return %c0_i32, %c0_i32_0 : i32, i32
  }
  func.func @transform_6(%arg0: i32) -> (i32, i32) {
    %c0_i32 = arith.constant 0 : i32
    %c0_i32_0 = arith.constant 0 : i32
    %c0_i32_1 = arith.constant 0 : i32
    return %c0_i32, %c0_i32_0 : i32, i32
  }
  func.func @transform_7(%arg0: i32) -> (i32, i32) {
    %c0_i32 = arith.constant 0 : i32
    %c0_i32_0 = arith.constant 0 : i32
    return %arg0, %c0_i32 : i32, i32
  }
  func.func @transform_8(%arg0: i32) -> (i32, i32) {
    %c0_i32 = arith.constant 0 : i32
    %c0_i32_0 = arith.constant 0 : i32
    return %arg0, %c0_i32 : i32, i32
  }
}

module attributes {stable_mosaic.version = 14 : i64} {
  func.func @body(%arg0: i32, %arg1: memref<1x1000x128xf32, #tpu.memory_space<vmem>>, %arg2: memref<1x1000x128xf32, #tpu.memory_space<vmem>>, %arg3: memref<1000x128xf32, #tpu.memory_space<vmem>>, %arg4: memref<128x128xf32, #tpu.memory_space<vmem>>, %arg5: memref<128x128xf32, #tpu.memory_space<vmem>>, %arg6: memref<1x128xf32, #tpu.memory_space<vmem>>, %arg7: memref<1000x128xf32, #tpu.memory_space<vmem>>) attributes {dimension_semantics = [#tpu.dimension_semantics<arbitrary>], iteration_bounds = array<i64: 10>, scalar_prefetch = 0 : i64, scratch_operands = 0 : i64, tpu.core_type = #tpu.core_type<tc>, window_params = [{transform_indices = @transform_0, window_bounds = array<i64: 1, 1000, 128>}, {transform_indices = @transform_1, window_bounds = array<i64: 1, 1000, 128>}, {transform_indices = @transform_2, window_bounds = array<i64: 1000, 128>}, {pipeline_mode = #tpu.pipeline_mode<synchronous>, transform_indices = @transform_3, window_bounds = array<i64: 128, 128>}, {pipeline_mode = #tpu.pipeline_mode<synchronous>, transform_indices = @transform_4, window_bounds = array<i64: 128, 128>}, {pipeline_mode = #tpu.pipeline_mode<synchronous>, transform_indices = @transform_5, window_bounds = array<i64: 1, 128>}, {transform_indices = @transform_6, window_bounds = array<i64: 1000, 128>}]} {
    %get3A = arith.constant 0 : index
    %get3A_0 = arith.constant 0 : index
    %get3A_1 = arith.constant 0 : index
    %get3A_2 = vector.load %arg1[%get3A, %get3A_0, %get3A_1] : memref<1x1000x128xf32, #tpu.memory_space<vmem>>, vector<1x1000x128xf32>
    %get3A_3 = vector.shape_cast %get3A_2 : vector<1x1000x128xf32> to vector<1000x128xf32>
    %get3A_4 = arith.constant 0 : index
    %get3A_5 = arith.constant 0 : index
    %get3A_6 = vector.load %arg4[%get3A_4, %get3A_5] : memref<128x128xf32, #tpu.memory_space<vmem>>, vector<128x128xf32>
    %dot_general3A = arith.constant dense<0.000000e+00> : vector<1000x128xf32>
    %dot_general3A_7 = tpu.matmul %get3A_3, %get3A_6, %dot_general3A {dimension_numbers = #tpu.dot_dimension_numbers<[1], [0], [0], [1], [0, 0, 1, 1], [], []>, precision = #tpu.contract_precision<fp32>, transpose_lhs_hint = false} : vector<1000x128xf32>, vector<128x128xf32>, vector<1000x128xf32> -> vector<1000x128xf32>
    %get3A_8 = arith.constant 0 : index
    %get3A_9 = arith.constant 0 : index
    %get3A_10 = arith.constant 0 : index
    %get3A_11 = vector.load %arg2[%get3A_8, %get3A_9, %get3A_10] : memref<1x1000x128xf32, #tpu.memory_space<vmem>>, vector<1x1000x128xf32>
    %get3A_12 = vector.shape_cast %get3A_11 : vector<1x1000x128xf32> to vector<1000x128xf32>
    %get3A_13 = arith.constant 0 : index
    %get3A_14 = arith.constant 0 : index
    %get3A_15 = vector.load %arg5[%get3A_13, %get3A_14] : memref<128x128xf32, #tpu.memory_space<vmem>>, vector<128x128xf32>
    %dot_general3A_16 = arith.constant dense<0.000000e+00> : vector<1000x128xf32>
    %dot_general3A_17 = tpu.matmul %get3A_12, %get3A_15, %dot_general3A_16 {dimension_numbers = #tpu.dot_dimension_numbers<[1], [0], [0], [1], [0, 0, 1, 1], [], []>, precision = #tpu.contract_precision<fp32>, transpose_lhs_hint = false} : vector<1000x128xf32>, vector<128x128xf32>, vector<1000x128xf32> -> vector<1000x128xf32>
    %add3A = arith.addf %dot_general3A_7, %dot_general3A_17 : vector<1000x128xf32>
    %get3A_18 = arith.constant 0 : index
    %get3A_19 = arith.constant 0 : index
    %get3A_20 = vector.load %arg6[%get3A_18, %get3A_19] : memref<1x128xf32, #tpu.memory_space<vmem>>, vector<1x128xf32>
    %add3A_21 = vector.broadcast %get3A_20 : vector<1x128xf32> to vector<1000x128xf32>
    %add3A_22 = arith.addf %add3A, %add3A_21 : vector<1000x128xf32>
    %logistic3A = arith.negf %add3A_22 : vector<1000x128xf32>
    %logistic3A_23 = math.exp %logistic3A : vector<1000x128xf32>
    %logistic3A_24 = arith.constant 1.000000e+00 : f32
    %logistic3A_25 = vector.broadcast %logistic3A_24 : f32 to vector<1000x128xf32>
    %logistic3A_26 = arith.addf %logistic3A_25, %logistic3A_23 : vector<1000x128xf32>
    %logistic3A_27 = arith.divf %logistic3A_25, %logistic3A_26 : vector<1000x128xf32>
    %get3A_28 = arith.constant 0 : index
    %get3A_29 = arith.constant 0 : index
    %get3A_30 = vector.load %arg3[%get3A_28, %get3A_29] : memref<1000x128xf32, #tpu.memory_space<vmem>>, vector<1000x128xf32>
    %mul3A = arith.mulf %logistic3A_27, %get3A_30 : vector<1000x128xf32>
    %swap3A = arith.constant 0 : index
    %swap3A_31 = arith.constant 0 : index
    %swap3A_32 = vector.load %arg7[%swap3A, %swap3A_31] : memref<1000x128xf32, #tpu.memory_space<vmem>>, vector<1000x128xf32>
    tpu.vector_store %arg7[%swap3A, %swap3A_31], %mul3A {strides = array<i32>} : memref<1000x128xf32, #tpu.memory_space<vmem>>, vector<1000x128xf32>,
    return
  }
  func.func @transform_0(%arg0: i32) -> (i32, i32, i32) {
    %c0_i32 = arith.constant 0 : i32
    %c0_i32_0 = arith.constant 0 : i32
    %c0_i32_1 = arith.constant 0 : i32
    return %c0_i32, %arg0, %c0_i32_0 : i32, i32, i32
  }
  func.func @transform_1(%arg0: i32) -> (i32, i32, i32) {
    %c1_i32 = arith.constant 1 : i32
    %c0_i32 = arith.constant 0 : i32
    %c0_i32_0 = arith.constant 0 : i32
    return %c1_i32, %arg0, %c0_i32 : i32, i32, i32
  }
  func.func @transform_2(%arg0: i32) -> (i32, i32) {
    %c0_i32 = arith.constant 0 : i32
    %c0_i32_0 = arith.constant 0 : i32
    return %arg0, %c0_i32 : i32, i32
  }
  func.func @transform_3(%arg0: i32) -> (i32, i32) {
    %c0_i32 = arith.constant 0 : i32
    %c0_i32_0 = arith.constant 0 : i32
    %c0_i32_1 = arith.constant 0 : i32
    return %c0_i32, %c0_i32_0 : i32, i32
  }
  func.func @transform_4(%arg0: i32) -> (i32, i32) {
    %c0_i32 = arith.constant 0 : i32
    %c0_i32_0 = arith.constant 0 : i32
    %c0_i32_1 = arith.constant 0 : i32
    return %c0_i32, %c0_i32_0 : i32, i32
  }
  func.func @transform_5(%arg0: i32) -> (i32, i32) {
    %c0_i32 = arith.constant 0 : i32
    %c0_i32_0 = arith.constant 0 : i32
    %c0_i32_1 = arith.constant 0 : i32
    return %c0_i32, %c0_i32_0 : i32, i32
  }
  func.func @transform_6(%arg0: i32) -> (i32, i32) {
    %c0_i32 = arith.constant 0 : i32
    %c0_i32_0 = arith.constant 0 : i32
    return %arg0, %c0_i32 : i32, i32
  }
}

module attributes {stable_mosaic.version = 14 : i64} {
  func.func @body(%arg0: i32, %arg1: memref<1000x128xf32, #tpu.memory_space<vmem>>, %arg2: memref<2x1000x128xf32, #tpu.memory_space<vmem>>, %arg3: memref<1000x128xf32, #tpu.memory_space<vmem>>, %arg4: memref<1000x128xf32, #tpu.memory_space<vmem>>, %arg5: memref<128x128xf32, #tpu.memory_space<vmem>>, %arg6: memref<1000x128xf32, #tpu.memory_space<vmem>>) attributes {dimension_semantics = [#tpu.dimension_semantics<arbitrary>], iteration_bounds = array<i64: 10>, scalar_prefetch = 0 : i64, scratch_operands = 0 : i64, tpu.core_type = #tpu.core_type<tc>, window_params = [{transform_indices = @transform_0, window_bounds = array<i64: 1000, 128>}, {transform_indices = @transform_1, window_bounds = array<i64: 2, 1000, 128>}, {transform_indices = @transform_2, window_bounds = array<i64: 1000, 128>}, {transform_indices = @transform_3, window_bounds = array<i64: 1000, 128>}, {pipeline_mode = #tpu.pipeline_mode<synchronous>, transform_indices = @transform_4, window_bounds = array<i64: 128, 128>}, {transform_indices = @transform_5, window_bounds = array<i64: 1000, 128>}]} {
    %get3A = arith.constant 0 : index
    %get3A_0 = arith.constant 0 : index
    %get3A_1 = arith.constant 0 : index
    %get3A_2 = vector.load %arg2[%get3A, %get3A_0, %get3A_1] : memref<2x1000x128xf32, #tpu.memory_space<vmem>>, vector<1x1000x128xf32>
    %get3A_3 = vector.shape_cast %get3A_2 : vector<1x1000x128xf32> to vector<1000x128xf32>
    %get3A_4 = arith.constant 1 : index
    %get3A_5 = arith.constant 0 : index
    %get3A_6 = arith.constant 0 : index
    %get3A_7 = vector.load %arg2[%get3A_4, %get3A_5, %get3A_6] : memref<2x1000x128xf32, #tpu.memory_space<vmem>>, vector<1x1000x128xf32>
    %get3A_8 = vector.shape_cast %get3A_7 : vector<1x1000x128xf32> to vector<1000x128xf32>
    %add3A = arith.addf %get3A_3, %get3A_8 : vector<1000x128xf32>
    %get3A_9 = arith.constant 0 : index
    %get3A_10 = arith.constant 0 : index
    %get3A_11 = vector.load %arg1[%get3A_9, %get3A_10] : memref<1000x128xf32, #tpu.memory_space<vmem>>, vector<1000x128xf32>
    %get3A_12 = arith.constant 0 : index
    %get3A_13 = arith.constant 0 : index
    %get3A_14 = vector.load %arg5[%get3A_12, %get3A_13] : memref<128x128xf32, #tpu.memory_space<vmem>>, vector<128x128xf32>
    %dot_general3A = arith.constant dense<0.000000e+00> : vector<1000x128xf32>
    %dot_general3A_15 = tpu.matmul %add3A, %get3A_14, %dot_general3A {dimension_numbers = #tpu.dot_dimension_numbers<[1], [0], [0], [1], [0, 0, 1, 1], [], []>, precision = #tpu.contract_precision<fp32>, transpose_lhs_hint = false} : vector<1000x128xf32>, vector<128x128xf32>, vector<1000x128xf32> -> vector<1000x128xf32>
    %add3A_16 = arith.addf %get3A_11, %dot_general3A_15 : vector<1000x128xf32>
    %tanh3A = math.tanh %add3A_16 : vector<1000x128xf32>
    %get3A_17 = arith.constant 0 : index
    %get3A_18 = arith.constant 0 : index
    %get3A_19 = vector.load %arg3[%get3A_17, %get3A_18] : memref<1000x128xf32, #tpu.memory_space<vmem>>, vector<1000x128xf32>
    %get3A_20 = arith.constant 0 : index
    %get3A_21 = arith.constant 0 : index
    %get3A_22 = vector.load %arg4[%get3A_20, %get3A_21] : memref<1000x128xf32, #tpu.memory_space<vmem>>, vector<1000x128xf32>
    %mul3A = arith.mulf %get3A_19, %get3A_22 : vector<1000x128xf32>
    %sub3A = arith.constant 1.000000e+00 : f32
    %sub3A_23 = vector.broadcast %sub3A : f32 to vector<1000x128xf32>
    %sub3A_24 = arith.subf %sub3A_23, %get3A_19 : vector<1000x128xf32>
    %mul3A_25 = arith.mulf %sub3A_24, %tanh3A : vector<1000x128xf32>
    %add3A_26 = arith.addf %mul3A, %mul3A_25 : vector<1000x128xf32>
    %swap3A = arith.constant 0 : index
    %swap3A_27 = arith.constant 0 : index
    %swap3A_28 = vector.load %arg6[%swap3A, %swap3A_27] : memref<1000x128xf32, #tpu.memory_space<vmem>>, vector<1000x128xf32>
    tpu.vector_store %arg6[%swap3A, %swap3A_27], %add3A_26 {strides = array<i32>} : memref<1000x128xf32, #tpu.memory_space<vmem>>, vector<1000x128xf32>,
    return
  }
  func.func @transform_0(%arg0: i32) -> (i32, i32) {
    %c0_i32 = arith.constant 0 : i32
    %c0_i32_0 = arith.constant 0 : i32
    return %arg0, %c0_i32 : i32, i32
  }
  func.func @transform_1(%arg0: i32) -> (i32, i32, i32) {
    %c0_i32 = arith.constant 0 : i32
    %c0_i32_0 = arith.constant 0 : i32
    %c0_i32_1 = arith.constant 0 : i32
    return %c0_i32, %arg0, %c0_i32_0 : i32, i32, i32
  }
  func.func @transform_2(%arg0: i32) -> (i32, i32) {
    %c0_i32 = arith.constant 0 : i32
    %c0_i32_0 = arith.constant 0 : i32
    return %arg0, %c0_i32 : i32, i32
  }
  func.func @transform_3(%arg0: i32) -> (i32, i32) {
    %c0_i32 = arith.constant 0 : i32
    %c0_i32_0 = arith.constant 0 : i32
    return %arg0, %c0_i32 : i32, i32
  }
  func.func @transform_4(%arg0: i32) -> (i32, i32) {
    %c0_i32 = arith.constant 0 : i32
    %c0_i32_0 = arith.constant 0 : i32
    %c0_i32_1 = arith.constant 0 : i32
    return %c0_i32, %c0_i32_0 : i32, i32
  }
  func.func @transform_5(%arg0: i32) -> (i32, i32) {
    %c0_i32 = arith.constant 0 : i32
    %c0_i32_0 = arith.constant 0 : i32
    return %arg0, %c0_i32 : i32, i32
  }
}

</mosaic_0001>

<sc_bundles>
// kernel: kernel.10.cloned.1.call-start
scs
__scs_entry_jumppad:
0x0: {  	(pc) =	sbr.rel $0x88, $3  }
0x1: {  	(tag) =	ssettag $0x0;
	lr =	simm.s32 $0x1  }
0x2: {  	[smem:$0x3F92] =	sst lr;
	_ =	strace $0xD0000000  }
0x3: {  	_ = 	snop  }
0x4: {  	_ = 	snop  }
0x5: {  	_ = 	snop  }
0x6: {  	_ = 	snop  }
0x7: {  	_ = 	snop  }
__scs_overlays_trampoline_lowered:
0x8: {  	[smem:$0x3FA1] =	sst s0  }
0x9: {  	[smem:$0x3FA2] =	sst s1  }
0xa: {  	[smem:$0x3FA3] =	sst s2  }
0xb: {  	[smem:$0x3FA4] =	sst s3  }
0xc: {  	[smem:$0x3FA5] =	sst s4  }
0xd: {  	[smem:$0x3FA6] =	sst s5  }
0xe: {  	[smem:$0x3FA7] =	sst s6  }
0xf: {  	[smem:$0x3FA8] =	sst s7  }
0x10: {  	[smem:$0x3FA9] =	sst s8  }
0x11: {  	[smem:$0x3FAA] =	sst s9;
	s0 =	simm.s32 @!p0 $0x0  }
0x12: {  	s1 =	sld [smem:$0x3F90];
	s0 =	simm.s32 @p0 $0x1  }
0x13: {  	[smem:$0x3FAB] =	sst s0;
	s0 =	simm.s32 @!p1 $0x0  }
0x14: {  	s2 =	sld [smem:$0x3F8F];
	s0 =	simm.s32 @p1 $0x1  }
0x15: {  	[smem:$0x3FAC] =	sst s0;
	s0 =	simm.s32 @!p2 $0x0  }
0x16: {  	s3 =	sld [smem:$0x3FDB];
	s0 =	simm.s32 @p2 $0x1  }
0x17: {  	s4 =	simm.s32 $0x1BF5;
	[smem:$0x3FAE] =	sst s0  }
0x18: {  	s0 =	sld [smem:$0x3F91];
	_ =	swait.ge [sflag:s4], $0x0  }
0x19: {  	s7 =	sld [smem:$0x3F92]  }
0x1a: {  	s8 =	sadd.s32 $0xFFFFE003, lr  }
0x1b: {  	s9 =	sadd.s32 $0xFFFFFEF7, lr;
	s5 =	simm.s32 $0xFFFFFFFF;
	p2 =	slt.u32 s8, $0xFFFFF086  }
0x1c: {  	p1 =	slt.u32 s9, $0xF7A;
	s5 =	simm.s32 @!p2 $0x0  }
0x1d: {  	s5 =	simm.s32 @p1 $0x1;
	p0 =	seq.s32 s7, s2  }
0x1e: {  	s7 =	smul.u32 @!p0 $0xF7A, s2;
	p2 =	seq.s32 @!p0 s5, $0x0  }
0x1f: {  	s9 =	smul.u32 $0xF7A, s1;
	s8 =	simm.s32 @!p0 $0x1BF5;
	p2 =	por !p2, p0  }
0x20: {  	[sflag:s8] =	ssyncset.s32 @!p0 $0xFFFFF086;
	s6 =	sadd.s32 @!p0 s3, s7;
	s7 =	simm.s32 @!p0 $0x108  }
0x21: {  	s3 =	sadd.s32 s3, s9;
	s6 =	sadd.s32 @!p0 $0x88, s6;
	s7 =	simm.s32 @p2 $0x1082  }
0x22: {  	[simem:s7], [sflag:s8] =	dma.local @!p0 [hbm:s6], $0xF7A  }
0x23: {  	s9 =	sor.u32 $0xD0000000, s2;
	s6 =	simm.s32 $0x108;
	_ =	swait.ge @!p0 [sflag:s8], $0x0  }
0x24: {  	s3 =	sadd.s32 $0x88, s3;
	s6 =	simm.s32 @!p1 $0x1082;
	[sflag:s4] =	ssyncset.s32 $0xFFFFF086  }
0x25: {  	[simem:s6], [sflag:s4] =	dma.local [hbm:s3], $0xF7A  }
0x26: {  	[smem:$0x3F92] =	sst s1;
	(tag) =	ssettag s2;
	_ =	strace s9  }
0x27: {  	s1 =	sld [smem:$0x3FA2]  }
0x28: {  	s2 =	sld [smem:$0x3FA3]  }
0x29: {  	s4 =	sld [smem:$0x3FA5]  }
0x2a: {  	p0 =	seq.s32 s5, $0x0;
	s5 =	sld [smem:$0x3FA6]  }
0x2b: {  	s6 =	sld [smem:$0x3FA7]  }
0x2c: {  	s7 =	sld [smem:$0x3FA8]  }
0x2d: {  	s3 =	simm.s32 $0x108;
	s8 =	sld [smem:$0x3FA9]  }
0x2e: {  	s3 =	simm.s32 @!p0 $0x1082;
	s9 =	sld [smem:$0x3FAA]  }
0x2f: {  	lr =	sadd.s32 s0, s3;
	s0 =	sld [smem:$0x3FA1]  }
0x30: {  	s3 =	sld [smem:$0x3FA4]  }
0x31: {  	[smem:$0x3FAD] =	sst s10  }
0x32: {  	s10 =	sld [smem:$0x3FAB];
	_ =	sdelay $0x3  }
0x33: {  	p0 =	seq.s32 s10, $0x1;
	s10 =	sld [smem:$0x3FAD];
	_ =	sdelay $0x3  }
0x34: {  	[smem:$0x3FAD] =	sst s10  }
0x35: {  	s10 =	sld [smem:$0x3FAC];
	_ =	sdelay $0x3  }
0x36: {  	p1 =	seq.s32 s10, $0x1;
	s10 =	sld [smem:$0x3FAD];
	_ =	sdelay $0x3  }
0x37: {  	[smem:$0x3FAD] =	sst s10  }
0x38: {  	s10 =	sld [smem:$0x3FAE]  }
0x39: {  	_ = 	snop;
	(pc) =	sbr.ind lr, $3  }
0x3a: {  	_ = 	snop  }
0x3b: {  	_ = 	snop  }
0x3c: {  	p2 =	seq.s32 s10, $0x1;
	s10 =	sld [smem:$0x3FAD]  }
0x3d: {  	_ =	shalt  }
0x3e: {  	_ =	shalt  }
0x3f: {  	_ =	shalt  }
0x40: {  	_ =	shalt  }
0x41: {  	_ =	shalt  }
0x42: {  	_ =	shalt  }
0x43: {  	_ =	shalt  }
0x44: {  	_ =	shalt  }
0x45: {  	_ =	shalt  }
0x46: {  	_ =	shalt  }
0x47: {  	_ =	shalt  }
0x48: {  	_ =	shalt  }
0x49: {  	_ =	shalt  }
0x4a: {  	_ =	shalt  }
0x4b: {  	_ =	shalt  }
0x4c: {  	_ =	shalt  }
0x4d: {  	_ =	shalt  }
0x4e: {  	_ =	shalt  }
0x4f: {  	_ =	shalt  }
0x50: {  	_ =	shalt  }
0x51: {  	_ =	shalt  }
0x52: {  	_ =	shalt  }
0x53: {  	_ =	shalt  }
0x54: {  	_ =	shalt  }
0x55: {  	_ =	shalt  }
0x56: {  	_ =	shalt  }
0x57: {  	_ =	shalt  }
0x58: {  	_ =	shalt  }
0x59: {  	_ =	shalt  }
0x5a: {  	_ =	shalt  }
0x5b: {  	_ =	shalt  }
0x5c: {  	_ =	shalt  }
0x5d: {  	_ =	shalt  }
0x5e: {  	_ =	shalt  }
0x5f: {  	_ =	shalt  }
0x60: {  	_ =	shalt  }
0x61: {  	_ =	shalt  }
0x62: {  	_ =	shalt  }
0x63: {  	_ =	shalt  }
0x64: {  	_ =	shalt  }
0x65: {  	_ =	shalt  }
0x66: {  	_ =	shalt  }
0x67: {  	_ =	shalt  }
0x68: {  	_ =	shalt  }
0x69: {  	_ =	shalt  }
0x6a: {  	_ =	shalt  }
0x6b: {  	_ =	shalt  }
0x6c: {  	_ =	shalt  }
0x6d: {  	_ =	shalt  }
0x6e: {  	_ =	shalt  }
0x6f: {  	_ =	shalt  }
0x70: {  	_ =	shalt  }
0x71: {  	_ =	shalt  }
0x72: {  	_ =	shalt  }
0x73: {  	_ =	shalt  }
0x74: {  	_ =	shalt  }
0x75: {  	_ =	shalt  }
0x76: {  	_ =	shalt  }
0x77: {  	_ =	shalt  }
0x78: {  	_ =	shalt  }
0x79: {  	_ =	shalt  }
0x7a: {  	_ =	shalt  }
0x7b: {  	_ =	shalt  }
0x7c: {  	_ =	shalt  }
0x7d: {  	_ =	shalt  }
0x7e: {  	_ =	shalt  }
0x7f: {  	_ =	shalt  }
0x80: {  	_ =	shalt  }
0x81: {  	_ =	shalt  }
0x82: {  	_ =	shalt  }
0x83: {  	_ =	shalt  }
0x84: {  	_ =	shalt  }
0x85: {  	_ =	shalt  }
0x86: {  	_ =	shalt  }
0x87: {  	_ =	shalt  }
.Lfunc_end0:
.L_simem_size_0:
called_computation.1_lowered:
.L_overlay_start_0:
0x88: {  	s2 =	sld [smem:$0x3FD9]  }
0x89: {  	s3 =	sld [smem:$0x3FFE];
	_ =	sdelay $0x1  }
0x8a: {  	s1 =	srdreg.scid  }
0x8b: {  	s0 =	sand.u32 $0x1, s1  }
0x8c: {  	s17 =	sshll.u32 s0, $0xA;
	s2 =	sadd.s32 s3, s2  }
0x8d: {  	s2 =	sadd.s32 s2, s17  }
0x8e: {  	[smem:$0x3FB9] =	sst s2  }
0x8f: {  	_ = 	snop  }
0x90: {  	s2 =	sld [smem:$0x3FD0];
	(tm) =	ssettm $0x1  }
0x91: {  	s18 =	sld [smem:$0x3FFB];
	_ =	sdelay $0x3  }
0x92: {  	_ =	strace s18  }
0x93: {  	s3 =	sld [smem:$0x3FFC];
	_ =	sdelay $0x3  }
0x94: {  	_ =	strace s3  }
0x95: {  	s3 =	sld [smem:$0x3FFD];
	_ =	sdelay $0x3  }
0x96: {  	_ =	strace s3  }
0x97: {  	_ =	strace $0x8FFFFFFF  }
0x98: {  	s19 =	sld [smem:$0x3FDB];
	_ =	sdelay $0x1  }
0x99: {  	s4 =	simm.s32 $_scs_section_size  }
0x9a: {  	s5 =	simm.s32 $_size__tile_overlayer_lowered;
	s6 =	simm.s32 $_tile_overlayer_lowered  }
0x9b: {  	s22 =	simm.s32 $0x1BFF;
	s21 =	sshll.u32 s6, $0x1;
	s3 =	sadd.s32 s4, s19  }
0x9c: {  	s7 =	simm.s32 $0x0;
	s20 =	sshll.u32 s5, $0x1;
	s5 =	sadd.s32 s21, s3  }
0x9d: {  	[timem:s7], [sflag:s22] =	dma.local [hbm:s5], s20  }
0x9e: {  	_ =	swait.ge [sflag:s22], s20  }
0x9f: {  	s4 =	ssub.s32 $0x0, s20;
	[sflag:s22] =	ssyncset.done $0x0  }
0xa0: {  	[sflag:s22] =	ssyncadd.s32 s4;
	_ =	sdelay $0x1  }
0xa1: {  	s23 =	simm.s32 $0x1B8B  }
0xa2: {  	_ =	swait.ge [sflag:s23], $0x1  }
0xa3: {  	[sflag:s23] =	ssyncset.done $0x0  }
0xa4: {  	s25 =	simm.s32 $0x1B8E;
	s24 =	sld [smem:$0x3FFE];
	[sflag:s23] =	ssyncadd.s32 $0xFFFFFFFF  }
0xa5: {  	s26 =	simm.s32 $execute0_lowered;
	[smem:$0x3FD2] =	sst s25  }
0xa6: {  	s5 =	sshll.u32 s26, $0x1;
	_ =	strace $0x80000049;
	[dreg:$0x1] =	wrdreg $0xFFFFFFFF  }
0xa7: {  	s28 =	simm.s32 $_size_execute0_lowered;
	s3 =	sadd.s32 s3, s5;
	[dreg:$0x0] =	wrdreg $0x0  }
0xa8: {  	s5 =	sshll.u32 s28, $0x1;
	[dreg:$0x2] =	wrdreg s3  }
0xa9: {  	[dreg:$0x3] =	wrdreg s5  }
0xaa: {  	[dreg:$0x4] =	wrdreg $0xC0  }
0xab: {  	_ =	task [dreg:s7], $0x5FFFF  }
0xac: {  	[dreg:$0x1] =	wrdreg $0xFFFFFFFF  }
0xad: {  	[dreg:$0x0] =	wrdreg $0x60  }
0xae: {  	[dreg:$0x2] =	wrdreg s2  }
0xaf: {  	[dreg:$0x3] =	wrdreg s24  }
0xb0: {  	[dreg:$0x4] =	wrdreg $0x0  }
0xb1: {  	[dreg:$0x5] =	wrdreg $0x9  }
0xb2: {  	_ =	task.clear_ibuf [dreg:s7], $0x6FFFF;
	_ =	strace $0x90000049  }
0xb3: {  	s29 =	simm.s32 $0x9;
	_ =	strace $0x8000004B  }
0xb4: {  	_ =	swait.ge [sflag:s29], $0x1  }
0xb5: {  	[sflag:s29] =	ssyncadd.s32 $0xFFFFFFFF  }
0xb6: {  	_ =	strace $0x9000004B  }
0xb7: {  	_ =	sfence  }
0xb8: {  	s30 =	sld [smem:$0x0];
	_ =	sdelay $0x2  }
0xb9: {  	s31 =	sshll.u32 s1, $0xD;
	s1 =	sshrl.u32 s1, $0x2  }
0xba: {  	s3 =	sand.u32 $0x4000, s31;
	s1 =	sadd.s32 s1, s30  }
0xbb: {  	s0 =	sor.u32 s3, s0;
	s1 =	sshll.u32 s1, $0x11  }
0xbc: {  	s0 =	sor.u32 s1, s0  }
0xbd: {  	s0 =	sadd.s32 $0x8F2B, s0  }
0xbe: {  	[sflag:s0] =	ssyncadd.remote.s32 $0x1  }
0xbf: {  	_ =	sfence.sel $0xFFFF  }
0xc0: {  	[dreg:$0x0] =	wrdreg $0xFFFFFFFF;
	(pc) =	sbr.abs _section_cstart, $3  }
0xc1: {  	[dreg:$0x1] =	wrdreg $0xFFFFFFFF  }
0xc2: {  	_ =	task.clear_ibuf [dreg:s7], $0x2FFFF;
	_ =	strace $0x9FFFFFFF  }
0xc3: {  	(tm) =	ssettm $0x7FFFFFFF  }
tec
execute0_lowered:
.L_overlay_start_1:
0x0: {  	(tag) =	ssettag $0x1  }
0x1: {  	s1 =	rddreg [dreg:$0x0]  }
0x2: {  	s0 =	rddreg [dreg:$0x1]  }
0x3: {  	s2 =	rddreg [dreg:$0x2];
	s3 =	srdreg.scid;
	s4 =	simm.s32 $0x0  }
0x4: {  	s11 =	stileid.u32;
	s31 =	simm.s32 $0x1;
	s3 =	sand.u32 $0x1, s3  }
0x5: {  	[smem:$0x7FF] =	sst s4;
	s8 =	smul.u32 $0x14000, s11;
	s5 =	sadd.s32 $0xD400, s0  }
0x6: {  	s6 =	sadd.s32 $0x3400, s0;
	s21 =	sadd.s32 $0x17400, s0;
	s9 =	smul.u32 $0x50000, s11  }
0x7: {  	s25 =	sshll.u32 s11, $0x6;
	s7 =	smul.u32 $0x140000, s3;
	_ =	strace $0x8000004A  }
0x8: {  	[dreg:$0x5] =	wrdreg s21;
	s22 =	sshll.u32 s3, $0x4;
	s3 =	ssub.s32 $0x2, s3  }
0x9: {  	[dreg:$0x4] =	wrdreg s31;
	s10 =	sor.u32 s11, s22;
	s23 =	sshrl.u32 s3, $0x1  }
0xa: {  	s24 =	sshrl.u32 s9, $0x2;
	s7 =	sadd.s32 s8, s7;
	s8 =	smul.u32 $0x2800, s10  }
0xb: {  	s9 =	sor.u32 $0x1C07, s25;
	s3 =	ssub.s32 s3, s23;
	s10 =	smul.u32 $0x500, s10  }
0xc: {  	[dreg:$0x6] =	wrdreg s9;
	s7 =	sshrl.u32 s7, $0x3;
	s30 =	smax.u32 s3, $0x1  }
0xd: {  	s0 =	sadd.s32 s7, s0;
	s12 =	sadd.s32 s5, s10;
	[dreg:$0xc] =	wrdreg s30  }
0xe: {  	s7 =	sadd.s32 s24, s2;
	s10 =	sadd.s32 s6, s10;
	[dreg:$0x7] =	wrdreg s12  }
0xf: {  	s26 =	sshrl.u32 s8, $0x3;
	[dreg:$0x8] =	wrdreg s10;
	s0 =	sadd.s32 $0x69C00, s0  }
0x10: {  	s13 =	sadd.s32 $0x100, s26;
	s3 =	sshrl.u32 s7, $0x3;
	[dreg:$0xb] =	wrdreg s0  }
0x11: {  	s28 =	sadd.s32 s5, s13;
	[dreg:$0xd] =	wrdreg s3  }
0x12: {  	s17 =	simm.s32 $0x7;
	s29 =	sadd.s32 s6, s13;
	[dreg:$0x9] =	wrdreg s28  }
0x13: {  	s22 =	simm.s32 $0x7D;
	s26 =	simm.s32 $0x0;
	[dreg:$0xa] =	wrdreg s29  }
.LBB2_1:
0x14: {  	s0 =	rddreg [dreg:$0x5]  }
0x15: {  	[spmem:s3], [sflag:s9] =	dma.local [hbm:s0], $0x2800  }
0x16: {  	s10 =	simm.s32 $0x14000;
	_ =	swait.ge [sflag:s17], $0x2800  }
0x17: {  	s7 =	simm.s32 $0x15000;
	s13 =	simm.s32 $0x14800;
	[sflag:s17] =	ssyncset.done $0x0  }
0x18: {  	s15 =	simm.s32 $0x15800;
	s16 =	simm.s32 $0x16800;
	[sflag:s17] =	ssyncadd.s32 $0xFFFFD800  }
0x19: {  	s28 =	simm.s32 $0x1;
	p0 =	por $0x0, $0x0;
	[bflag:$0x0] =	sbarrier.arrive $0xFFFF  }
0x1a: {  	s18 =	sand.u32 $0xFF, s4;
	s29 =	simm.s32 $0x0;
	s9 =	rddreg [dreg:$0x7]  }
0x1b: {  	[tilespmem:s10], [sflag:$0x7] =	stream.linear.gather [hbm4b:s9+s4], $0x800, $0x38;
	[tilespmem:$0x1E800] =	vst v63  }
0x1c: {  	s23 =	simm.s32 $0x0;
	p5 =	por $0x1, $0x1;
	_ =	swait.ge [sflag:s17], $0x800  }
0x1d: {  	s24 =	simm.s32 $0x0;
	s0 =	sand.u32 $0xF, s28;
	[sflag:s17] =	ssyncset.done $0x0  }
0x1e: {  	p3 =	por @!p0 $0x1, $0x1;
	s11 =	rddreg [dreg:$0x8];
	[sflag:s17] =	ssyncadd.s32 $0xFFFFF800  }
0x1f: {  	[tilespmem:s7], [sflag:$0x7] =	stream.linear.gather [hbm4b:s11+s4], $0x800, $0x38;
	[tilespmem:$0x1E800] =	vst v63  }
0x20: {  	s30 =	sand.u32 $0x4F, s28;
	p1 =	sne.s32 @!p0 s0, $0x0;
	_ =	swait.ge [sflag:s17], $0x800  }
0x21: {  	p4 =	por !p3, p0;
	s0 =	sshll.u32 @!p0 s0, $0x7;
	[sflag:s17] =	ssyncset.done $0x0  }
0x22: {  	p2 =	por p1, p0;
	s12 =	rddreg [dreg:$0x9];
	[sflag:s17] =	ssyncadd.s32 $0xFFFFF800  }
0x23: {  	[tilespmem:s13], [sflag:$0x4] =	stream.linear.gather [hbm4b:s12+s4], $0x800, $0x38;
	[tilespmem:$0x1E800] =	vst v63  }
0x24: {  	p1 =	por p3, p0;
	s7 =	sand.u32 $0xF, s23;
	s14 =	rddreg [dreg:$0xa]  }
0x25: {  	[tilespmem:s15], [sflag:$0x4] =	stream.linear.gather [hbm4b:s14+s4], $0x800, $0x38;
	[tilespmem:$0x1E800] =	vst v63  }
0x26: {  	s19 =	sand.u32 @!p1 $0x1, s28;
	s11 =	sand.u32 $0x1, s4;
	s7 =	sadd.s32 $0x0, s7  }
0x27: {  	[tilespmem:s16], [sflag:$0x1] =	stream.indirect.gather [hbm4b:s1+s22], $0x80, s10, s22, $0xb8;
	[tilespmem:$0x1E800] =	vst v63  }
0x28: {  	s25 =	sshll.u32 s11, $0xE;
	s20 =	sand.u32 $0xF0, s7;
	s10 =	sand.u32 @!p2 $0x1, s29  }
0x29: {  	s31 =	sadd.s32 $0x1, s11;
	p6 =	sne.s32 s18, s20;
	s21 =	sadd.s32 @!p2 $0x3, s10  }
0x2a: {  	s20 =	sshll.u32 s7, $0x18;
	s7 =	simm.s32 @!p0 $0x0;
	_ =	swait.ge @!p2 [sflag:s21], $0x800  }
0x2b: {  	p3 =	por !p5, !p6;
	s7 =	sand.u32 @!p0 $0x800, s7;
	[sflag:s21] =	ssyncset.done @!p2 $0x0  }
0x2c: {  	s12 =	sadd.s32 @!p1 $0x5, s19;
	s7 =	sor.u32 @!p0 s0, s7;
	[sflag:s21] =	ssyncadd.s32 @!p2 $0xFFFFF800  }
0x2d: {  	s0 =	sadd.s32 $0x5, s11;
	s10 =	simm.s32 $0x1;
	_ =	swait.ge @!p2 [sflag:s21], $0x800  }
0x2e: {  	s7 =	sor.u32 @!p0 $0x14000, s7;
	s10 =	smov.u32 @p4 s19;
	[sflag:s21] =	ssyncset.done @!p2 $0x0  }
0x2f: {  	s19 =	sadd.s32 $0x16800, s25;
	s3 =	sshll.u32 @!p0 s10, $0xE;
	[sflag:s21] =	ssyncadd.s32 @!p2 $0xFFFFF800  }
0x30: {  	s10 =	sadd.s32 @!p0 $0x1, s10;
	s23 =	sand.u32 @!p0 $0x3FFFC000, s3;
	_ =	swait.ge @!p1 [sflag:s12], $0x3E80  }
0x31: {  	s3 =	sand.u32 $0x780, s24;
	s23 =	sadd.s32 @!p0 $0x16800, s23;
	[sflag:s12] =	ssyncset.done @!p1 $0x0  }
0x32: {  	s21 =	simm.s32 @!p0 $0x7D;
	p2 =	por !p3, !p3;
	[sflag:s12] =	ssyncadd.s32 @!p1 $0xFFFFC180  }
.LBB2_2:
0x33: {  	[tilespmem:s23], [sflag:s10] =	stream.indirect.gather @!p0 [hbm4b:s1+s21], $0x80, s7, s21, $0xb8;
	[tilespmem:$0x1E800] =	vst v63  }
0x34: {  	s10 =	sand.u32 $0xFF, s28  }
0x35: {  	s25 =	sshra.s32 s20, $0x1C;
	s20 =	smov.u32 s28;
	s28 =	sadd.s32 $0x1, s28  }
0x36: {  	s11 =	rddreg [dreg:$0x4];
	p3 =	sne.s32 s30, $0x0;
	s12 =	sand.u32 $0xF, s28  }
0x37: {  	p0 =	seq.s32 s20, $0x4F;
	s23 =	simm.s32 @!p3 $0x0;
	s13 =	sadd.s32 @!p3 $0x1, s29  }
0x38: {  	s11 =	simm.s32 @!p2 $0x0;
	s29 =	sshrl.u32 s28, $0x4;
	s9 =	sshll.u32 s20, $0x18  }
0x39: {  	_ =	swait.ge [sflag:s31], $0x3E80;
	s11 =	ssub.s32 s25, s11;
	s7 =	smul.u32 @!p3 $0xAB, s13  }
0x3a: {  	p1 =	sne.s32 @!p0 s12, $0x0;
	p6 =	slt.u32 @!p0 s28, $0x2;
	s18 =	smul.u32 $0x56, s11  }
0x3b: {  	s14 =	sshll.u32 @!p3 s13, $0xB;
	s21 =	sshll.u32 @!p0 s12, $0x7;
	s12 =	sshra.s32 s9, $0x1F  }
0x3c: {  	s25 =	smov.u32 s28;
	s16 =	sshrl.u32 s18, $0x1F;
	s18 =	sshrl.u32 s18, $0x8  }
0x3d: {  	[sflag:s31] =	ssyncset.done $0x0;
	s24 =	sand.u32 $0xF, s12;
	s12 =	sadd.s32 s16, s18  }
0x3e: {  	p1 =	por p1, p0;
	p5 =	por !p6, p0;
	s12 =	smul.u32 $0x3, s12  }
0x3f: {  	p2 =	por p6, p0;
	s14 =	sadd.s32 @!p3 s8, s14;
	[sflag:s31] =	ssyncadd.s32 $0xFFFFC180  }
0x40: {  	s15 =	sshrl.u32 @!p3 s7, $0x9;
	s7 =	sand.u32 @!p2 $0x1, s28;
	s11 =	ssub.s32 s11, s12  }
0x41: {  	s14 =	sshrl.u32 @!p3 s14, $0x3;
	s15 =	sand.u32 @!p3 $0x7F, s15;
	s11 =	sshll.u32 s11, $0x18  }
0x42: {  	s25 =	smov.u32 @p5 s7;
	s15 =	smul.u32 @!p3 $0x3, s15;
	s11 =	sshra.s32 s11, $0x18  }
0x43: {  	s18 =	sand.u32 @!p3 $0x1, s13;
	p5 =	slt.s32 s11, $0x0;
	s11 =	sshll.u32 s11, $0xB  }
0x44: {  	s13 =	ssub.s32 @!p3 s13, s15;
	s15 =	sadd.s32 s24, s20;
	s16 =	sadd.s32 $0x1800, s11  }
0x45: {  	s12 =	sshll.u32 @!p3 s18, $0xB;
	s13 =	sand.u32 @!p3 $0xFF, s13;
	s11 =	smov.u32 @p5 s16  }
0x46: {  	s24 =	sand.u32 $0xF0, s15;
	s12 =	sor.u32 @!p3 $0x14000, s12;
	s3 =	sor.u32 s3, s11  }
0x47: {  	s13 =	sshll.u32 @!p3 s13, $0xB;
	p6 =	sne.s32 s10, s24;
	s3 =	sadd.s32 $0x15000, s3  }
0x48: {  	[spmem:s2] =	stream.indirect.scatter.add.f32 [tilespmem:s19], [sflag:s0], $0x80, s3, s22, $0xb8;
	[tilespmem:$0x1E800] =	vst v63  }
0x49: {  	s10 =	sadd.s32 @!p3 s5, s14;
	s0 =	sand.u32 @!p1 $0x1, s29;
	s3 =	sadd.s32 @!p3 $0x3, s18  }
0x4a: {  	[tilespmem:s12], [sflag:s3] =	stream.linear.gather @!p3 [hbm4b:s10+s23], $0x800, $0x38;
	[tilespmem:$0x1E800] =	vst v63  }
0x4b: {  	s11 =	sadd.s32 @!p3 $0x15000, s13;
	s13 =	sadd.s32 @!p3 s6, s14;
	s12 =	sadd.s32 @!p1 $0x3, s0  }
0x4c: {  	[tilespmem:s11], [sflag:s3] =	stream.linear.gather @!p3 [hbm4b:s13+s23], $0x800, $0x38;
	[tilespmem:$0x1E800] =	vst v63  }
0x4d: {  	s30 =	sand.u32 $0x4F, s28;
	p4 =	slt.u32 s28, $0x2;
	_ =	swait.ge @!p1 [sflag:s12], $0x800  }
0x4e: {  	s7 =	sadd.s32 @!p2 $0x5, s7;
	s9 =	sshll.u32 @!p0 s25, $0xE;
	[sflag:s12] =	ssyncset.done @!p1 $0x0  }
0x4f: {  	s24 =	sshll.u32 s20, $0x7;
	p4 =	por !p4, !p6;
	[sflag:s12] =	ssyncadd.s32 @!p1 $0xFFFFF800  }
0x50: {  	s19 =	sand.u32 $0x1, s20;
	s20 =	sshll.u32 s15, $0x18;
	_ =	swait.ge @!p1 [sflag:s12], $0x800  }
0x51: {  	s31 =	sadd.s32 $0x1, s19;
	s0 =	sand.u32 @!p0 $0x3FFFC000, s9;
	[sflag:s12] =	ssyncset.done @!p1 $0x0  }
0x52: {  	s10 =	sadd.s32 @!p0 $0x1, s25;
	[sflag:s12] =	ssyncadd.s32 @!p1 $0xFFFFF800;
	p1 =	sne.s32 s28, $0x50  }
.Ltmp0:
0x53: {  	s25 =	sshll.u32 s19, $0xE;
	s9 =	sshll.u32 @!p0 s29, $0xB;
	(pc) =	sbr.rel @p1 .LBB2_2-.Ltmp0, $4  }
0x54: {  	s9 =	sand.u32 @!p0 $0x800, s9;
	s3 =	sand.u32 $0x780, s24;
	s23 =	sadd.s32 @!p0 $0x16800, s0  }
0x55: {  	s0 =	sadd.s32 $0x5, s19;
	s19 =	sadd.s32 $0x16800, s25;
	_ =	swait.ge @!p2 [sflag:s7], $0x3E80  }
0x56: {  	s9 =	sor.u32 @!p0 s21, s9;
	s21 =	simm.s32 @!p0 $0x7D;
	[sflag:s7] =	ssyncset.done @!p2 $0x0  }
0x57: {  	[sflag:s7] =	ssyncadd.s32 @!p2 $0xFFFFC180;
	s7 =	sor.u32 @!p0 $0x14000, s9;
	p2 =	por !p4, !p4  }
0x58: {  	s9 =	rddreg [dreg:$0x4]  }
0x59: {  	s11 =	sshra.s32 s20, $0x1C;
	s9 =	simm.s32 @!p2 $0x0  }
0x5a: {  	s9 =	ssub.s32 s11, s9  }
0x5b: {  	s11 =	smul.u32 $0x56, s9  }
0x5c: {  	[tilespmem:s23], [sflag:s10] =	stream.indirect.gather @!p0 [hbm4b:s1+s21], $0x80, s7, s21, $0xb8;
	[tilespmem:$0x1E800] =	vst v63  }
0x5d: {  	s24 =	sshrl.u32 s11, $0x1F;
	s25 =	sshrl.u32 s11, $0x8  }
0x5e: {  	s7 =	sadd.s32 s24, s25  }
0x5f: {  	p0 =	sne.s32 s30, $0x0;
	s7 =	smul.u32 $0x3, s7  }
0x60: {  	s10 =	sadd.s32 @!p0 $0x1, s29;
	_ =	swait.ge [sflag:s31], $0x3E80  }
0x61: {  	s12 =	sshll.u32 @!p0 s10, $0xB;
	s11 =	smul.u32 @!p0 $0xAB, s10;
	s7 =	ssub.s32 s9, s7  }
0x62: {  	s13 =	sand.u32 @!p0 $0x1, s10;
	[sflag:s31] =	ssyncset.done $0x0;
	s7 =	sshll.u32 s7, $0x18  }
0x63: {  	s12 =	sadd.s32 @!p0 s8, s12;
	s11 =	sshrl.u32 @!p0 s11, $0x9;
	s7 =	sshra.s32 s7, $0x18  }
0x64: {  	[sflag:s31] =	ssyncadd.s32 $0xFFFFC180;
	s11 =	sand.u32 @!p0 $0x7F, s11;
	s14 =	sshll.u32 s7, $0xB  }
0x65: {  	s11 =	smul.u32 @!p0 $0x3, s11;
	p1 =	slt.s32 s7, $0x0;
	s7 =	sadd.s32 $0x1800, s14  }
0x66: {  	s12 =	sshrl.u32 @!p0 s12, $0x3;
	s9 =	simm.s32 @!p0 $0x0;
	s14 =	smov.u32 @p1 s7  }
0x67: {  	s10 =	ssub.s32 @!p0 s10, s11;
	s7 =	sshll.u32 @!p0 s13, $0xB;
	s3 =	sor.u32 s3, s14  }
0x68: {  	s10 =	sand.u32 @!p0 $0xFF, s10;
	s7 =	sor.u32 @!p0 $0x14000, s7;
	s3 =	sadd.s32 $0x15000, s3  }
0x69: {  	[spmem:s2] =	stream.indirect.scatter.add.f32 [tilespmem:s19], [sflag:s0], $0x80, s3, s22, $0xb8;
	[tilespmem:$0x1E800] =	vst v63  }
0x6a: {  	s0 =	sshll.u32 @!p0 s10, $0xB;
	s3 =	sadd.s32 @!p0 s5, s12;
	s10 =	sadd.s32 @!p0 $0x3, s13  }
0x6b: {  	[tilespmem:s7], [sflag:s10] =	stream.linear.gather @!p0 [hbm4b:s3+s9], $0x800, $0x38;
	[tilespmem:$0x1E800] =	vst v63  }
0x6c: {  	s28 =	simm.s32 $0x5;
	s0 =	sadd.s32 @!p0 $0x15000, s0;
	s3 =	sadd.s32 @!p0 s6, s12  }
0x6d: {  	[tilespmem:s0], [sflag:s10] =	stream.linear.gather @!p0 [hbm4b:s3+s9], $0x800, $0x38;
	[tilespmem:$0x1E800] =	vst v63  }
0x6e: {  	_ =	swait.ge [sflag:s28], $0x3E80  }
0x6f: {  	[sflag:s28] =	ssyncset.done $0x0  }
0x70: {  	s29 =	simm.s32 $0x6;
	[sflag:s28] =	ssyncadd.s32 $0xFFFFC180  }
0x71: {  	_ =	swait.ge [sflag:s29], $0x3E80  }
0x72: {  	[sflag:s29] =	ssyncset.done $0x0  }
0x73: {  	[sflag:s29] =	ssyncadd.s32 $0xFFFFC180  }
0x74: {  	[bflag:$0x0] =	sbarrier.arrive $0xFFFF  }
0x75: {  	s9 =	rddreg [dreg:$0x6]  }
0x76: {  	s30 =	rddreg [dreg:$0xb]  }
0x77: {  	s3 =	rddreg [dreg:$0xd]  }
0x78: {  	[hbm:s30], [sflag:s9] =	dma.local [spmem:s3], $0x2800  }
0x79: {  	_ =	swait.ge [sflag:s17], $0x2800  }
0x7a: {  	s26 =	sadd.s32 $0x1, s26;
	s31 =	rddreg [dreg:$0xc]  }
0x7b: {  	p0 =	sne.s32 s26, s31  }
.Ltmp1:
0x7c: {  	_ = 	snop;
	(pc) =	sbr.rel @p0 .LBB2_1-.Ltmp1, $3  }
0x7d: {  	_ =	sdelay $0x1  }
0x7e: {  	[sflag:s17] =	ssyncset.done $0x0  }
0x7f: {  	[sflag:s17] =	ssyncadd.s32 $0xFFFFD800  }
0x80: {  	_ =	sfence.sel $0x180000  }
0x81: {  	[bflag:$0x0] =	sbarrier.arrive $0xFFFF  }
0x82: {  	_ =	strace $0x9000004A  }
0x83: {  	s0 =	stileid.u32;
	[bflag:$0x2] =	sbarrier.arrive $0xFFFF  }
0x84: {  	p0 =	sne.s32 s0, $0x0;
	s0 =	rddreg [dreg:$0x3]  }
0x85: {  	s0 =	sadd.s32 @!p0 $0x100000, s0  }
0x86: {  	[sflag:s0] =	ssyncadd.tile.s32 @!p0 $0x1;
	_ =	shalt  }
.Lfunc_end2:
_tile_overlayer_lowered:
.L_overlay_start_2:
0x87: {  	(tag) =	ssettag $0x2  }
0x88: {  	s0 =	rddreg [dreg:$0x0];
	s2 =	stileid.u32  }
0x89: {  	s1 =	rddreg [dreg:$0x1];
	p0 =	sne.s32 s2, $0x0  }
0x8a: {  	s3 =	rddreg [dreg:$0x2];
	[bflag:$0x3] =	sbarrier.arrive $0xFFFF;
	s2 =	simm.s32 @!p0 $0x1C07  }
0x8b: {  	[timem:s3], [sflag:s2] =	dma.local @!p0 [hbm:s0], s1  }
0x8c: {  	s0 =	simm.s32 @!p0 $0x7  }
0x8d: {  	_ =	swait.ge @!p0 [sflag:s0], s1  }
0x8e: {  	s1 =	ssub.s32 @!p0 $0x0, s1;
	[sflag:s0] =	ssyncset.done @!p0 $0x0  }
0x8f: {  	[sflag:s0] =	ssyncadd.s32 @!p0 s1  }
0x90: {  	[bflag:$0x3] =	sbarrier.arrive $0xFFFF  }
0x91: {  	_ =	shalt  }

// kernel: kernel.7.cloned.1.call-start
scs
__scs_entry_jumppad:
0x0: {  	(pc) =	sbr.rel $0x88, $3  }
0x1: {  	(tag) =	ssettag $0x0;
	lr =	simm.s32 $0x1  }
0x2: {  	[smem:$0x3F92] =	sst lr;
	_ =	strace $0xD0000000  }
0x3: {  	_ = 	snop  }
0x4: {  	_ = 	snop  }
0x5: {  	_ = 	snop  }
0x6: {  	_ = 	snop  }
0x7: {  	_ = 	snop  }
__scs_overlays_trampoline_lowered:
0x8: {  	[smem:$0x3FA1] =	sst s0  }
0x9: {  	[smem:$0x3FA2] =	sst s1  }
0xa: {  	[smem:$0x3FA3] =	sst s2  }
0xb: {  	[smem:$0x3FA4] =	sst s3  }
0xc: {  	[smem:$0x3FA5] =	sst s4  }
0xd: {  	[smem:$0x3FA6] =	sst s5  }
0xe: {  	[smem:$0x3FA7] =	sst s6  }
0xf: {  	[smem:$0x3FA8] =	sst s7  }
0x10: {  	[smem:$0x3FA9] =	sst s8  }
0x11: {  	[smem:$0x3FAA] =	sst s9;
	s0 =	simm.s32 @!p0 $0x0  }
0x12: {  	s1 =	sld [smem:$0x3F90];
	s0 =	simm.s32 @p0 $0x1  }
0x13: {  	[smem:$0x3FAB] =	sst s0;
	s0 =	simm.s32 @!p1 $0x0  }
0x14: {  	s2 =	sld [smem:$0x3F8F];
	s0 =	simm.s32 @p1 $0x1  }
0x15: {  	[smem:$0x3FAC] =	sst s0;
	s0 =	simm.s32 @!p2 $0x0  }
0x16: {  	s3 =	sld [smem:$0x3FDB];
	s0 =	simm.s32 @p2 $0x1  }
0x17: {  	s4 =	simm.s32 $0x1BF5;
	[smem:$0x3FAE] =	sst s0  }
0x18: {  	s0 =	sld [smem:$0x3F91];
	_ =	swait.ge [sflag:s4], $0x0  }
0x19: {  	s7 =	sld [smem:$0x3F92]  }
0x1a: {  	s8 =	sadd.s32 $0xFFFFE003, lr  }
0x1b: {  	s9 =	sadd.s32 $0xFFFFFEF7, lr;
	s5 =	simm.s32 $0xFFFFFFFF;
	p2 =	slt.u32 s8, $0xFFFFF086  }
0x1c: {  	p1 =	slt.u32 s9, $0xF7A;
	s5 =	simm.s32 @!p2 $0x0  }
0x1d: {  	s5 =	simm.s32 @p1 $0x1;
	p0 =	seq.s32 s7, s2  }
0x1e: {  	s7 =	smul.u32 @!p0 $0xF7A, s2;
	p2 =	seq.s32 @!p0 s5, $0x0  }
0x1f: {  	s9 =	smul.u32 $0xF7A, s1;
	s8 =	simm.s32 @!p0 $0x1BF5;
	p2 =	por !p2, p0  }
0x20: {  	[sflag:s8] =	ssyncset.s32 @!p0 $0xFFFFF086;
	s6 =	sadd.s32 @!p0 s3, s7;
	s7 =	simm.s32 @!p0 $0x108  }
0x21: {  	s3 =	sadd.s32 s3, s9;
	s6 =	sadd.s32 @!p0 $0x88, s6;
	s7 =	simm.s32 @p2 $0x1082  }
0x22: {  	[simem:s7], [sflag:s8] =	dma.local @!p0 [hbm:s6], $0xF7A  }
0x23: {  	s9 =	sor.u32 $0xD0000000, s2;
	s6 =	simm.s32 $0x108;
	_ =	swait.ge @!p0 [sflag:s8], $0x0  }
0x24: {  	s3 =	sadd.s32 $0x88, s3;
	s6 =	simm.s32 @!p1 $0x1082;
	[sflag:s4] =	ssyncset.s32 $0xFFFFF086  }
0x25: {  	[simem:s6], [sflag:s4] =	dma.local [hbm:s3], $0xF7A  }
0x26: {  	[smem:$0x3F92] =	sst s1;
	(tag) =	ssettag s2;
	_ =	strace s9  }
0x27: {  	s1 =	sld [smem:$0x3FA2]  }
0x28: {  	s2 =	sld [smem:$0x3FA3]  }
0x29: {  	s4 =	sld [smem:$0x3FA5]  }
0x2a: {  	p0 =	seq.s32 s5, $0x0;
	s5 =	sld [smem:$0x3FA6]  }
0x2b: {  	s6 =	sld [smem:$0x3FA7]  }
0x2c: {  	s7 =	sld [smem:$0x3FA8]  }
0x2d: {  	s3 =	simm.s32 $0x108;
	s8 =	sld [smem:$0x3FA9]  }
0x2e: {  	s3 =	simm.s32 @!p0 $0x1082;
	s9 =	sld [smem:$0x3FAA]  }
0x2f: {  	lr =	sadd.s32 s0, s3;
	s0 =	sld [smem:$0x3FA1]  }
0x30: {  	s3 =	sld [smem:$0x3FA4]  }
0x31: {  	[smem:$0x3FAD] =	sst s10  }
0x32: {  	s10 =	sld [smem:$0x3FAB];
	_ =	sdelay $0x3  }
0x33: {  	p0 =	seq.s32 s10, $0x1;
	s10 =	sld [smem:$0x3FAD];
	_ =	sdelay $0x3  }
0x34: {  	[smem:$0x3FAD] =	sst s10  }
0x35: {  	s10 =	sld [smem:$0x3FAC];
	_ =	sdelay $0x3  }
0x36: {  	p1 =	seq.s32 s10, $0x1;
	s10 =	sld [smem:$0x3FAD];
	_ =	sdelay $0x3  }
0x37: {  	[smem:$0x3FAD] =	sst s10  }
0x38: {  	s10 =	sld [smem:$0x3FAE]  }
0x39: {  	_ = 	snop;
	(pc) =	sbr.ind lr, $3  }
0x3a: {  	_ = 	snop  }
0x3b: {  	_ = 	snop  }
0x3c: {  	p2 =	seq.s32 s10, $0x1;
	s10 =	sld [smem:$0x3FAD]  }
0x3d: {  	_ =	shalt  }
0x3e: {  	_ =	shalt  }
0x3f: {  	_ =	shalt  }
0x40: {  	_ =	shalt  }
0x41: {  	_ =	shalt  }
0x42: {  	_ =	shalt  }
0x43: {  	_ =	shalt  }
0x44: {  	_ =	shalt  }
0x45: {  	_ =	shalt  }
0x46: {  	_ =	shalt  }
0x47: {  	_ =	shalt  }
0x48: {  	_ =	shalt  }
0x49: {  	_ =	shalt  }
0x4a: {  	_ =	shalt  }
0x4b: {  	_ =	shalt  }
0x4c: {  	_ =	shalt  }
0x4d: {  	_ =	shalt  }
0x4e: {  	_ =	shalt  }
0x4f: {  	_ =	shalt  }
0x50: {  	_ =	shalt  }
0x51: {  	_ =	shalt  }
0x52: {  	_ =	shalt  }
0x53: {  	_ =	shalt  }
0x54: {  	_ =	shalt  }
0x55: {  	_ =	shalt  }
0x56: {  	_ =	shalt  }
0x57: {  	_ =	shalt  }
0x58: {  	_ =	shalt  }
0x59: {  	_ =	shalt  }
0x5a: {  	_ =	shalt  }
0x5b: {  	_ =	shalt  }
0x5c: {  	_ =	shalt  }
0x5d: {  	_ =	shalt  }
0x5e: {  	_ =	shalt  }
0x5f: {  	_ =	shalt  }
0x60: {  	_ =	shalt  }
0x61: {  	_ =	shalt  }
0x62: {  	_ =	shalt  }
0x63: {  	_ =	shalt  }
0x64: {  	_ =	shalt  }
0x65: {  	_ =	shalt  }
0x66: {  	_ =	shalt  }
0x67: {  	_ =	shalt  }
0x68: {  	_ =	shalt  }
0x69: {  	_ =	shalt  }
0x6a: {  	_ =	shalt  }
0x6b: {  	_ =	shalt  }
0x6c: {  	_ =	shalt  }
0x6d: {  	_ =	shalt  }
0x6e: {  	_ =	shalt  }
0x6f: {  	_ =	shalt  }
0x70: {  	_ =	shalt  }
0x71: {  	_ =	shalt  }
0x72: {  	_ =	shalt  }
0x73: {  	_ =	shalt  }
0x74: {  	_ =	shalt  }
0x75: {  	_ =	shalt  }
0x76: {  	_ =	shalt  }
0x77: {  	_ =	shalt  }
0x78: {  	_ =	shalt  }
0x79: {  	_ =	shalt  }
0x7a: {  	_ =	shalt  }
0x7b: {  	_ =	shalt  }
0x7c: {  	_ =	shalt  }
0x7d: {  	_ =	shalt  }
0x7e: {  	_ =	shalt  }
0x7f: {  	_ =	shalt  }
0x80: {  	_ =	shalt  }
0x81: {  	_ =	shalt  }
0x82: {  	_ =	shalt  }
0x83: {  	_ =	shalt  }
0x84: {  	_ =	shalt  }
0x85: {  	_ =	shalt  }
0x86: {  	_ =	shalt  }
0x87: {  	_ =	shalt  }
.Lfunc_end0:
.L_simem_size_0:
called_computation_lowered:
.L_overlay_start_0:
0x88: {  	s2 =	sld [smem:$0x3FD9]  }
0x89: {  	s3 =	sld [smem:$0x3FFE];
	_ =	sdelay $0x1  }
0x8a: {  	s1 =	srdreg.scid  }
0x8b: {  	s0 =	sand.u32 $0x1, s1  }
0x8c: {  	s17 =	sshll.u32 s0, $0xA;
	s2 =	sadd.s32 s3, s2  }
0x8d: {  	s2 =	sadd.s32 s2, s17  }
0x8e: {  	[smem:$0x3FB9] =	sst s2  }
0x8f: {  	_ = 	snop  }
0x90: {  	s2 =	sld [smem:$0x3FC9]  }
0x91: {  	s18 =	sld [smem:$0x3FC8];
	(tm) =	ssettm $0x1  }
0x92: {  	s4 =	sld [smem:$0x3FFB];
	_ =	sdelay $0x3  }
0x93: {  	_ =	strace s4  }
0x94: {  	s4 =	sld [smem:$0x3FFC];
	_ =	sdelay $0x3  }
0x95: {  	_ =	strace s4  }
0x96: {  	s4 =	sld [smem:$0x3FFD];
	_ =	sdelay $0x3  }
0x97: {  	_ =	strace s4  }
0x98: {  	_ =	strace $0x8FFFFFFF  }
0x99: {  	s19 =	sld [smem:$0x3FDB];
	_ =	sdelay $0x1  }
0x9a: {  	s5 =	simm.s32 $_scs_section_size  }
0x9b: {  	s6 =	simm.s32 $_size__tile_overlayer_lowered;
	s7 =	simm.s32 $_tile_overlayer_lowered  }
0x9c: {  	s22 =	simm.s32 $0x1BFF;
	s21 =	sshll.u32 s7, $0x1;
	s4 =	sadd.s32 s5, s19  }
0x9d: {  	s8 =	simm.s32 $0x0;
	s20 =	sshll.u32 s6, $0x1;
	s6 =	sadd.s32 s21, s4  }
0x9e: {  	[timem:s8], [sflag:s22] =	dma.local [hbm:s6], s20  }
0x9f: {  	_ =	swait.ge [sflag:s22], s20  }
0xa0: {  	s5 =	ssub.s32 $0x0, s20;
	[sflag:s22] =	ssyncset.done $0x0  }
0xa1: {  	[sflag:s22] =	ssyncadd.s32 s5;
	_ =	sdelay $0x1  }
0xa2: {  	s23 =	simm.s32 $0x1B8B  }
0xa3: {  	_ =	swait.ge [sflag:s23], $0x1  }
0xa4: {  	[sflag:s23] =	ssyncset.done $0x0  }
0xa5: {  	s25 =	simm.s32 $0x1B8E;
	s24 =	sld [smem:$0x3FFE];
	[sflag:s23] =	ssyncadd.s32 $0xFFFFFFFF  }
0xa6: {  	s26 =	simm.s32 $execute0_lowered;
	[smem:$0x3FD2] =	sst s25  }
0xa7: {  	s6 =	sshll.u32 s26, $0x1;
	_ =	strace $0x80000046;
	[dreg:$0x1] =	wrdreg $0xFFFFFFFF  }
0xa8: {  	s28 =	simm.s32 $_size_execute0_lowered;
	s4 =	sadd.s32 s4, s6;
	[dreg:$0x0] =	wrdreg $0x0  }
0xa9: {  	s6 =	sshll.u32 s28, $0x1;
	[dreg:$0x2] =	wrdreg s4  }
0xaa: {  	[dreg:$0x3] =	wrdreg s6  }
0xab: {  	[dreg:$0x4] =	wrdreg $0xC0  }
0xac: {  	_ =	task [dreg:s8], $0x5FFFF  }
0xad: {  	[dreg:$0x1] =	wrdreg $0xFFFFFFFF  }
0xae: {  	[dreg:$0x0] =	wrdreg $0x60  }
0xaf: {  	[dreg:$0x2] =	wrdreg s2  }
0xb0: {  	[dreg:$0x3] =	wrdreg s18  }
0xb1: {  	[dreg:$0x4] =	wrdreg s24  }
0xb2: {  	[dreg:$0x5] =	wrdreg $0x0  }
0xb3: {  	[dreg:$0x6] =	wrdreg $0x9  }
0xb4: {  	_ =	task.clear_ibuf [dreg:s8], $0x7FFFF;
	_ =	strace $0x90000046  }
0xb5: {  	s29 =	simm.s32 $0x9;
	_ =	strace $0x80000048  }
0xb6: {  	_ =	swait.ge [sflag:s29], $0x1  }
0xb7: {  	[sflag:s29] =	ssyncadd.s32 $0xFFFFFFFF  }
0xb8: {  	_ =	strace $0x90000048  }
0xb9: {  	_ =	sfence  }
0xba: {  	s30 =	sld [smem:$0x0];
	_ =	sdelay $0x2  }
0xbb: {  	s31 =	sshll.u32 s1, $0xD;
	s1 =	sshrl.u32 s1, $0x2  }
0xbc: {  	s3 =	sand.u32 $0x4000, s31;
	s1 =	sadd.s32 s1, s30  }
0xbd: {  	s0 =	sor.u32 s3, s0;
	s1 =	sshll.u32 s1, $0x11  }
0xbe: {  	s0 =	sor.u32 s1, s0  }
0xbf: {  	s0 =	sadd.s32 $0x8F2B, s0  }
0xc0: {  	[sflag:s0] =	ssyncadd.remote.s32 $0x1  }
0xc1: {  	_ =	sfence.sel $0xFFFF  }
0xc2: {  	[dreg:$0x0] =	wrdreg $0xFFFFFFFF;
	(pc) =	sbr.abs _section_cstart, $3  }
0xc3: {  	[dreg:$0x1] =	wrdreg $0xFFFFFFFF  }
0xc4: {  	_ =	task.clear_ibuf [dreg:s8], $0x2FFFF;
	_ =	strace $0x9FFFFFFF  }
0xc5: {  	(tm) =	ssettm $0x7FFFFFFF  }
tec
execute0_lowered:
.L_overlay_start_1:
0x0: {  	(tag) =	ssettag $0x1  }
0x1: {  	s0 =	rddreg [dreg:$0x0]  }
0x2: {  	s1 =	rddreg [dreg:$0x1]  }
0x3: {  	s2 =	rddreg [dreg:$0x2]  }
0x4: {  	s3 =	srdreg.scid;
	s12 =	stileid.u32  }
0x5: {  	s4 =	rddreg [dreg:$0x3];
	s5 =	simm.s32 $0x0;
	s8 =	smul.u32 $0x14000, s12  }
0x6: {  	s18 =	simm.s32 $0x7;
	s28 =	simm.s32 $0x0;
	s9 =	smul.u32 $0x50000, s12  }
0x7: {  	s3 =	sand.u32 $0x1, s3;
	[smem:$0x7FF] =	sst s5;
	s11 =	smul.u32 $0xA00, s12  }
0x8: {  	s6 =	sadd.s32 $0xD400, s2;
	s10 =	sadd.s32 $0x17400, s2;
	s14 =	smul.u32 $0x5000, s12  }
0x9: {  	s26 =	sshll.u32 s12, $0x6;
	s7 =	smul.u32 $0x140000, s3;
	_ =	strace $0x80000047  }
0xa: {  	[dreg:$0x5] =	wrdreg s10;
	s23 =	ssub.s32 $0x2, s3;
	p0 =	seq.s32 s3, $0x1  }
0xb: {  	s24 =	sshrl.u32 s23, $0x1;
	s9 =	sshrl.u32 s9, $0x2;
	s3 =	simm.s32 @!p0 $0x0  }
0xc: {  	s29 =	sor.u32 $0x100, s11;
	s13 =	sadd.s32 s6, s11;
	s8 =	sadd.s32 s8, s7  }
0xd: {  	s7 =	sadd.s32 $0x3400, s2;
	s25 =	sadd.s32 s9, s4;
	s9 =	sor.u32 $0x1C07, s26  }
0xe: {  	s3 =	simm.s32 @p0 $0x1;
	[dreg:$0x6] =	wrdreg s13;
	s30 =	sadd.s32 s6, s29  }
0xf: {  	s26 =	simm.s32 $0x6;
	s8 =	sshrl.u32 s8, $0x3;
	[smem:$0x7FD] =	sst s3  }
.Ltmp0:
0x10: {  	s11 =	sadd.s32 s7, s11;
	[dreg:$0x8] =	wrdreg s30;
	(pc) =	sbr.rel .LBB2_1-.Ltmp0, $4  }
0x11: {  	s3 =	sadd.s32 s7, s29;
	s2 =	sadd.s32 s8, s2;
	[dreg:$0x7] =	wrdreg s11  }
0x12: {  	s8 =	ssub.s32 s23, s24;
	[dreg:$0x9] =	wrdreg s3;
	s2 =	sadd.s32 $0x19C00, s2  }
0x13: {  	s17 =	sshrl.u32 s25, $0x3;
	s31 =	smax.u32 s8, $0x1;
	[dreg:$0xa] =	wrdreg s2  }
0x14: {  	s3 =	simm.s32 $0x14000;
	s23 =	simm.s32 $0x7D;
	[dreg:$0xb] =	wrdreg s31  }
.LBB2_7:
0x15: {  	[tilespmem:s11], [sflag:s8] =	stream.indirect.gather @!p2 [hbm4b:s1+s24], $0x80, s2, s24, $0xb8;
	[tilespmem:$0x1E800] =	vst v63  }
0x16: {  	s2 =	ssub.s32 @!p1 s10, s21  }
0x17: {  	s24 =	sand.u32 $0x1, s30;
	s25 =	sshra.s32 s19, $0x18;
	s15 =	sshll.u32 s30, $0x7  }
0x18: {  	s2 =	sand.u32 @!p1 $0xFF, s2;
	p0 =	slt.s32 s25, $0x0;
	s10 =	sshll.u32 s25, $0xB  }
0x19: {  	s29 =	sadd.s32 $0x1, s24;
	s12 =	sadd.s32 $0x5, s24;
	s13 =	sadd.s32 $0x1800, s10  }
0x1a: {  	s30 =	sand.u32 $0x780, s15;
	_ =	swait.ge [sflag:s29], $0x3E80;
	s10 =	smov.u32 @p0 s13  }
0x1b: {  	s8 =	sshll.u32 s24, $0xE;
	[sflag:s29] =	ssyncset.done $0x0;
	s10 =	sor.u32 s30, s10  }
0x1c: {  	s8 =	sadd.s32 $0x16800, s8;
	[sflag:s29] =	ssyncadd.s32 $0xFFFFC180;
	s10 =	sadd.s32 $0x15000, s10  }
0x1d: {  	[spmem:s4] =	stream.indirect.scatter.add.f32 [tilespmem:s8], [sflag:s12], $0x80, s10, s23, $0xb8;
	[tilespmem:$0x1E800] =	vst v63  }
0x1e: {  	s2 =	sshll.u32 @!p1 s2, $0xB;
	s8 =	simm.s32 @!p1 $0x0  }
0x1f: {  	[tilespmem:s20], [sflag:s3] =	stream.linear.gather @!p1 [hbm4b:s31+s8], $0x800, $0x38;
	[tilespmem:$0x1E800] =	vst v63  }
0x20: {  	s2 =	sadd.s32 @!p1 $0x15000, s2;
	s10 =	sadd.s32 @!p1 s7, s22  }
0x21: {  	[tilespmem:s2], [sflag:s3] =	stream.linear.gather @!p1 [hbm4b:s10+s8], $0x800, $0x38;
	[tilespmem:$0x1E800] =	vst v63  }
.LBB2_8:
0x22: {  	s2 =	simm.s32 $0x5  }
0x23: {  	_ =	swait.ge [sflag:s2], $0x3E80  }
0x24: {  	[sflag:s2] =	ssyncset.done $0x0  }
0x25: {  	[sflag:s2] =	ssyncadd.s32 $0xFFFFC180  }
0x26: {  	_ =	swait.ge [sflag:s26], $0x3E80  }
0x27: {  	[sflag:s26] =	ssyncset.done $0x0  }
0x28: {  	[sflag:s26] =	ssyncadd.s32 $0xFFFFC180  }
0x29: {  	[bflag:$0x0] =	sbarrier.arrive $0xFFFF  }
0x2a: {  	s30 =	rddreg [dreg:$0xa]  }
0x2b: {  	[hbm:s30], [sflag:s9] =	dma.local [spmem:s17], $0x2800  }
0x2c: {  	_ =	swait.ge [sflag:s18], $0x2800  }
0x2d: {  	s28 =	sadd.s32 $0x1, s28;
	s31 =	rddreg [dreg:$0xb]  }
0x2e: {  	p0 =	sne.s32 s28, s31  }
.Ltmp1:
0x2f: {  	_ = 	snop;
	(pc) =	sbr.rel @!p0 .LBB2_9-.Ltmp1, $3  }
0x30: {  	_ =	sdelay $0x1  }
0x31: {  	[sflag:s18] =	ssyncset.done $0x0  }
0x32: {  	s3 =	simm.s32 $0x14000;
	[sflag:s18] =	ssyncadd.s32 $0xFFFFD800  }
.LBB2_1:
0x33: {  	s2 =	rddreg [dreg:$0x5]  }
0x34: {  	[spmem:s17], [sflag:s9] =	dma.local [hbm:s2], $0x2800  }
0x35: {  	_ =	swait.ge [sflag:s18], $0x2800  }
0x36: {  	[sflag:s18] =	ssyncset.done $0x0  }
0x37: {  	[sflag:s18] =	ssyncadd.s32 $0xFFFFD800  }
0x38: {  	[bflag:$0x0] =	sbarrier.arrive $0xFFFF  }
0x39: {  	s21 =	rddreg [dreg:$0x6]  }
0x3a: {  	[tilespmem:s3], [sflag:$0x7] =	stream.linear.gather [hbm4b:s21+s5], $0x800, $0x38;
	[tilespmem:$0x1E800] =	vst v63  }
0x3b: {  	_ =	swait.ge [sflag:s18], $0x800  }
0x3c: {  	[sflag:s18] =	ssyncset.done $0x0  }
0x3d: {  	s8 =	simm.s32 $0x15000;
	s22 =	rddreg [dreg:$0x7];
	[sflag:s18] =	ssyncadd.s32 $0xFFFFF800  }
0x3e: {  	[tilespmem:s8], [sflag:$0x7] =	stream.linear.gather [hbm4b:s22+s5], $0x800, $0x38;
	[tilespmem:$0x1E800] =	vst v63  }
0x3f: {  	_ =	swait.ge [sflag:s18], $0x800  }
0x40: {  	s31 =	sld [smem:$0x7FD];
	_ =	sdelay $0x2  }
0x41: {  	p0 =	seq.s32 s31, $0x1  }
.Ltmp2:
0x42: {  	[sflag:s18] =	ssyncset.done $0x0;
	(pc) =	sbr.rel @!p0 .LBB2_2-.Ltmp2, $4  }
0x43: {  	s25 =	simm.s32 $0x14800;
	s24 =	rddreg [dreg:$0x8];
	[sflag:s18] =	ssyncadd.s32 $0xFFFFF800  }
0x44: {  	[tilespmem:s25], [sflag:$0x4] =	stream.linear.gather [hbm4b:s24+s5], $0x800, $0x38;
	[tilespmem:$0x1E800] =	vst v63  }
0x45: {  	s30 =	simm.s32 $0x15800;
	s29 =	rddreg [dreg:$0x9]  }
0x46: {  	[tilespmem:s30], [sflag:$0x4] =	stream.linear.gather [hbm4b:s29+s5], $0x800, $0x38;
	[tilespmem:$0x1E800] =	vst v63  }
0x47: {  	s2 =	simm.s32 $0x16800  }
0x48: {  	s30 =	simm.s32 $0x0;
	s29 =	simm.s32 $0x1;
	s20 =	simm.s32 $0x0  }
0x49: {  	p2 =	por $0x0, $0x0;
	s8 =	simm.s32 $0x0;
	p1 =	por $0x1, $0x1  }
0x4a: {  	[tilespmem:s2], [sflag:$0x1] =	stream.indirect.gather [hbm4b:s1+s23], $0x80, s3, s23, $0xb8;
	[tilespmem:$0x1E800] =	vst v63  }
0x4b: {  	p4 =	por $0x0, $0x0;
	s12 =	simm.s32 $0x1;
	s3 =	sand.u32 $0xF, s29  }
0x4c: {  	s2 =	sand.u32 $0xF, s20;
	s10 =	sand.u32 $0xFFFF, s30;
	p0 =	sne.s32 @!p2 s3, $0x0  }
0x4d: {  	p5 =	por @!p2 $0x1, $0x1;
	s2 =	sadd.s32 $0x0, s2;
	p0 =	por p0, p2  }
0x4e: {  	s24 =	simm.s32 @!p2 $0x7D;
	s2 =	sand.u32 $0xFFF0, s2;
	s8 =	sand.u32 @!p0 $0x1, s8  }
0x4f: {  	p3 =	sne.s32 s10, s2;
	s10 =	simm.s32 $0x1;
	s2 =	sshrl.u32 s2, $0x4  }
0x50: {  	s8 =	sadd.s32 @!p0 $0x3, s8;
	p1 =	por !p1, !p3;
	p3 =	sne.s32 @!p4 s3, $0x0  }
0x51: {  	s3 =	sshll.u32 @!p2 s3, $0x7;
	p1 =	por !p1, !p1;
	_ =	swait.ge @!p0 [sflag:s8], $0x800  }
0x52: {  	s10 =	simm.s32 @!p1 $0x0;
	[sflag:s8] =	ssyncset.done @!p0 $0x0;
	p1 =	por p3, p4  }
0x53: {  	p4 =	por !p5, p2;
	p3 =	por p5, p2;
	[sflag:s8] =	ssyncadd.s32 @!p0 $0xFFFFF800  }
0x54: {  	s11 =	sand.u32 @!p3 $0x1, s29;
	s13 =	ssub.s32 s2, s10;
	s16 =	sadd.s32 @!p1 $0x800, s14  }
0x55: {  	_ =	swait.ge @!p0 [sflag:s8], $0x800;
	s12 =	smov.u32 @p4 s11;
	s10 =	sshll.u32 s13, $0x18  }
0x56: {  	s2 =	sadd.s32 @!p3 $0x5, s11;
	[sflag:s8] =	ssyncset.done @!p0 $0x0;
	s10 =	sshra.s32 s10, $0x18  }
0x57: {  	[sflag:s8] =	ssyncadd.s32 @!p0 $0xFFFFF800;
	s8 =	simm.s32 @!p2 $0x0;
	s21 =	smul.u32 $0x56, s10  }
0x58: {  	s10 =	simm.s32 @!p1 $0x1;
	s8 =	sand.u32 @!p2 $0x800, s8;
	_ =	swait.ge @!p3 [sflag:s2], $0x3E80  }
0x59: {  	s11 =	sand.u32 @!p1 $0x1, s10;
	s15 =	smul.u32 @!p1 $0xAB, s10;
	[sflag:s2] =	ssyncset.done @!p3 $0x0  }
0x5a: {  	s22 =	sshrl.u32 s21, $0x8;
	s19 =	sshll.u32 @!p1 s11, $0xB;
	[sflag:s2] =	ssyncadd.s32 @!p3 $0xFFFFC180  }
0x5b: {  	s2 =	sor.u32 @!p2 s3, s8;
	s3 =	sshrl.u32 s21, $0x1F;
	s15 =	sshrl.u32 @!p1 s15, $0x9  }
0x5c: {  	s21 =	sshll.u32 @!p2 s12, $0xE;
	s8 =	sadd.s32 @!p2 $0x1, s12;
	s3 =	sadd.s32 s3, s22  }
0x5d: {  	s20 =	sor.u32 @!p1 $0x14000, s19;
	s22 =	sshrl.u32 @!p1 s16, $0x3;
	s25 =	smul.u32 $0x3, s3  }
0x5e: {  	s2 =	sor.u32 @!p2 $0x14000, s2;
	s12 =	sand.u32 @!p1 $0x7F, s15;
	s31 =	sadd.s32 @!p1 s6, s22  }
0x5f: {  	s3 =	sadd.s32 @!p1 $0x3, s11;
	s11 =	sand.u32 @!p2 $0x3FFFC000, s21;
	s13 =	ssub.s32 s13, s25  }
0x60: {  	s21 =	smul.u32 @!p1 $0x3, s12;
	s11 =	sadd.s32 @!p2 $0x16800, s11;
	s19 =	sshll.u32 s13, $0x18  }
.LBB2_6:
0x61: {  	[tilespmem:s11], [sflag:s8] =	stream.indirect.gather @!p2 [hbm4b:s1+s24], $0x80, s2, s24, $0xb8;
	[tilespmem:$0x1E800] =	vst v63  }
0x62: {  	s8 =	smov.u32 s29;
	s29 =	sadd.s32 $0x1, s29  }
0x63: {  	s2 =	ssub.s32 @!p1 s10, s21;
	s24 =	sadd.s32 @!p1 s7, s22;
	s25 =	sshra.s32 s19, $0x18  }
0x64: {  	s11 =	sand.u32 $0xF, s29;
	p2 =	seq.s32 s8, $0x9F;
	s2 =	sand.u32 @!p1 $0xFF, s2  }
0x65: {  	s22 =	sshrl.u32 s29, $0x4;
	s15 =	sshll.u32 s8, $0x10;
	p5 =	slt.s32 s25, $0x0  }
0x66: {  	p0 =	sne.s32 @!p2 s11, $0x0;
	p6 =	slt.u32 @!p2 s29, $0x2;
	s2 =	sshll.u32 @!p1 s2, $0xB  }
0x67: {  	s13 =	sshll.u32 @!p2 s22, $0xB;
	p4 =	por p0, p2;
	p0 =	sgt.u32 s29, $0x8F  }
0x68: {  	s16 =	sshra.s32 s15, $0x1F;
	s15 =	sand.u32 $0xFFFF, s8;
	s10 =	simm.s32 @!p0 $0x0  }
0x69: {  	s12 =	sand.u32 @!p4 $0x1, s22;
	p3 =	sne.s32 @!p0 s11, $0x0;
	s10 =	simm.s32 @p0 $0x1  }
0x6a: {  	s21 =	sadd.s32 @!p4 $0x3, s12;
	s12 =	sshll.u32 @!p2 s11, $0x7;
	s11 =	simm.s32 @!p3 $0x0  }
0x6b: {  	p0 =	por !p6, p2;
	[smem:$0x7F6] =	sst s10;
	s10 =	sadd.s32 @!p1 $0x15000, s2  }
0x6c: {  	s2 =	sand.u32 @!p2 $0x800, s13;
	s11 =	simm.s32 @p3 $0x1;
	p3 =	slt.u32 s29, $0x2  }
0x6d: {  	s13 =	sshll.u32 s25, $0xB;
	[smem:$0x7F5] =	sst s11;
	s11 =	simm.s32 @!p0 $0x0  }
0x6e: {  	s25 =	simm.s32 $0x1;
	s11 =	simm.s32 @p0 $0x1;
	p0 =	sne.s32 s29, $0xA0  }
0x6f: {  	s2 =	sor.u32 @!p2 s12, s2;
	s19 =	sadd.s32 $0x1800, s13;
	s12 =	simm.s32 @!p0 $0x0  }
0x70: {  	[smem:$0x7F7] =	sst s11;
	s11 =	sand.u32 $0xF, s16;
	s12 =	simm.s32 @p0 $0x1  }
0x71: {  	s13 =	smov.u32 @p5 s19;
	s11 =	sadd.s32 s11, s8;
	[smem:$0x7F8] =	sst s12  }
0x72: {  	s12 =	sand.u32 $0x1, s30;
	s11 =	sand.u32 $0xFFF0, s11;
	s30 =	sshll.u32 s30, $0x7  }
0x73: {  	p0 =	sne.s32 s15, s11;
	s15 =	sadd.s32 $0x1, s12;
	s16 =	sadd.s32 $0x5, s12  }
0x74: {  	s12 =	sshll.u32 s12, $0xE;
	s19 =	sand.u32 $0x780, s30;
	s11 =	sshrl.u32 s11, $0x4  }
0x75: {  	p0 =	por !p3, !p0;
	s12 =	sadd.s32 $0x16800, s12;
	_ =	swait.ge [sflag:s15], $0x3E80  }
0x76: {  	s13 =	sor.u32 s19, s13;
	p0 =	por !p0, !p0;
	[sflag:s15] =	ssyncset.done $0x0  }
0x77: {  	s25 =	simm.s32 @!p0 $0x0;
	[sflag:s15] =	ssyncadd.s32 $0xFFFFC180;
	s15 =	sadd.s32 $0x15000, s13  }
0x78: {  	[spmem:s4] =	stream.indirect.scatter.add.f32 [tilespmem:s12], [sflag:s16], $0x80, s15, s23, $0xb8;
	[tilespmem:$0x1E800] =	vst v63  }
0x79: {  	s19 =	ssub.s32 s11, s25;
	s12 =	simm.s32 @!p1 $0x0  }
0x7a: {  	[tilespmem:s20], [sflag:s3] =	stream.linear.gather @!p1 [hbm4b:s31+s12], $0x800, $0x38;
	[tilespmem:$0x1E800] =	vst v63  }
0x7b: {  	s25 =	sshll.u32 s19, $0x18  }
0x7c: {  	[tilespmem:s10], [sflag:s3] =	stream.linear.gather @!p1 [hbm4b:s24+s12], $0x800, $0x38;
	[tilespmem:$0x1E800] =	vst v63  }
0x7d: {  	s11 =	sshra.s32 s25, $0x18;
	_ =	swait.ge @!p4 [sflag:s21], $0x800  }
0x7e: {  	s13 =	smul.u32 $0x56, s11;
	s15 =	sld [smem:$0x7F5]  }
0x7f: {  	p6 =	por p6, p2;
	[sflag:s21] =	ssyncset.done @!p4 $0x0;
	s16 =	sld [smem:$0x7F6]  }
0x80: {  	s2 =	sor.u32 @!p2 $0x14000, s2;
	s20 =	sshrl.u32 s13, $0x8;
	[sflag:s21] =	ssyncadd.s32 @!p4 $0xFFFFF800  }
0x81: {  	s3 =	sshrl.u32 s13, $0x1F;
	s13 =	sand.u32 @!p6 $0x1, s29;
	_ =	swait.ge @!p4 [sflag:s21], $0x800  }
0x82: {  	p3 =	seq.s32 s15, $0x1;
	p5 =	seq.s32 s16, $0x1;
	[sflag:s21] =	ssyncset.done @!p4 $0x0  }
0x83: {  	s25 =	sadd.s32 @!p6 $0x5, s13;
	p1 =	por p3, p5;
	[sflag:s21] =	ssyncadd.s32 @!p4 $0xFFFFF800  }
0x84: {  	s30 =	smov.u32 s8;
	s10 =	sadd.s32 @!p1 $0x1, s22;
	_ =	swait.ge @!p6 [sflag:s25], $0x3E80  }
0x85: {  	s12 =	sshll.u32 @!p1 s10, $0xB;
	s21 =	sld [smem:$0x7F7];
	[sflag:s25] =	ssyncset.done @!p6 $0x0  }
0x86: {  	s12 =	sadd.s32 @!p1 s14, s12;
	[sflag:s25] =	ssyncadd.s32 @!p6 $0xFFFFC180;
	s25 =	sld [smem:$0x7F8]  }
0x87: {  	s3 =	sadd.s32 s3, s20;
	s11 =	sand.u32 @!p1 $0x1, s10;
	s22 =	sshrl.u32 @!p1 s12, $0x3  }
0x88: {  	s12 =	smul.u32 $0x3, s3;
	s3 =	smov.u32 s29;
	p0 =	seq.s32 s21, $0x1  }
0x89: {  	s15 =	smul.u32 @!p1 $0xAB, s10;
	s3 =	smov.u32 @p0 s13;
	p0 =	seq.s32 s25, $0x1  }
.Ltmp3:
0x8a: {  	s24 =	simm.s32 @!p2 $0x7D;
	s16 =	sshll.u32 @!p1 s11, $0xB;
	(pc) =	sbr.rel @p0 .LBB2_6-.Ltmp3, $4  }
0x8b: {  	s15 =	sshrl.u32 @!p1 s15, $0x9;
	s20 =	sor.u32 @!p1 $0x14000, s16;
	s31 =	sadd.s32 @!p1 s6, s22  }
0x8c: {  	s15 =	sand.u32 @!p1 $0x7F, s15;
	s12 =	ssub.s32 s19, s12;
	s13 =	sshll.u32 @!p2 s3, $0xE  }
0x8d: {  	s8 =	sadd.s32 @!p2 $0x1, s3;
	s3 =	sadd.s32 @!p1 $0x3, s11;
	s11 =	sand.u32 @!p2 $0x3FFFC000, s13  }
0x8e: {  	s21 =	smul.u32 @!p1 $0x3, s15;
	s19 =	sshll.u32 s12, $0x18;
	s11 =	sadd.s32 @!p2 $0x16800, s11  }
.Ltmp4:
0x8f: {  	_ = 	snop;
	(pc) =	sbr.rel .LBB2_7-.Ltmp4, $1  }
0x90: {  	_ =	sdelay $0x3  }
.LBB2_2:
0x91: {  	s2 =	simm.s32 $0x16800  }
0x92: {  	s30 =	simm.s32 $0x0;
	s29 =	simm.s32 $0x1;
	s19 =	simm.s32 $0x0  }
0x93: {  	p2 =	por $0x0, $0x0;
	s8 =	simm.s32 $0x0;
	p1 =	por $0x1, $0x1  }
0x94: {  	[tilespmem:s2], [sflag:$0x1] =	stream.indirect.gather [hbm4b:s0+s23], $0x80, s3, s23, $0xb8;
	[tilespmem:$0x1E800] =	vst v63  }
0x95: {  	p4 =	por $0x0, $0x0;
	s3 =	sand.u32 $0xF, s29;
	s2 =	sand.u32 $0xF, s19  }
0x96: {  	s10 =	sand.u32 $0xFFFF, s30;
	p5 =	por @!p2 $0x1, $0x1;
	p0 =	sne.s32 @!p2 s3, $0x0  }
0x97: {  	s19 =	simm.s32 $0x1;
	s2 =	sadd.s32 $0x0, s2;
	p0 =	por p0, p2  }
0x98: {  	s24 =	simm.s32 @!p2 $0x7D;
	s2 =	sand.u32 $0xFFF0, s2;
	s8 =	sand.u32 @!p0 $0x1, s8  }
0x99: {  	p3 =	sne.s32 s10, s2;
	s10 =	simm.s32 $0x1;
	s2 =	sshrl.u32 s2, $0x4  }
0x9a: {  	s8 =	sadd.s32 @!p0 $0x3, s8;
	p1 =	por !p1, !p3;
	p3 =	sne.s32 @!p4 s3, $0x0  }
0x9b: {  	s3 =	sshll.u32 @!p2 s3, $0x7;
	p1 =	por !p1, !p1;
	_ =	swait.ge @!p0 [sflag:s8], $0x800  }
0x9c: {  	s10 =	simm.s32 @!p1 $0x0;
	[sflag:s8] =	ssyncset.done @!p0 $0x0;
	p1 =	por p3, p4  }
0x9d: {  	p4 =	por !p5, p2;
	p3 =	por p5, p2;
	[sflag:s8] =	ssyncadd.s32 @!p0 $0xFFFFF800  }
0x9e: {  	s11 =	sand.u32 @!p3 $0x1, s29;
	s21 =	ssub.s32 s2, s10;
	s22 =	simm.s32 @!p1 $0x1  }
0x9f: {  	_ =	swait.ge @!p0 [sflag:s8], $0x800;
	s19 =	smov.u32 @p4 s11;
	s2 =	sadd.s32 @!p3 $0x5, s11  }
0xa0: {  	s10 =	sshll.u32 s21, $0x18;
	s11 =	sand.u32 @!p1 $0x1, s22;
	[sflag:s8] =	ssyncset.done @!p0 $0x0  }
0xa1: {  	s10 =	sshra.s32 s10, $0x18;
	s12 =	sshll.u32 @!p1 s11, $0xB;
	s16 =	sshll.u32 @!p2 s19, $0xE  }
0xa2: {  	[sflag:s8] =	ssyncadd.s32 @!p0 $0xFFFFF800;
	s8 =	simm.s32 @!p2 $0x0;
	s20 =	smul.u32 $0x56, s10  }
0xa3: {  	s10 =	sadd.s32 @!p1 $0x800, s14;
	s8 =	sand.u32 @!p2 $0x800, s8;
	_ =	swait.ge @!p3 [sflag:s2], $0x3E80  }
0xa4: {  	s10 =	sshrl.u32 @!p1 s10, $0x3;
	[sflag:s2] =	ssyncset.done @!p3 $0x0;
	s25 =	sshrl.u32 s20, $0x8  }
0xa5: {  	[sflag:s2] =	ssyncadd.s32 @!p3 $0xFFFFC180;
	s2 =	sor.u32 @!p2 s3, s8;
	s3 =	sshrl.u32 s20, $0x1F  }
0xa6: {  	s31 =	sadd.s32 @!p1 s6, s10;
	s20 =	smul.u32 @!p1 $0xAB, s22;
	s3 =	sadd.s32 s3, s25  }
0xa7: {  	s8 =	sadd.s32 @!p2 $0x1, s19;
	s2 =	sor.u32 @!p2 $0x14000, s2;
	s13 =	smul.u32 $0x3, s3  }
0xa8: {  	s15 =	sshrl.u32 @!p1 s20, $0x9;
	s3 =	sadd.s32 @!p1 $0x3, s11;
	s20 =	sor.u32 @!p1 $0x14000, s12  }
0xa9: {  	s11 =	sand.u32 @!p2 $0x3FFFC000, s16;
	s12 =	sand.u32 @!p1 $0x7F, s15;
	s13 =	ssub.s32 s21, s13  }
0xaa: {  	s11 =	sadd.s32 @!p2 $0x16800, s11;
	s21 =	smul.u32 @!p1 $0x3, s12;
	s19 =	sshll.u32 s13, $0x18  }
.LBB2_3:
0xab: {  	[tilespmem:s11], [sflag:s8] =	stream.indirect.gather @!p2 [hbm4b:s0+s24], $0x80, s2, s24, $0xb8;
	[tilespmem:$0x1E800] =	vst v63  }
0xac: {  	s8 =	smov.u32 s29;
	s29 =	sadd.s32 $0x1, s29;
	s24 =	sadd.s32 @!p1 s7, s10  }
0xad: {  	s25 =	sshra.s32 s19, $0x18;
	s2 =	ssub.s32 @!p1 s22, s21;
	s11 =	sand.u32 $0xF, s29  }
0xae: {  	p2 =	seq.s32 s8, $0x9F;
	s22 =	sshrl.u32 s29, $0x4;
	s15 =	sshll.u32 s8, $0x10  }
0xaf: {  	p5 =	slt.s32 s25, $0x0;
	s2 =	sand.u32 @!p1 $0xFF, s2;
	p0 =	sne.s32 @!p2 s11, $0x0  }
0xb0: {  	p6 =	slt.u32 @!p2 s29, $0x2;
	s13 =	sshll.u32 @!p2 s22, $0xB;
	s16 =	sshra.s32 s15, $0x1F  }
0xb1: {  	s15 =	sand.u32 $0xFFFF, s8;
	p4 =	por p0, p2;
	p0 =	sgt.u32 s29, $0x8F  }
0xb2: {  	s2 =	sshll.u32 @!p1 s2, $0xB;
	s10 =	simm.s32 @!p0 $0x0;
	s12 =	sand.u32 @!p4 $0x1, s22  }
0xb3: {  	p3 =	sne.s32 @!p0 s11, $0x0;
	s10 =	simm.s32 @p0 $0x1;
	s21 =	sadd.s32 @!p4 $0x3, s12  }
0xb4: {  	s12 =	sshll.u32 @!p2 s11, $0x7;
	s11 =	simm.s32 @!p3 $0x0;
	p0 =	por !p6, p2  }
0xb5: {  	[smem:$0x7FA] =	sst s10;
	s10 =	sadd.s32 @!p1 $0x15000, s2;
	s2 =	sand.u32 @!p2 $0x800, s13  }
0xb6: {  	s11 =	simm.s32 @p3 $0x1;
	p3 =	slt.u32 s29, $0x2;
	s13 =	sshll.u32 s25, $0xB  }
0xb7: {  	s25 =	simm.s32 $0x1;
	[smem:$0x7F9] =	sst s11;
	s11 =	simm.s32 @!p0 $0x0  }
0xb8: {  	s2 =	sor.u32 @!p2 s12, s2;
	s11 =	simm.s32 @p0 $0x1;
	p0 =	seq.s32 s29, $0xA0  }
0xb9: {  	[smem:$0x7FB] =	sst s11;
	s11 =	sand.u32 $0xF, s16;
	s12 =	simm.s32 @!p0 $0x0  }
0xba: {  	s19 =	sadd.s32 $0x1800, s13;
	s12 =	simm.s32 @p0 $0x1;
	s11 =	sadd.s32 s11, s8  }
0xbb: {  	s13 =	smov.u32 @p5 s19;
	[smem:$0x7FC] =	sst s12;
	s11 =	sand.u32 $0xFFF0, s11  }
0xbc: {  	s12 =	sand.u32 $0x1, s30;
	s30 =	sshll.u32 s30, $0x7;
	p0 =	sne.s32 s15, s11  }
0xbd: {  	s15 =	sadd.s32 $0x1, s12;
	s16 =	sadd.s32 $0x5, s12;
	s12 =	sshll.u32 s12, $0xE  }
0xbe: {  	s19 =	sand.u32 $0x780, s30;
	s11 =	sshrl.u32 s11, $0x4;
	p0 =	por !p3, !p0  }
0xbf: {  	s12 =	sadd.s32 $0x16800, s12;
	_ =	swait.ge [sflag:s15], $0x3E80;
	p0 =	por !p0, !p0  }
0xc0: {  	s13 =	sor.u32 s19, s13;
	[sflag:s15] =	ssyncset.done $0x0;
	s25 =	simm.s32 @!p0 $0x0  }
0xc1: {  	[sflag:s15] =	ssyncadd.s32 $0xFFFFC180;
	s15 =	sadd.s32 $0x15000, s13;
	s19 =	ssub.s32 s11, s25  }
0xc2: {  	[spmem:s4] =	stream.indirect.scatter.add.f32 [tilespmem:s12], [sflag:s16], $0x80, s15, s23, $0xb8;
	[tilespmem:$0x1E800] =	vst v63  }
0xc3: {  	s12 =	simm.s32 @!p1 $0x0;
	s25 =	sshll.u32 s19, $0x18  }
0xc4: {  	[tilespmem:s20], [sflag:s3] =	stream.linear.gather @!p1 [hbm4b:s31+s12], $0x800, $0x38;
	[tilespmem:$0x1E800] =	vst v63  }
0xc5: {  	s11 =	sshra.s32 s25, $0x18  }
0xc6: {  	[tilespmem:s10], [sflag:s3] =	stream.linear.gather @!p1 [hbm4b:s24+s12], $0x800, $0x38;
	[tilespmem:$0x1E800] =	vst v63  }
0xc7: {  	p6 =	por p6, p2;
	s13 =	smul.u32 $0x56, s11;
	_ =	swait.ge @!p4 [sflag:s21], $0x800  }
0xc8: {  	s2 =	sor.u32 @!p2 $0x14000, s2;
	s30 =	smov.u32 s8;
	[sflag:s21] =	ssyncset.done @!p4 $0x0  }
0xc9: {  	s20 =	sshrl.u32 s13, $0x8;
	s16 =	sld [smem:$0x7FA];
	[sflag:s21] =	ssyncadd.s32 @!p4 $0xFFFFF800  }
0xca: {  	s3 =	sshrl.u32 s13, $0x1F;
	s15 =	sld [smem:$0x7F9];
	_ =	swait.ge @!p4 [sflag:s21], $0x800  }
0xcb: {  	s12 =	sand.u32 @!p6 $0x1, s29;
	s3 =	sadd.s32 s3, s20;
	[sflag:s21] =	ssyncset.done @!p4 $0x0  }
0xcc: {  	p5 =	seq.s32 s16, $0x1;
	s16 =	sadd.s32 @!p6 $0x5, s12;
	[sflag:s21] =	ssyncadd.s32 @!p4 $0xFFFFF800  }
0xcd: {  	s25 =	smul.u32 $0x3, s3;
	p3 =	seq.s32 s15, $0x1;
	_ =	swait.ge @!p6 [sflag:s16], $0x3E80  }
0xce: {  	s24 =	simm.s32 @!p2 $0x7D;
	p1 =	por p3, p5;
	s20 =	sld [smem:$0x7FB]  }
0xcf: {  	s21 =	ssub.s32 s19, s25;
	s22 =	sadd.s32 @!p1 $0x1, s22;
	s25 =	sld [smem:$0x7FC]  }
0xd0: {  	s3 =	smov.u32 s29;
	s19 =	sshll.u32 s21, $0x18;
	s11 =	sand.u32 @!p1 $0x1, s22  }
0xd1: {  	s10 =	sshll.u32 @!p1 s22, $0xB;
	s13 =	smul.u32 @!p1 $0xAB, s22;
	p0 =	seq.s32 s20, $0x1  }
0xd2: {  	[sflag:s16] =	ssyncset.done @!p6 $0x0;
	s3 =	smov.u32 @p0 s12;
	p0 =	seq.s32 s25, $0x1  }
.Ltmp5:
0xd3: {  	s10 =	sadd.s32 @!p1 s14, s10;
	s15 =	sshll.u32 @!p1 s11, $0xB;
	(pc) =	sbr.rel @!p0 .LBB2_3-.Ltmp5, $4  }
0xd4: {  	[sflag:s16] =	ssyncadd.s32 @!p6 $0xFFFFC180;
	s10 =	sshrl.u32 @!p1 s10, $0x3;
	s13 =	sshrl.u32 @!p1 s13, $0x9  }
0xd5: {  	s31 =	sadd.s32 @!p1 s6, s10;
	s13 =	sand.u32 @!p1 $0x7F, s13;
	s12 =	sshll.u32 @!p2 s3, $0xE  }
0xd6: {  	s8 =	sadd.s32 @!p2 $0x1, s3;
	s3 =	sadd.s32 @!p1 $0x3, s11;
	s11 =	sand.u32 @!p2 $0x3FFFC000, s12  }
0xd7: {  	s20 =	sor.u32 @!p1 $0x14000, s15;
	s21 =	smul.u32 @!p1 $0x3, s13;
	s11 =	sadd.s32 @!p2 $0x16800, s11  }
0xd8: {  	[tilespmem:s11], [sflag:s8] =	stream.indirect.gather @!p2 [hbm4b:s0+s24], $0x80, s2, s24, $0xb8;
	[tilespmem:$0x1E800] =	vst v63  }
0xd9: {  	s25 =	sand.u32 $0x1, s30;
	s29 =	sshra.s32 s19, $0x18;
	s16 =	sshll.u32 s30, $0x7  }
0xda: {  	s2 =	ssub.s32 @!p1 s22, s21;
	p0 =	slt.s32 s29, $0x0;
	s11 =	sshll.u32 s29, $0xB  }
0xdb: {  	s12 =	sadd.s32 $0x1, s25;
	s13 =	sadd.s32 $0x5, s25;
	s15 =	sadd.s32 $0x1800, s11  }
0xdc: {  	s30 =	sand.u32 $0x780, s16;
	_ =	swait.ge [sflag:s12], $0x3E80;
	s11 =	smov.u32 @p0 s15  }
0xdd: {  	s8 =	sshll.u32 s25, $0xE;
	[sflag:s12] =	ssyncset.done $0x0;
	s11 =	sor.u32 s30, s11  }
0xde: {  	s8 =	sadd.s32 $0x16800, s8;
	[sflag:s12] =	ssyncadd.s32 $0xFFFFC180;
	s11 =	sadd.s32 $0x15000, s11  }
0xdf: {  	[spmem:s4] =	stream.indirect.scatter.add.f32 [tilespmem:s8], [sflag:s13], $0x80, s11, s23, $0xb8;
	[tilespmem:$0x1E800] =	vst v63  }
.Ltmp6:
0xe0: {  	s2 =	sand.u32 @!p1 $0xFF, s2;
	(pc) =	sbr.rel .LBB2_8-.Ltmp6, $4  }
0xe1: {  	s2 =	sshll.u32 @!p1 s2, $0xB;
	s8 =	simm.s32 @!p1 $0x0  }
0xe2: {  	[tilespmem:s20], [sflag:s3] =	stream.linear.gather @!p1 [hbm4b:s31+s8], $0x800, $0x38;
	[tilespmem:$0x1E800] =	vst v63  }
0xe3: {  	s10 =	sadd.s32 @!p1 s7, s10;
	s2 =	sadd.s32 @!p1 $0x15000, s2  }
0xe4: {  	[tilespmem:s2], [sflag:s3] =	stream.linear.gather @!p1 [hbm4b:s10+s8], $0x800, $0x38;
	[tilespmem:$0x1E800] =	vst v63  }
.LBB2_9:
0xe5: {  	_ =	sfence.sel $0x180000  }
0xe6: {  	[bflag:$0x0] =	sbarrier.arrive $0xFFFF  }
0xe7: {  	_ =	strace $0x90000047  }
0xe8: {  	s0 =	stileid.u32;
	[bflag:$0x2] =	sbarrier.arrive $0xFFFF  }
0xe9: {  	p0 =	sne.s32 s0, $0x0;
	s0 =	rddreg [dreg:$0x4]  }
0xea: {  	s0 =	sadd.s32 @!p0 $0x100000, s0  }
0xeb: {  	[sflag:s0] =	ssyncadd.tile.s32 @!p0 $0x1;
	_ =	shalt  }
.Lfunc_end2:
_tile_overlayer_lowered:
.L_overlay_start_2:
0xec: {  	(tag) =	ssettag $0x2  }
0xed: {  	s0 =	rddreg [dreg:$0x0];
	s2 =	stileid.u32  }
0xee: {  	s1 =	rddreg [dreg:$0x1];
	p0 =	sne.s32 s2, $0x0  }
0xef: {  	s3 =	rddreg [dreg:$0x2];
	[bflag:$0x3] =	sbarrier.arrive $0xFFFF;
	s2 =	simm.s32 @!p0 $0x1C07  }
0xf0: {  	[timem:s3], [sflag:s2] =	dma.local @!p0 [hbm:s0], s1  }
0xf1: {  	s0 =	simm.s32 @!p0 $0x7  }
0xf2: {  	_ =	swait.ge @!p0 [sflag:s0], s1  }
0xf3: {  	s1 =	ssub.s32 @!p0 $0x0, s1;
	[sflag:s0] =	ssyncset.done @!p0 $0x0  }
0xf4: {  	[sflag:s0] =	ssyncadd.s32 @!p0 s1  }
0xf5: {  	[bflag:$0x3] =	sbarrier.arrive $0xFFFF  }
0xf6: {  	_ =	shalt  }

</sc_bundles>
